<compile_context>
chip_gen: v7x
topology: tpu7x:2x2x1
jax: 0.10.2.dev20260603
libtpu: 0.0.44.dev20260713+nightly
codegen_flags: <defaults>
</compile_context>

<pallas_src>
import functools

import jax
import jax.numpy as jnp
from jax import lax
from jax.experimental import pallas as pl
from jax.experimental.pallas import tpu as pltpu
from jax.experimental.pallas import tpu_sc as plsc

N = 100000
E = 6400000
TEMPERATURE = 1.0
INIT_R = 0.9
DECAY_INTERVAL = 10
DECAY_R = 0.1
FINAL_R = 0.5

NPAD = 102400
TC_ROWS = NPAD // 128


def _tc_body(r_ref, logits_ref, noise_ref, attn_out_ref, loss_ref):
    x = logits_ref[...]
    nz = noise_ref[...]
    r = r_ref[0, 0]
    random_noise = jnp.log(nz) - jnp.log(1.0 - nz)
    node_attn = jax.nn.sigmoid((x + random_noise) / TEMPERATURE)
    na16 = jax.lax.bitcast_convert_type(
        node_attn.astype(jnp.bfloat16), jnp.uint16
    ).astype(jnp.uint32)
    lo = na16[: TC_ROWS // 2]
    hi = na16[TC_ROWS // 2 :]
    attn_out_ref[...] = jax.lax.bitcast_convert_type(
        lo | (hi << 16), jnp.int32
    )
    attn = jax.nn.sigmoid(x)
    il = attn * jnp.log(attn / r + 1e-06) + (1.0 - attn) * jnp.log(
        (1.0 - attn) / (1.0 - r + 1e-06) + 1e-06
    )
    row = lax.broadcasted_iota(jnp.int32, (TC_ROWS, 128), 0)
    col = lax.broadcasted_iota(jnp.int32, (TC_ROWS, 128), 1)
    valid = row * 128 + col < N
    il = jnp.where(valid, il, 0.0)
    loss_ref[0, 0] = jnp.sum(il) * (1.0 / N)


def _node_attn_and_loss(logits2d, noise2d, r2d):
    return pl.pallas_call(
        _tc_body,
        out_shape=(
            jax.ShapeDtypeStruct((TC_ROWS // 2, 128), jnp.int32),
            jax.ShapeDtypeStruct((1, 1), jnp.float32),
        ),
        in_specs=[
            pl.BlockSpec(memory_space=pltpu.SMEM),
            pl.BlockSpec(memory_space=pltpu.VMEM),
            pl.BlockSpec(memory_space=pltpu.VMEM),
        ],
        out_specs=(
            pl.BlockSpec(memory_space=pltpu.VMEM),
            pl.BlockSpec(memory_space=pltpu.SMEM),
        ),
    )(r2d, logits2d, noise2d)


NUM_WORKERS = 32
TILES = E // 128
TPC = 100
CHUNK = TPC * 128
N_FULL_CHUNKS = TILES // TPC
MAX_PAIRS = (N_FULL_CHUNKS // NUM_WORKERS + 2) // 2
UNROLL = 4
HALF = NPAD // 2


def _lookup(table_v, idx):
    ge = idx >= HALF
    w = jnp.where(ge, idx - HALF, idx)
    g = plsc.load_gather(table_v, [w])
    sh = jnp.where(ge, 16, 0)
    return plsc.bitcast((g >> sh) << 16, jnp.float32)


def _gather_mul(table_v, ebuf, ov, ntiles, unroll):
    @plsc.parallel_loop(0, ntiles, unroll=unroll)
    def _(i):
        for p in range(8):
            s_idx = ebuf[i, 0, pl.ds(p * 16, 16)]
            d_idx = ebuf[i, 1, pl.ds(p * 16, 16)]
            sa = _lookup(table_v, s_idx)
            da = _lookup(table_v, d_idx)
            ov[pl.ds(i * 128 + p * 16, 16)] = sa * da


def _sc_body(table_hbm, edges_hbm, out_hbm, table_v, e0, e1, o0, o1,
             sin0, sin1, sout0, sout1):
    wid = lax.axis_index("s") * 2 + lax.axis_index("c")
    ebufs = (e0, e1)
    outs = (o0, o1)
    sin = (sin0, sin1)
    sout = (sout0, sout1)
    nc = (N_FULL_CHUNKS - wid + NUM_WORKERS - 1) // NUM_WORKERS

    def start_in(ci, b):
        toff = (wid + ci * NUM_WORKERS) * TPC
        pltpu.make_async_copy(
            edges_hbm.at[pl.ds(toff, TPC)], ebufs[b], sin[b]
        ).start()

    def wait_in(b):
        pltpu.make_async_copy(
            edges_hbm.at[pl.ds(0, TPC)], ebufs[b], sin[b]
        ).wait()

    def start_out(ci, b):
        off = (wid + ci * NUM_WORKERS) * CHUNK
        pltpu.make_async_copy(
            outs[b], out_hbm.at[pl.ds(off, CHUNK)], sout[b]
        ).start()

    def wait_out(b):
        pltpu.make_async_copy(
            outs[b], out_hbm.at[pl.ds(0, CHUNK)], sout[b]
        ).wait()

    def compute(b):
        _gather_mul(table_v, ebufs[b], outs[b], TPC, UNROLL)

    start_in(0, 0)
    pltpu.sync_copy(table_hbm, table_v)

    def pair_body(pi, _):
        c0 = pi * 2
        c1 = c0 + 1

        @pl.when(c1 < nc)
        def _():
            start_in(c1, 1)

        @pl.when(c0 < nc)
        def _():
            wait_in(0)

            @pl.when(pi > 0)
            def _():
                wait_out(0)

            compute(0)
            start_out(c0, 0)

        @pl.when(c0 + 2 < nc)
        def _():
            start_in(c0 + 2, 0)

        @pl.when(c1 < nc)
        def _():
            wait_in(1)

            @pl.when(pi > 0)
            def _():
                wait_out(1)

            compute(1)
            start_out(c1, 1)

        return 0

    lax.fori_loop(0, MAX_PAIRS, pair_body, 0)
    wait_out(0)
    wait_out(1)


_sc_gather = functools.partial(
    pl.kernel,
    out_type=jax.ShapeDtypeStruct((E,), jnp.float32),
    mesh=plsc.VectorSubcoreMesh(core_axis_name="c", subcore_axis_name="s"),
    compiler_params=pltpu.CompilerParams(needs_layout_passes=False),
    scratch_types=[
        pltpu.VMEM((HALF,), jnp.int32),
        pltpu.VMEM((TPC, 2, 128), jnp.int32),
        pltpu.VMEM((TPC, 2, 128), jnp.int32),
        pltpu.VMEM((CHUNK,), jnp.float32),
        pltpu.VMEM((CHUNK,), jnp.float32),
        pltpu.SemaphoreType.DMA,
        pltpu.SemaphoreType.DMA,
        pltpu.SemaphoreType.DMA,
        pltpu.SemaphoreType.DMA,
    ],
)(_sc_body)


def kernel(attn_log_logits, noise, edge_index, epoch):
    r = jnp.maximum(
        INIT_R - (epoch // DECAY_INTERVAL) * DECAY_R, FINAL_R
    ).astype(jnp.float32)
    r2d = r.reshape(1, 1)
    logits_flat = attn_log_logits.reshape(-1)
    noise_flat = noise.reshape(-1)
    logits2d = jnp.pad(logits_flat, (0, NPAD - N)).reshape(TC_ROWS, 128)
    noise2d = jnp.pad(noise_flat, (0, NPAD - N), constant_values=0.5).reshape(
        TC_ROWS, 128
    )
    attn2d, loss11 = _node_attn_and_loss(logits2d, noise2d, r2d)
    table = attn2d.reshape(-1)
    edges3d = edge_index.reshape(2, E // 128, 128).transpose(1, 0, 2)
    edge_attn = _sc_gather(table, edges3d)
    return edge_attn.reshape(E, 1), loss11[0, 0]

# --- scband reference (transcript-rebuilt; emitter-appended) ---
"""Pipeline reference for scband-lribern-55104430408145 (READ-ONLY COPY).

The authoritative reference and input builder live on the scoring server;
editing this copy changes nothing except your own understanding.
"""

import jax, jax.numpy as jnp
import numpy as np

N = 100000
E = 6400000
TEMPERATURE = 1.0
INIT_R = 0.9
DECAY_INTERVAL = 10
DECAY_R = 0.1
FINAL_R = 0.5


def setup_inputs(seed: int = 0) -> dict:
    key = jax.random.key(seed)
    k1, k2, k3 = jax.random.split(key, 3)
    attn_log_logits = jax.random.normal(k1, (N, 1), dtype=jnp.float32)
    # uniform noise in (1e-10, 1 - 1e-10), matching torch.empty_like(...).uniform_(1e-10, 1-1e-10)
    noise = jax.random.uniform(k2, (N, 1), dtype=jnp.float32, minval=1e-10, maxval=1.0 - 1e-10)
    edge_index = jax.random.randint(k3, (2, E), 0, N, dtype=jnp.int32)
    epoch = 5
    return {"attn_log_logits": attn_log_logits, "noise": noise, "edge_index": edge_index, "epoch": epoch}


def reference(attn_log_logits, noise, edge_index, epoch):
    # get_r(epoch)
    r = INIT_R - (epoch // DECAY_INTERVAL) * DECAY_R
    r = jnp.maximum(r, FINAL_R)
    # sampling (concrete Bernoulli / gumbel-sigmoid reparameterization)
    random_noise = jnp.log(noise) - jnp.log(1.0 - noise)
    node_attn = jax.nn.sigmoid((attn_log_logits + random_noise) / TEMPERATURE)
    # node_attn_to_edge_attn: gather node attention to edges (SparseCore gather)
    src_attn = jnp.take(node_attn, edge_index[0], axis=0)
    dst_attn = jnp.take(node_attn, edge_index[1], axis=0)
    edge_attn = src_attn * dst_attn
    # info loss on sigmoid of raw logits
    attn = jax.nn.sigmoid(attn_log_logits)
    info_loss = (attn * jnp.log(attn / r + 1e-06) + (1.0 - attn) * jnp.log((1.0 - attn) / (1.0 - r + 1e-06) + 1e-06)).mean()
    return edge_attn, info_loss

if __name__ == "__main__":
    import jax
    _d = setup_inputs()
    print(jax.jit(kernel)(*tuple(_d.values())))

</pallas_src>

<mosaic_0001>
#map = affine_map<(d0, d1) -> (0)>
#map1 = affine_map<(d0, d1) -> (0, 0, 0)>
module attributes {stable_mosaic.version = 14 : i64} {
  func.func @_sc_body(%arg0: i32, %arg1: i32, %arg2: memref<51200xi32, #tpu.memory_space<hbm>>, %arg3: memref<50000x2x128xi32, #tpu.memory_space<hbm>>, %arg4: memref<6400000xf32, #tpu.memory_space<hbm>>, %arg5: memref<51200xi32, #tpu.memory_space<vmem>>, %arg6: memref<100x2x128xi32, #tpu.memory_space<vmem>>, %arg7: memref<100x2x128xi32, #tpu.memory_space<vmem>>, %arg8: memref<12800xf32, #tpu.memory_space<vmem>>, %arg9: memref<12800xf32, #tpu.memory_space<vmem>>, %arg10: memref<!tpu.dma_semaphore, #tpu.memory_space<semaphore_mem>>, %arg11: memref<!tpu.dma_semaphore, #tpu.memory_space<semaphore_mem>>, %arg12: memref<!tpu.dma_semaphore, #tpu.memory_space<semaphore_mem>>, %arg13: memref<!tpu.dma_semaphore, #tpu.memory_space<semaphore_mem>>) attributes {dimension_semantics = [#tpu.dimension_semantics<core_parallel>, #tpu.dimension_semantics<subcore_parallel>], iteration_bounds = array<i64: 2, 16>, scalar_prefetch = 0 : i64, scratch_operands = 9 : i64, tpu.core_type = #tpu.core_type<sc_vector_subcore>, window_params = [{transform_indices = #map}, {transform_indices = #map1}, {transform_indices = #map}]} {
    %mul3A = arith.constant 2 : i32
    %mul3A_0 = arith.muli %arg1, %mul3A : i32
    %add3A = arith.addi %mul3A_0, %arg0 : i32
    %sub3A = arith.constant 500 : i32
    %sub3A_1 = arith.subi %sub3A, %add3A : i32
    %add3A_2 = arith.constant 32 : i32
    %add3A_3 = arith.addi %sub3A_1, %add3A_2 : i32
    %sub3A_4 = arith.constant 1 : i32
    %sub3A_5 = arith.subi %add3A_3, %sub3A_4 : i32
    %jit3A = arith.constant 32 : i32
    %div3A = arith.divsi %sub3A_5, %jit3A : i32
    %sign3A = arith.constant 0 : i32
    %sign3A_6 = arith.cmpi sgt, %sub3A_5, %sign3A : i32
    %sign3A_7 = arith.extui %sign3A_6 : i1 to i32
    %sign3A_8 = arith.constant 0 : i32
    %sign3A_9 = arith.cmpi slt, %sub3A_5, %sign3A_8 : i32
    %sign3A_10 = arith.extui %sign3A_9 : i1 to i32
    %sign3A_11 = arith.subi %sign3A_7, %sign3A_10 : i32
    %sign3A_12 = arith.constant 0 : i32
    %sign3A_13 = arith.cmpi sgt, %jit3A, %sign3A_12 : i32
    %sign3A_14 = arith.extui %sign3A_13 : i1 to i32
    %sign3A_15 = arith.constant 0 : i32
    %sign3A_16 = arith.cmpi slt, %jit3A, %sign3A_15 : i32
    %sign3A_17 = arith.extui %sign3A_16 : i1 to i32
    %sign3A_18 = arith.subi %sign3A_14, %sign3A_17 : i32
    %ne3A = arith.cmpi ne, %sign3A_11, %sign3A_18 : i32
    %rem3A = arith.remsi %sub3A_5, %jit3A : i32
    %ne3A_19 = arith.constant 0 : i32
    %ne3A_20 = arith.cmpi ne, %rem3A, %ne3A_19 : i32
    %and3A = arith.andi %ne3A, %ne3A_20 : i1
    %sub3A_21 = arith.constant 1 : i32
    %sub3A_22 = arith.subi %div3A, %sub3A_21 : i32
    %select_n3A = arith.select %and3A, %sub3A_22, %div3A : i32
    %add3A_23 = arith.constant 0 : i32
    %add3A_24 = arith.addi %add3A, %add3A_23 : i32
    %mul3A_25 = arith.constant 100 : i32
    %mul3A_26 = arith.muli %add3A_24, %mul3A_25 : i32
    %dma_start3A = arith.constant 0 : i32
    %dma_start3A_27 = arith.constant 0 : i32
    %dma_start3A_28 = tpu.memref_slice %arg3[%mul3A_26, %dma_start3A, %dma_start3A_27] : memref<50000x2x128xi32, #tpu.memory_space<hbm>> -> memref<100x2x128xi32, #tpu.memory_space<hbm>>
    %dma_start3A_29 = arith.constant 0 : i32
    %dma_start3A_30 = arith.constant 0 : i32
    %dma_start3A_31 = tpu.memref_slice %arg3[%mul3A_26, %dma_start3A_29, %dma_start3A_30] : memref<50000x2x128xi32, #tpu.memory_space<hbm>> -> memref<100x2x128xi32, #tpu.memory_space<hbm>>
    tpu.enqueue_dma source(%dma_start3A_31 : memref<100x2x128xi32, #tpu.memory_space<hbm>>) target(%arg6 : memref<100x2x128xi32, #tpu.memory_space<vmem>>) target_semaphore(%arg10 : memref<!tpu.dma_semaphore, #tpu.memory_space<semaphore_mem>>)
    "tpu.region"() ({
      %run_scoped3A = tpu.sem_alloc : memref<!tpu.dma_semaphore, #tpu.memory_space<semaphore_mem>>
      tpu.enqueue_dma source(%arg2 : memref<51200xi32, #tpu.memory_space<hbm>>) target(%arg5 : memref<51200xi32, #tpu.memory_space<vmem>>) target_semaphore(%run_scoped3A : memref<!tpu.dma_semaphore, #tpu.memory_space<semaphore_mem>>)
      tpu.wait_dma2 semaphore(%run_scoped3A : memref<!tpu.dma_semaphore, #tpu.memory_space<semaphore_mem>>) src(%arg2 : memref<51200xi32, #tpu.memory_space<hbm>>) dst(%arg5 : memref<51200xi32, #tpu.memory_space<vmem>>)
      tpu.yield
    }) : () -> ()
    %scan3A = arith.constant 0 : i32
    %scan3A_32 = arith.constant 0 : i32
    %scan3A_33 = arith.constant 8 : i32
    %scan3A_34 = arith.addi %scan3A_32, %scan3A_33 : i32
    %scan3A_35 = arith.constant 1 : i32
    %scan3A_36 = scf.for %scan3A_45 = %scan3A_32 to %scan3A_34 step %scan3A_35 iter_args(%scan3A_46 = %scan3A) -> (i32)  : i32 {
      %mul3A_47 = arith.constant 2 : i32
      %mul3A_48 = arith.muli %scan3A_45, %mul3A_47 : i32
      %add3A_49 = arith.constant 1 : i32
      %add3A_50 = arith.addi %mul3A_48, %add3A_49 : i32
      %lt3A = arith.cmpi slt, %add3A_50, %select_n3A : i32
      %convert_element_type3A = arith.extui %lt3A : i1 to i32
      %cond3A = arith.constant 0 : i32
      %cond3A_51 = arith.cmpi ne, %convert_element_type3A, %cond3A : i32
      scf.if %cond3A_51 {
        %mul3A_67 = arith.constant 32 : i32
        %mul3A_68 = arith.muli %add3A_50, %mul3A_67 : i32
        %add3A_69 = arith.addi %add3A, %mul3A_68 : i32
        %mul3A_70 = arith.constant 100 : i32
        %mul3A_71 = arith.muli %add3A_69, %mul3A_70 : i32
        %dma_start3A_72 = arith.constant 0 : i32
        %dma_start3A_73 = arith.constant 0 : i32
        %dma_start3A_74 = tpu.memref_slice %arg3[%mul3A_71, %dma_start3A_72, %dma_start3A_73] : memref<50000x2x128xi32, #tpu.memory_space<hbm>> -> memref<100x2x128xi32, #tpu.memory_space<hbm>>
        %dma_start3A_75 = arith.constant 0 : i32
        %dma_start3A_76 = arith.constant 0 : i32
        %dma_start3A_77 = tpu.memref_slice %arg3[%mul3A_71, %dma_start3A_75, %dma_start3A_76] : memref<50000x2x128xi32, #tpu.memory_space<hbm>> -> memref<100x2x128xi32, #tpu.memory_space<hbm>>
        tpu.enqueue_dma source(%dma_start3A_77 : memref<100x2x128xi32, #tpu.memory_space<hbm>>) target(%arg7 : memref<100x2x128xi32, #tpu.memory_space<vmem>>) target_semaphore(%arg11 : memref<!tpu.dma_semaphore, #tpu.memory_space<semaphore_mem>>)
      } else {
      }
      %lt3A_52 = arith.cmpi slt, %mul3A_48, %select_n3A : i32
      %convert_element_type3A_53 = arith.extui %lt3A_52 : i1 to i32
      %cond3A_54 = arith.constant 0 : i32
      %cond3A_55 = arith.cmpi ne, %convert_element_type3A_53, %cond3A_54 : i32
      scf.if %cond3A_55 {
        %dma_wait3A_67 = arith.constant 0 : i32
        %dma_wait3A_68 = arith.constant 0 : i32
        %dma_wait3A_69 = arith.constant 0 : i32
        %dma_wait3A_70 = tpu.memref_slice %arg3[%dma_wait3A_67, %dma_wait3A_68, %dma_wait3A_69] : memref<50000x2x128xi32, #tpu.memory_space<hbm>> -> memref<100x2x128xi32, #tpu.memory_space<hbm>>
        %dma_wait3A_71 = arith.constant 0 : i32
        %dma_wait3A_72 = arith.constant 0 : i32
        %dma_wait3A_73 = arith.constant 0 : i32
        %dma_wait3A_74 = tpu.memref_slice %arg3[%dma_wait3A_71, %dma_wait3A_72, %dma_wait3A_73] : memref<50000x2x128xi32, #tpu.memory_space<hbm>> -> memref<100x2x128xi32, #tpu.memory_space<hbm>>
        tpu.wait_dma2 semaphore(%arg10 : memref<!tpu.dma_semaphore, #tpu.memory_space<semaphore_mem>>) src(%dma_wait3A_74 : memref<100x2x128xi32, #tpu.memory_space<hbm>>) dst(%arg6 : memref<100x2x128xi32, #tpu.memory_space<vmem>>)
        %gt3A = arith.constant 0 : i32
        %gt3A_75 = arith.cmpi sgt, %scan3A_45, %gt3A : i32
        %convert_element_type3A_76 = arith.extui %gt3A_75 : i1 to i32
        %cond3A_77 = arith.constant 0 : i32
        %cond3A_78 = arith.cmpi ne, %convert_element_type3A_76, %cond3A_77 : i32
        scf.if %cond3A_78 {
          %dma_wait3A_88 = arith.constant 0 : i32
          %dma_wait3A_89 = tpu.memref_slice %arg4[%dma_wait3A_88] : memref<6400000xf32, #tpu.memory_space<hbm>> -> memref<12800xf32, #tpu.memory_space<hbm>>
          %dma_wait3A_90 = arith.constant 0 : i32
          %dma_wait3A_91 = tpu.memref_slice %arg4[%dma_wait3A_90] : memref<6400000xf32, #tpu.memory_space<hbm>> -> memref<12800xf32, #tpu.memory_space<hbm>>
          tpu.wait_dma2 semaphore(%arg12 : memref<!tpu.dma_semaphore, #tpu.memory_space<semaphore_mem>>) src(%arg8 : memref<12800xf32, #tpu.memory_space<vmem>>) dst(%dma_wait3A_91 : memref<12800xf32, #tpu.memory_space<hbm>>)
        } else {
        }
        %parallel_loop3A = arith.constant 0 : i32
        %parallel_loop3A_79 = arith.constant 100 : i32
        %parallel_loop3A_80 = arith.constant 1 : i32
        scf.for %parallel_loop3A_88 = %parallel_loop3A to %parallel_loop3A_79 step %parallel_loop3A_80  : i32 {
          %parallel_loop3A_89 = arith.constant 0 : i32
          %parallel_loop3A_90 = arith.index_cast %parallel_loop3A_88 : i32 to index
          %parallel_loop3A_91 = arith.index_cast %parallel_loop3A_89 : i32 to index
          %parallel_loop3A_92 = arith.constant 0 : index
          %parallel_loop3A_93 = tpu.vector_load %arg6[%parallel_loop3A_90, %parallel_loop3A_91, %parallel_loop3A_92] {strides = array<i32>} : memref<100x2x128xi32, #tpu.memory_space<vmem>>, vector<16xi32>,
          %parallel_loop3A_94 = arith.constant 1 : i32
          %parallel_loop3A_95 = arith.index_cast %parallel_loop3A_88 : i32 to index
          %parallel_loop3A_96 = arith.index_cast %parallel_loop3A_94 : i32 to index
          %parallel_loop3A_97 = arith.constant 0 : index
          %parallel_loop3A_98 = tpu.vector_load %arg6[%parallel_loop3A_95, %parallel_loop3A_96, %parallel_loop3A_97] {strides = array<i32>} : memref<100x2x128xi32, #tpu.memory_space<vmem>>, vector<16xi32>,
          %parallel_loop3A_99 = arith.constant 51200 : i32
          %parallel_loop3A_100 = vector.broadcast %parallel_loop3A_99 : i32 to vector<16xi32>
          %parallel_loop3A_101 = arith.cmpi sge, %parallel_loop3A_93, %parallel_loop3A_100 : vector<16xi32>
          %parallel_loop3A_102 = arith.constant 51200 : i32
          %parallel_loop3A_103 = vector.broadcast %parallel_loop3A_102 : i32 to vector<16xi32>
          %parallel_loop3A_104 = arith.subi %parallel_loop3A_93, %parallel_loop3A_103 : vector<16xi32>
          %parallel_loop3A_105 = arith.select %parallel_loop3A_101, %parallel_loop3A_104, %parallel_loop3A_93 : vector<16xi1>, vector<16xi32>
          %parallel_loop3A_106 = tpu.vector_load_idx %arg5[%parallel_loop3A_105] : memref<51200xi32, #tpu.memory_space<vmem>>[vector<16xi32>], vector<16xi32>,
          %parallel_loop3A_107 = arith.constant 16 : i32
          %parallel_loop3A_108 = arith.constant 0 : i32
          %parallel_loop3A_109 = vector.broadcast %parallel_loop3A_107 : i32 to vector<16xi32>
          %parallel_loop3A_110 = vector.broadcast %parallel_loop3A_108 : i32 to vector<16xi32>
          %parallel_loop3A_111 = arith.select %parallel_loop3A_101, %parallel_loop3A_109, %parallel_loop3A_110 : vector<16xi1>, vector<16xi32>
          %parallel_loop3A_112 = arith.shrsi %parallel_loop3A_106, %parallel_loop3A_111 : vector<16xi32>
          %parallel_loop3A_113 = arith.constant 16 : i32
          %parallel_loop3A_114 = vector.broadcast %parallel_loop3A_113 : i32 to vector<16xi32>
          %parallel_loop3A_115 = arith.shli %parallel_loop3A_112, %parallel_loop3A_114 : vector<16xi32>
          %parallel_loop3A_116 = vector.bitcast %parallel_loop3A_115 : vector<16xi32> to vector<16xf32>
          %parallel_loop3A_117 = arith.constant 51200 : i32
          %parallel_loop3A_118 = vector.broadcast %parallel_loop3A_117 : i32 to vector<16xi32>
          %parallel_loop3A_119 = arith.cmpi sge, %parallel_loop3A_98, %parallel_loop3A_118 : vector<16xi32>
          %parallel_loop3A_120 = arith.constant 51200 : i32
          %parallel_loop3A_121 = vector.broadcast %parallel_loop3A_120 : i32 to vector<16xi32>
          %parallel_loop3A_122 = arith.subi %parallel_loop3A_98, %parallel_loop3A_121 : vector<16xi32>
          %parallel_loop3A_123 = arith.select %parallel_loop3A_119, %parallel_loop3A_122, %parallel_loop3A_98 : vector<16xi1>, vector<16xi32>
          %parallel_loop3A_124 = tpu.vector_load_idx %arg5[%parallel_loop3A_123] : memref<51200xi32, #tpu.memory_space<vmem>>[vector<16xi32>], vector<16xi32>,
          %parallel_loop3A_125 = arith.constant 16 : i32
          %parallel_loop3A_126 = arith.constant 0 : i32
          %parallel_loop3A_127 = vector.broadcast %parallel_loop3A_125 : i32 to vector<16xi32>
          %parallel_loop3A_128 = vector.broadcast %parallel_loop3A_126 : i32 to vector<16xi32>
          %parallel_loop3A_129 = arith.select %parallel_loop3A_119, %parallel_loop3A_127, %parallel_loop3A_128 : vector<16xi1>, vector<16xi32>
          %parallel_loop3A_130 = arith.shrsi %parallel_loop3A_124, %parallel_loop3A_129 : vector<16xi32>
          %parallel_loop3A_131 = arith.constant 16 : i32
          %parallel_loop3A_132 = vector.broadcast %parallel_loop3A_131 : i32 to vector<16xi32>
          %parallel_loop3A_133 = arith.shli %parallel_loop3A_130, %parallel_loop3A_132 : vector<16xi32>
          %parallel_loop3A_134 = vector.bitcast %parallel_loop3A_133 : vector<16xi32> to vector<16xf32>
          %parallel_loop3A_135 = arith.mulf %parallel_loop3A_116, %parallel_loop3A_134 : vector<16xf32>
          %parallel_loop3A_136 = arith.constant 128 : i32
          %parallel_loop3A_137 = arith.muli %parallel_loop3A_88, %parallel_loop3A_136 : i32
          %parallel_loop3A_138 = arith.constant 0 : i32
          %parallel_loop3A_139 = arith.addi %parallel_loop3A_137, %parallel_loop3A_138 : i32
          %parallel_loop3A_140 = arith.index_cast %parallel_loop3A_139 : i32 to index
          %parallel_loop3A_141 = tpu.vector_load %arg8[%parallel_loop3A_140] {strides = array<i32>} : memref<12800xf32, #tpu.memory_space<vmem>>, vector<16xf32>,
          tpu.vector_store %arg8[%parallel_loop3A_140], %parallel_loop3A_135 {strides = array<i32>} : memref<12800xf32, #tpu.memory_space<vmem>>, vector<16xf32>,
          %parallel_loop3A_142 = arith.constant 0 : i32
          %parallel_loop3A_143 = arith.index_cast %parallel_loop3A_88 : i32 to index
          %parallel_loop3A_144 = arith.index_cast %parallel_loop3A_142 : i32 to index
          %parallel_loop3A_145 = arith.constant 16 : index
          %parallel_loop3A_146 = tpu.vector_load %arg6[%parallel_loop3A_143, %parallel_loop3A_144, %parallel_loop3A_145] {strides = array<i32>} : memref<100x2x128xi32, #tpu.memory_space<vmem>>, vector<16xi32>,
          %parallel_loop3A_147 = arith.constant 1 : i32
          %parallel_loop3A_148 = arith.index_cast %parallel_loop3A_88 : i32 to index
          %parallel_loop3A_149 = arith.index_cast %parallel_loop3A_147 : i32 to index
          %parallel_loop3A_150 = arith.constant 16 : index
          %parallel_loop3A_151 = tpu.vector_load %arg6[%parallel_loop3A_148, %parallel_loop3A_149, %parallel_loop3A_150] {strides = array<i32>} : memref<100x2x128xi32, #tpu.memory_space<vmem>>, vector<16xi32>,
          %parallel_loop3A_152 = arith.constant 51200 : i32
          %parallel_loop3A_153 = vector.broadcast %parallel_loop3A_152 : i32 to vector<16xi32>
          %parallel_loop3A_154 = arith.cmpi sge, %parallel_loop3A_146, %parallel_loop3A_153 : vector<16xi32>
          %parallel_loop3A_155 = arith.constant 51200 : i32
          %parallel_loop3A_156 = vector.broadcast %parallel_loop3A_155 : i32 to vector<16xi32>
          %parallel_loop3A_157 = arith.subi %parallel_loop3A_146, %parallel_loop3A_156 : vector<16xi32>
          %parallel_loop3A_158 = arith.select %parallel_loop3A_154, %parallel_loop3A_157, %parallel_loop3A_146 : vector<16xi1>, vector<16xi32>
          %parallel_loop3A_159 = tpu.vector_load_idx %arg5[%parallel_loop3A_158] : memref<51200xi32, #tpu.memory_space<vmem>>[vector<16xi32>], vector<16xi32>,
          %parallel_loop3A_160 = arith.constant 16 : i32
          %parallel_loop3A_161 = arith.constant 0 : i32
          %parallel_loop3A_162 = vector.broadcast %parallel_loop3A_160 : i32 to vector<16xi32>
          %parallel_loop3A_163 = vector.broadcast %parallel_loop3A_161 : i32 to vector<16xi32>
          %parallel_loop3A_164 = arith.select %parallel_loop3A_154, %parallel_loop3A_162, %parallel_loop3A_163 : vector<16xi1>, vector<16xi32>
          %parallel_loop3A_165 = arith.shrsi %parallel_loop3A_159, %parallel_loop3A_164 : vector<16xi32>
          %parallel_loop3A_166 = arith.constant 16 : i32
          %parallel_loop3A_167 = vector.broadcast %parallel_loop3A_166 : i32 to vector<16xi32>
          %parallel_loop3A_168 = arith.shli %parallel_loop3A_165, %parallel_loop3A_167 : vector<16xi32>
          %parallel_loop3A_169 = vector.bitcast %parallel_loop3A_168 : vector<16xi32> to vector<16xf32>
          %parallel_loop3A_170 = arith.constant 51200 : i32
          %parallel_loop3A_171 = vector.broadcast %parallel_loop3A_170 : i32 to vector<16xi32>
          %parallel_loop3A_172 = arith.cmpi sge, %parallel_loop3A_151, %parallel_loop3A_171 : vector<16xi32>
          %parallel_loop3A_173 = arith.constant 51200 : i32
          %parallel_loop3A_174 = vector.broadcast %parallel_loop3A_173 : i32 to vector<16xi32>
          %parallel_loop3A_175 = arith.subi %parallel_loop3A_151, %parallel_loop3A_174 : vector<16xi32>
          %parallel_loop3A_176 = arith.select %parallel_loop3A_172, %parallel_loop3A_175, %parallel_loop3A_151 : vector<16xi1>, vector<16xi32>
          %parallel_loop3A_177 = tpu.vector_load_idx %arg5[%parallel_loop3A_176] : memref<51200xi32, #tpu.memory_space<vmem>>[vector<16xi32>], vector<16xi32>,
          %parallel_loop3A_178 = arith.constant 16 : i32
          %parallel_loop3A_179 = arith.constant 0 : i32
          %parallel_loop3A_180 = vector.broadcast %parallel_loop3A_178 : i32 to vector<16xi32>
          %parallel_loop3A_181 = vector.broadcast %parallel_loop3A_179 : i32 to vector<16xi32>
          %parallel_loop3A_182 = arith.select %parallel_loop3A_172, %parallel_loop3A_180, %parallel_loop3A_181 : vector<16xi1>, vector<16xi32>
          %parallel_loop3A_183 = arith.shrsi %parallel_loop3A_177, %parallel_loop3A_182 : vector<16xi32>
          %parallel_loop3A_184 = arith.constant 16 : i32
          %parallel_loop3A_185 = vector.broadcast %parallel_loop3A_184 : i32 to vector<16xi32>
          %parallel_loop3A_186 = arith.shli %parallel_loop3A_183, %parallel_loop3A_185 : vector<16xi32>
          %parallel_loop3A_187 = vector.bitcast %parallel_loop3A_186 : vector<16xi32> to vector<16xf32>
          %parallel_loop3A_188 = arith.mulf %parallel_loop3A_169, %parallel_loop3A_187 : vector<16xf32>
          %parallel_loop3A_189 = arith.constant 128 : i32
          %parallel_loop3A_190 = arith.muli %parallel_loop3A_88, %parallel_loop3A_189 : i32
          %parallel_loop3A_191 = arith.constant 16 : i32
          %parallel_loop3A_192 = arith.addi %parallel_loop3A_190, %parallel_loop3A_191 : i32
          %parallel_loop3A_193 = arith.index_cast %parallel_loop3A_192 : i32 to index
          %parallel_loop3A_194 = tpu.vector_load %arg8[%parallel_loop3A_193] {strides = array<i32>} : memref<12800xf32, #tpu.memory_space<vmem>>, vector<16xf32>,
          tpu.vector_store %arg8[%parallel_loop3A_193], %parallel_loop3A_188 {strides = array<i32>} : memref<12800xf32, #tpu.memory_space<vmem>>, vector<16xf32>,
          %parallel_loop3A_195 = arith.constant 0 : i32
          %parallel_loop3A_196 = arith.index_cast %parallel_loop3A_88 : i32 to index
          %parallel_loop3A_197 = arith.index_cast %parallel_loop3A_195 : i32 to index
          %parallel_loop3A_198 = arith.constant 32 : index
          %parallel_loop3A_199 = tpu.vector_load %arg6[%parallel_loop3A_196, %parallel_loop3A_197, %parallel_loop3A_198] {strides = array<i32>} : memref<100x2x128xi32, #tpu.memory_space<vmem>>, vector<16xi32>,
          %parallel_loop3A_200 = arith.constant 1 : i32
          %parallel_loop3A_201 = arith.index_cast %parallel_loop3A_88 : i32 to index
          %parallel_loop3A_202 = arith.index_cast %parallel_loop3A_200 : i32 to index
          %parallel_loop3A_203 = arith.constant 32 : index
          %parallel_loop3A_204 = tpu.vector_load %arg6[%parallel_loop3A_201, %parallel_loop3A_202, %parallel_loop3A_203] {strides = array<i32>} : memref<100x2x128xi32, #tpu.memory_space<vmem>>, vector<16xi32>,
          %parallel_loop3A_205 = arith.constant 51200 : i32
          %parallel_loop3A_206 = vector.broadcast %parallel_loop3A_205 : i32 to vector<16xi32>
          %parallel_loop3A_207 = arith.cmpi sge, %parallel_loop3A_199, %parallel_loop3A_206 : vector<16xi32>
          %parallel_loop3A_208 = arith.constant 51200 : i32
          %parallel_loop3A_209 = vector.broadcast %parallel_loop3A_208 : i32 to vector<16xi32>
          %parallel_loop3A_210 = arith.subi %parallel_loop3A_199, %parallel_loop3A_209 : vector<16xi32>
          %parallel_loop3A_211 = arith.select %parallel_loop3A_207, %parallel_loop3A_210, %parallel_loop3A_199 : vector<16xi1>, vector<16xi32>
          %parallel_loop3A_212 = tpu.vector_load_idx %arg5[%parallel_loop3A_211] : memref<51200xi32, #tpu.memory_space<vmem>>[vector<16xi32>], vector<16xi32>,
          %parallel_loop3A_213 = arith.constant 16 : i32
          %parallel_loop3A_214 = arith.constant 0 : i32
          %parallel_loop3A_215 = vector.broadcast %parallel_loop3A_213 : i32 to vector<16xi32>
          %parallel_loop3A_216 = vector.broadcast %parallel_loop3A_214 : i32 to vector<16xi32>
          %parallel_loop3A_217 = arith.select %parallel_loop3A_207, %parallel_loop3A_215, %parallel_loop3A_216 : vector<16xi1>, vector<16xi32>
          %parallel_loop3A_218 = arith.shrsi %parallel_loop3A_212, %parallel_loop3A_217 : vector<16xi32>
          %parallel_loop3A_219 = arith.constant 16 : i32
          %parallel_loop3A_220 = vector.broadcast %parallel_loop3A_219 : i32 to vector<16xi32>
          %parallel_loop3A_221 = arith.shli %parallel_loop3A_218, %parallel_loop3A_220 : vector<16xi32>
          %parallel_loop3A_222 = vector.bitcast %parallel_loop3A_221 : vector<16xi32> to vector<16xf32>
          %parallel_loop3A_223 = arith.constant 51200 : i32
          %parallel_loop3A_224 = vector.broadcast %parallel_loop3A_223 : i32 to vector<16xi32>
          %parallel_loop3A_225 = arith.cmpi sge, %parallel_loop3A_204, %parallel_loop3A_224 : vector<16xi32>
          %parallel_loop3A_226 = arith.constant 51200 : i32
          %parallel_loop3A_227 = vector.broadcast %parallel_loop3A_226 : i32 to vector<16xi32>
          %parallel_loop3A_228 = arith.subi %parallel_loop3A_204, %parallel_loop3A_227 : vector<16xi32>
          %parallel_loop3A_229 = arith.select %parallel_loop3A_225, %parallel_loop3A_228, %parallel_loop3A_204 : vector<16xi1>, vector<16xi32>
          %parallel_loop3A_230 = tpu.vector_load_idx %arg5[%parallel_loop3A_229] : memref<51200xi32, #tpu.memory_space<vmem>>[vector<16xi32>], vector<16xi32>,
          %parallel_loop3A_231 = arith.constant 16 : i32
          %parallel_loop3A_232 = arith.constant 0 : i32
          %parallel_loop3A_233 = vector.broadcast %parallel_loop3A_231 : i32 to vector<16xi32>
          %parallel_loop3A_234 = vector.broadcast %parallel_loop3A_232 : i32 to vector<16xi32>
          %parallel_loop3A_235 = arith.select %parallel_loop3A_225, %parallel_loop3A_233, %parallel_loop3A_234 : vector<16xi1>, vector<16xi32>
          %parallel_loop3A_236 = arith.shrsi %parallel_loop3A_230, %parallel_loop3A_235 : vector<16xi32>
          %parallel_loop3A_237 = arith.constant 16 : i32
          %parallel_loop3A_238 = vector.broadcast %parallel_loop3A_237 : i32 to vector<16xi32>
          %parallel_loop3A_239 = arith.shli %parallel_loop3A_236, %parallel_loop3A_238 : vector<16xi32>
          %parallel_loop3A_240 = vector.bitcast %parallel_loop3A_239 : vector<16xi32> to vector<16xf32>
          %parallel_loop3A_241 = arith.mulf %parallel_loop3A_222, %parallel_loop3A_240 : vector<16xf32>
          %parallel_loop3A_242 = arith.constant 128 : i32
          %parallel_loop3A_243 = arith.muli %parallel_loop3A_88, %parallel_loop3A_242 : i32
          %parallel_loop3A_244 = arith.constant 32 : i32
          %parallel_loop3A_245 = arith.addi %parallel_loop3A_243, %parallel_loop3A_244 : i32
          %parallel_loop3A_246 = arith.index_cast %parallel_loop3A_245 : i32 to index
          %parallel_loop3A_247 = tpu.vector_load %arg8[%parallel_loop3A_246] {strides = array<i32>} : memref<12800xf32, #tpu.memory_space<vmem>>, vector<16xf32>,
          tpu.vector_store %arg8[%parallel_loop3A_246], %parallel_loop3A_241 {strides = array<i32>} : memref<12800xf32, #tpu.memory_space<vmem>>, vector<16xf32>,
          %parallel_loop3A_248 = arith.constant 0 : i32
          %parallel_loop3A_249 = arith.index_cast %parallel_loop3A_88 : i32 to index
          %parallel_loop3A_250 = arith.index_cast %parallel_loop3A_248 : i32 to index
          %parallel_loop3A_251 = arith.constant 48 : index
          %parallel_loop3A_252 = tpu.vector_load %arg6[%parallel_loop3A_249, %parallel_loop3A_250, %parallel_loop3A_251] {strides = array<i32>} : memref<100x2x128xi32, #tpu.memory_space<vmem>>, vector<16xi32>,
          %parallel_loop3A_253 = arith.constant 1 : i32
          %parallel_loop3A_254 = arith.index_cast %parallel_loop3A_88 : i32 to index
          %parallel_loop3A_255 = arith.index_cast %parallel_loop3A_253 : i32 to index
          %parallel_loop3A_256 = arith.constant 48 : index
          %parallel_loop3A_257 = tpu.vector_load %arg6[%parallel_loop3A_254, %parallel_loop3A_255, %parallel_loop3A_256] {strides = array<i32>} : memref<100x2x128xi32, #tpu.memory_space<vmem>>, vector<16xi32>,
          %parallel_loop3A_258 = arith.constant 51200 : i32
          %parallel_loop3A_259 = vector.broadcast %parallel_loop3A_258 : i32 to vector<16xi32>
          %parallel_loop3A_260 = arith.cmpi sge, %parallel_loop3A_252, %parallel_loop3A_259 : vector<16xi32>
          %parallel_loop3A_261 = arith.constant 51200 : i32
          %parallel_loop3A_262 = vector.broadcast %parallel_loop3A_261 : i32 to vector<16xi32>
          %parallel_loop3A_263 = arith.subi %parallel_loop3A_252, %parallel_loop3A_262 : vector<16xi32>
          %parallel_loop3A_264 = arith.select %parallel_loop3A_260, %parallel_loop3A_263, %parallel_loop3A_252 : vector<16xi1>, vector<16xi32>
          %parallel_loop3A_265 = tpu.vector_load_idx %arg5[%parallel_loop3A_264] : memref<51200xi32, #tpu.memory_space<vmem>>[vector<16xi32>], vector<16xi32>,
          %parallel_loop3A_266 = arith.constant 16 : i32
          %parallel_loop3A_267 = arith.constant 0 : i32
          %parallel_loop3A_268 = vector.broadcast %parallel_loop3A_266 : i32 to vector<16xi32>
          %parallel_loop3A_269 = vector.broadcast %parallel_loop3A_267 : i32 to vector<16xi32>
          %parallel_loop3A_270 = arith.select %parallel_loop3A_260, %parallel_loop3A_268, %parallel_loop3A_269 : vector<16xi1>, vector<16xi32>
          %parallel_loop3A_271 = arith.shrsi %parallel_loop3A_265, %parallel_loop3A_270 : vector<16xi32>
          %parallel_loop3A_272 = arith.constant 16 : i32
          %parallel_loop3A_273 = vector.broadcast %parallel_loop3A_272 : i32 to vector<16xi32>
          %parallel_loop3A_274 = arith.shli %parallel_loop3A_271, %parallel_loop3A_273 : vector<16xi32>
          %parallel_loop3A_275 = vector.bitcast %parallel_loop3A_274 : vector<16xi32> to vector<16xf32>
          %parallel_loop3A_276 = arith.constant 51200 : i32
          %parallel_loop3A_277 = vector.broadcast %parallel_loop3A_276 : i32 to vector<16xi32>
          %parallel_loop3A_278 = arith.cmpi sge, %parallel_loop3A_257, %parallel_loop3A_277 : vector<16xi32>
          %parallel_loop3A_279 = arith.constant 51200 : i32
          %parallel_loop3A_280 = vector.broadcast %parallel_loop3A_279 : i32 to vector<16xi32>
          %parallel_loop3A_281 = arith.subi %parallel_loop3A_257, %parallel_loop3A_280 : vector<16xi32>
          %parallel_loop3A_282 = arith.select %parallel_loop3A_278, %parallel_loop3A_281, %parallel_loop3A_257 : vector<16xi1>, vector<16xi32>
          %parallel_loop3A_283 = tpu.vector_load_idx %arg5[%parallel_loop3A_282] : memref<51200xi32, #tpu.memory_space<vmem>>[vector<16xi32>], vector<16xi32>,
          %parallel_loop3A_284 = arith.constant 16 : i32
          %parallel_loop3A_285 = arith.constant 0 : i32
          %parallel_loop3A_286 = vector.broadcast %parallel_loop3A_284 : i32 to vector<16xi32>
          %parallel_loop3A_287 = vector.broadcast %parallel_loop3A_285 : i32 to vector<16xi32>
          %parallel_loop3A_288 = arith.select %parallel_loop3A_278, %parallel_loop3A_286, %parallel_loop3A_287 : vector<16xi1>, vector<16xi32>
          %parallel_loop3A_289 = arith.shrsi %parallel_loop3A_283, %parallel_loop3A_288 : vector<16xi32>
          %parallel_loop3A_290 = arith.constant 16 : i32
          %parallel_loop3A_291 = vector.broadcast %parallel_loop3A_290 : i32 to vector<16xi32>
          %parallel_loop3A_292 = arith.shli %parallel_loop3A_289, %parallel_loop3A_291 : vector<16xi32>
          %parallel_loop3A_293 = vector.bitcast %parallel_loop3A_292 : vector<16xi32> to vector<16xf32>
          %parallel_loop3A_294 = arith.mulf %parallel_loop3A_275, %parallel_loop3A_293 : vector<16xf32>
          %parallel_loop3A_295 = arith.constant 128 : i32
          %parallel_loop3A_296 = arith.muli %parallel_loop3A_88, %parallel_loop3A_295 : i32
          %parallel_loop3A_297 = arith.constant 48 : i32
          %parallel_loop3A_298 = arith.addi %parallel_loop3A_296, %parallel_loop3A_297 : i32
          %parallel_loop3A_299 = arith.index_cast %parallel_loop3A_298 : i32 to index
          %parallel_loop3A_300 = tpu.vector_load %arg8[%parallel_loop3A_299] {strides = array<i32>} : memref<12800xf32, #tpu.memory_space<vmem>>, vector<16xf32>,
          tpu.vector_store %arg8[%parallel_loop3A_299], %parallel_loop3A_294 {strides = array<i32>} : memref<12800xf32, #tpu.memory_space<vmem>>, vector<16xf32>,
          %parallel_loop3A_301 = arith.constant 0 : i32
          %parallel_loop3A_302 = arith.index_cast %parallel_loop3A_88 : i32 to index
          %parallel_loop3A_303 = arith.index_cast %parallel_loop3A_301 : i32 to index
          %parallel_loop3A_304 = arith.constant 64 : index
          %parallel_loop3A_305 = tpu.vector_load %arg6[%parallel_loop3A_302, %parallel_loop3A_303, %parallel_loop3A_304] {strides = array<i32>} : memref<100x2x128xi32, #tpu.memory_space<vmem>>, vector<16xi32>,
          %parallel_loop3A_306 = arith.constant 1 : i32
          %parallel_loop3A_307 = arith.index_cast %parallel_loop3A_88 : i32 to index
          %parallel_loop3A_308 = arith.index_cast %parallel_loop3A_306 : i32 to index
          %parallel_loop3A_309 = arith.constant 64 : index
          %parallel_loop3A_310 = tpu.vector_load %arg6[%parallel_loop3A_307, %parallel_loop3A_308, %parallel_loop3A_309] {strides = array<i32>} : memref<100x2x128xi32, #tpu.memory_space<vmem>>, vector<16xi32>,
          %parallel_loop3A_311 = arith.constant 51200 : i32
          %parallel_loop3A_312 = vector.broadcast %parallel_loop3A_311 : i32 to vector<16xi32>
          %parallel_loop3A_313 = arith.cmpi sge, %parallel_loop3A_305, %parallel_loop3A_312 : vector<16xi32>
          %parallel_loop3A_314 = arith.constant 51200 : i32
          %parallel_loop3A_315 = vector.broadcast %parallel_loop3A_314 : i32 to vector<16xi32>
          %parallel_loop3A_316 = arith.subi %parallel_loop3A_305, %parallel_loop3A_315 : vector<16xi32>
          %parallel_loop3A_317 = arith.select %parallel_loop3A_313, %parallel_loop3A_316, %parallel_loop3A_305 : vector<16xi1>, vector<16xi32>
          %parallel_loop3A_318 = tpu.vector_load_idx %arg5[%parallel_loop3A_317] : memref<51200xi32, #tpu.memory_space<vmem>>[vector<16xi32>], vector<16xi32>,
          %parallel_loop3A_319 = arith.constant 16 : i32
          %parallel_loop3A_320 = arith.constant 0 : i32
          %parallel_loop3A_321 = vector.broadcast %parallel_loop3A_319 : i32 to vector<16xi32>
          %parallel_loop3A_322 = vector.broadcast %parallel_loop3A_320 : i32 to vector<16xi32>
          %parallel_loop3A_323 = arith.select %parallel_loop3A_313, %parallel_loop3A_321, %parallel_loop3A_322 : vector<16xi1>, vector<16xi32>
          %parallel_loop3A_324 = arith.shrsi %parallel_loop3A_318, %parallel_loop3A_323 : vector<16xi32>
          %parallel_loop3A_325 = arith.constant 16 : i32
          %parallel_loop3A_326 = vector.broadcast %parallel_loop3A_325 : i32 to vector<16xi32>
          %parallel_loop3A_327 = arith.shli %parallel_loop3A_324, %parallel_loop3A_326 : vector<16xi32>
          %parallel_loop3A_328 = vector.bitcast %parallel_loop3A_327 : vector<16xi32> to vector<16xf32>
          %parallel_loop3A_329 = arith.constant 51200 : i32
          %parallel_loop3A_330 = vector.broadcast %parallel_loop3A_329 : i32 to vector<16xi32>
          %parallel_loop3A_331 = arith.cmpi sge, %parallel_loop3A_310, %parallel_loop3A_330 : vector<16xi32>
          %parallel_loop3A_332 = arith.constant 51200 : i32
          %parallel_loop3A_333 = vector.broadcast %parallel_loop3A_332 : i32 to vector<16xi32>
          %parallel_loop3A_334 = arith.subi %parallel_loop3A_310, %parallel_loop3A_333 : vector<16xi32>
          %parallel_loop3A_335 = arith.select %parallel_loop3A_331, %parallel_loop3A_334, %parallel_loop3A_310 : vector<16xi1>, vector<16xi32>
          %parallel_loop3A_336 = tpu.vector_load_idx %arg5[%parallel_loop3A_335] : memref<51200xi32, #tpu.memory_space<vmem>>[vector<16xi32>], vector<16xi32>,
          %parallel_loop3A_337 = arith.constant 16 : i32
          %parallel_loop3A_338 = arith.constant 0 : i32
          %parallel_loop3A_339 = vector.broadcast %parallel_loop3A_337 : i32 to vector<16xi32>
          %parallel_loop3A_340 = vector.broadcast %parallel_loop3A_338 : i32 to vector<16xi32>
          %parallel_loop3A_341 = arith.select %parallel_loop3A_331, %parallel_loop3A_339, %parallel_loop3A_340 : vector<16xi1>, vector<16xi32>
          %parallel_loop3A_342 = arith.shrsi %parallel_loop3A_336, %parallel_loop3A_341 : vector<16xi32>
          %parallel_loop3A_343 = arith.constant 16 : i32
          %parallel_loop3A_344 = vector.broadcast %parallel_loop3A_343 : i32 to vector<16xi32>
          %parallel_loop3A_345 = arith.shli %parallel_loop3A_342, %parallel_loop3A_344 : vector<16xi32>
          %parallel_loop3A_346 = vector.bitcast %parallel_loop3A_345 : vector<16xi32> to vector<16xf32>
          %parallel_loop3A_347 = arith.mulf %parallel_loop3A_328, %parallel_loop3A_346 : vector<16xf32>
          %parallel_loop3A_348 = arith.constant 128 : i32
          %parallel_loop3A_349 = arith.muli %parallel_loop3A_88, %parallel_loop3A_348 : i32
          %parallel_loop3A_350 = arith.constant 64 : i32
          %parallel_loop3A_351 = arith.addi %parallel_loop3A_349, %parallel_loop3A_350 : i32
          %parallel_loop3A_352 = arith.index_cast %parallel_loop3A_351 : i32 to index
          %parallel_loop3A_353 = tpu.vector_load %arg8[%parallel_loop3A_352] {strides = array<i32>} : memref<12800xf32, #tpu.memory_space<vmem>>, vector<16xf32>,
          tpu.vector_store %arg8[%parallel_loop3A_352], %parallel_loop3A_347 {strides = array<i32>} : memref<12800xf32, #tpu.memory_space<vmem>>, vector<16xf32>,
          %parallel_loop3A_354 = arith.constant 0 : i32
          %parallel_loop3A_355 = arith.index_cast %parallel_loop3A_88 : i32 to index
          %parallel_loop3A_356 = arith.index_cast %parallel_loop3A_354 : i32 to index
          %parallel_loop3A_357 = arith.constant 80 : index
          %parallel_loop3A_358 = tpu.vector_load %arg6[%parallel_loop3A_355, %parallel_loop3A_356, %parallel_loop3A_357] {strides = array<i32>} : memref<100x2x128xi32, #tpu.memory_space<vmem>>, vector<16xi32>,
          %parallel_loop3A_359 = arith.constant 1 : i32
          %parallel_loop3A_360 = arith.index_cast %parallel_loop3A_88 : i32 to index
          %parallel_loop3A_361 = arith.index_cast %parallel_loop3A_359 : i32 to index
          %parallel_loop3A_362 = arith.constant 80 : index
          %parallel_loop3A_363 = tpu.vector_load %arg6[%parallel_loop3A_360, %parallel_loop3A_361, %parallel_loop3A_362] {strides = array<i32>} : memref<100x2x128xi32, #tpu.memory_space<vmem>>, vector<16xi32>,
          %parallel_loop3A_364 = arith.constant 51200 : i32
          %parallel_loop3A_365 = vector.broadcast %parallel_loop3A_364 : i32 to vector<16xi32>
          %parallel_loop3A_366 = arith.cmpi sge, %parallel_loop3A_358, %parallel_loop3A_365 : vector<16xi32>
          %parallel_loop3A_367 = arith.constant 51200 : i32
          %parallel_loop3A_368 = vector.broadcast %parallel_loop3A_367 : i32 to vector<16xi32>
          %parallel_loop3A_369 = arith.subi %parallel_loop3A_358, %parallel_loop3A_368 : vector<16xi32>
          %parallel_loop3A_370 = arith.select %parallel_loop3A_366, %parallel_loop3A_369, %parallel_loop3A_358 : vector<16xi1>, vector<16xi32>
          %parallel_loop3A_371 = tpu.vector_load_idx %arg5[%parallel_loop3A_370] : memref<51200xi32, #tpu.memory_space<vmem>>[vector<16xi32>], vector<16xi32>,
          %parallel_loop3A_372 = arith.constant 16 : i32
          %parallel_loop3A_373 = arith.constant 0 : i32
          %parallel_loop3A_374 = vector.broadcast %parallel_loop3A_372 : i32 to vector<16xi32>
          %parallel_loop3A_375 = vector.broadcast %parallel_loop3A_373 : i32 to vector<16xi32>
          %parallel_loop3A_376 = arith.select %parallel_loop3A_366, %parallel_loop3A_374, %parallel_loop3A_375 : vector<16xi1>, vector<16xi32>
          %parallel_loop3A_377 = arith.shrsi %parallel_loop3A_371, %parallel_loop3A_376 : vector<16xi32>
          %parallel_loop3A_378 = arith.constant 16 : i32
          %parallel_loop3A_379 = vector.broadcast %parallel_loop3A_378 : i32 to vector<16xi32>
          %parallel_loop3A_380 = arith.shli %parallel_loop3A_377, %parallel_loop3A_379 : vector<16xi32>
          %parallel_loop3A_381 = vector.bitcast %parallel_loop3A_380 : vector<16xi32> to vector<16xf32>
          %parallel_loop3A_382 = arith.constant 51200 : i32
          %parallel_loop3A_383 = vector.broadcast %parallel_loop3A_382 : i32 to vector<16xi32>
          %parallel_loop3A_384 = arith.cmpi sge, %parallel_loop3A_363, %parallel_loop3A_383 : vector<16xi32>
          %parallel_loop3A_385 = arith.constant 51200 : i32
          %parallel_loop3A_386 = vector.broadcast %parallel_loop3A_385 : i32 to vector<16xi32>
          %parallel_loop3A_387 = arith.subi %parallel_loop3A_363, %parallel_loop3A_386 : vector<16xi32>
          %parallel_loop3A_388 = arith.select %parallel_loop3A_384, %parallel_loop3A_387, %parallel_loop3A_363 : vector<16xi1>, vector<16xi32>
          %parallel_loop3A_389 = tpu.vector_load_idx %arg5[%parallel_loop3A_388] : memref<51200xi32, #tpu.memory_space<vmem>>[vector<16xi32>], vector<16xi32>,
          %parallel_loop3A_390 = arith.constant 16 : i32
          %parallel_loop3A_391 = arith.constant 0 : i32
          %parallel_loop3A_392 = vector.broadcast %parallel_loop3A_390 : i32 to vector<16xi32>
          %parallel_loop3A_393 = vector.broadcast %parallel_loop3A_391 : i32 to vector<16xi32>
          %parallel_loop3A_394 = arith.select %parallel_loop3A_384, %parallel_loop3A_392, %parallel_loop3A_393 : vector<16xi1>, vector<16xi32>
          %parallel_loop3A_395 = arith.shrsi %parallel_loop3A_389, %parallel_loop3A_394 : vector<16xi32>
          %parallel_loop3A_396 = arith.constant 16 : i32
          %parallel_loop3A_397 = vector.broadcast %parallel_loop3A_396 : i32 to vector<16xi32>
          %parallel_loop3A_398 = arith.shli %parallel_loop3A_395, %parallel_loop3A_397 : vector<16xi32>
          %parallel_loop3A_399 = vector.bitcast %parallel_loop3A_398 : vector<16xi32> to vector<16xf32>
          %parallel_loop3A_400 = arith.mulf %parallel_loop3A_381, %parallel_loop3A_399 : vector<16xf32>
          %parallel_loop3A_401 = arith.constant 128 : i32
          %parallel_loop3A_402 = arith.muli %parallel_loop3A_88, %parallel_loop3A_401 : i32
          %parallel_loop3A_403 = arith.constant 80 : i32
          %parallel_loop3A_404 = arith.addi %parallel_loop3A_402, %parallel_loop3A_403 : i32
          %parallel_loop3A_405 = arith.index_cast %parallel_loop3A_404 : i32 to index
          %parallel_loop3A_406 = tpu.vector_load %arg8[%parallel_loop3A_405] {strides = array<i32>} : memref<12800xf32, #tpu.memory_space<vmem>>, vector<16xf32>,
          tpu.vector_store %arg8[%parallel_loop3A_405], %parallel_loop3A_400 {strides = array<i32>} : memref<12800xf32, #tpu.memory_space<vmem>>, vector<16xf32>,
          %parallel_loop3A_407 = arith.constant 0 : i32
          %parallel_loop3A_408 = arith.index_cast %parallel_loop3A_88 : i32 to index
          %parallel_loop3A_409 = arith.index_cast %parallel_loop3A_407 : i32 to index
          %parallel_loop3A_410 = arith.constant 96 : index
          %parallel_loop3A_411 = tpu.vector_load %arg6[%parallel_loop3A_408, %parallel_loop3A_409, %parallel_loop3A_410] {strides = array<i32>} : memref<100x2x128xi32, #tpu.memory_space<vmem>>, vector<16xi32>,
          %parallel_loop3A_412 = arith.constant 1 : i32
          %parallel_loop3A_413 = arith.index_cast %parallel_loop3A_88 : i32 to index
          %parallel_loop3A_414 = arith.index_cast %parallel_loop3A_412 : i32 to index
          %parallel_loop3A_415 = arith.constant 96 : index
          %parallel_loop3A_416 = tpu.vector_load %arg6[%parallel_loop3A_413, %parallel_loop3A_414, %parallel_loop3A_415] {strides = array<i32>} : memref<100x2x128xi32, #tpu.memory_space<vmem>>, vector<16xi32>,
          %parallel_loop3A_417 = arith.constant 51200 : i32
          %parallel_loop3A_418 = vector.broadcast %parallel_loop3A_417 : i32 to vector<16xi32>
          %parallel_loop3A_419 = arith.cmpi sge, %parallel_loop3A_411, %parallel_loop3A_418 : vector<16xi32>
          %parallel_loop3A_420 = arith.constant 51200 : i32
          %parallel_loop3A_421 = vector.broadcast %parallel_loop3A_420 : i32 to vector<16xi32>
          %parallel_loop3A_422 = arith.subi %parallel_loop3A_411, %parallel_loop3A_421 : vector<16xi32>
          %parallel_loop3A_423 = arith.select %parallel_loop3A_419, %parallel_loop3A_422, %parallel_loop3A_411 : vector<16xi1>, vector<16xi32>
          %parallel_loop3A_424 = tpu.vector_load_idx %arg5[%parallel_loop3A_423] : memref<51200xi32, #tpu.memory_space<vmem>>[vector<16xi32>], vector<16xi32>,
          %parallel_loop3A_425 = arith.constant 16 : i32
          %parallel_loop3A_426 = arith.constant 0 : i32
          %parallel_loop3A_427 = vector.broadcast %parallel_loop3A_425 : i32 to vector<16xi32>
          %parallel_loop3A_428 = vector.broadcast %parallel_loop3A_426 : i32 to vector<16xi32>
          %parallel_loop3A_429 = arith.select %parallel_loop3A_419, %parallel_loop3A_427, %parallel_loop3A_428 : vector<16xi1>, vector<16xi32>
          %parallel_loop3A_430 = arith.shrsi %parallel_loop3A_424, %parallel_loop3A_429 : vector<16xi32>
          %parallel_loop3A_431 = arith.constant 16 : i32
          %parallel_loop3A_432 = vector.broadcast %parallel_loop3A_431 : i32 to vector<16xi32>
          %parallel_loop3A_433 = arith.shli %parallel_loop3A_430, %parallel_loop3A_432 : vector<16xi32>
          %parallel_loop3A_434 = vector.bitcast %parallel_loop3A_433 : vector<16xi32> to vector<16xf32>
          %parallel_loop3A_435 = arith.constant 51200 : i32
          %parallel_loop3A_436 = vector.broadcast %parallel_loop3A_435 : i32 to vector<16xi32>
          %parallel_loop3A_437 = arith.cmpi sge, %parallel_loop3A_416, %parallel_loop3A_436 : vector<16xi32>
          %parallel_loop3A_438 = arith.constant 51200 : i32
          %parallel_loop3A_439 = vector.broadcast %parallel_loop3A_438 : i32 to vector<16xi32>
          %parallel_loop3A_440 = arith.subi %parallel_loop3A_416, %parallel_loop3A_439 : vector<16xi32>
          %parallel_loop3A_441 = arith.select %parallel_loop3A_437, %parallel_loop3A_440, %parallel_loop3A_416 : vector<16xi1>, vector<16xi32>
          %parallel_loop3A_442 = tpu.vector_load_idx %arg5[%parallel_loop3A_441] : memref<51200xi32, #tpu.memory_space<vmem>>[vector<16xi32>], vector<16xi32>,
          %parallel_loop3A_443 = arith.constant 16 : i32
          %parallel_loop3A_444 = arith.constant 0 : i32
          %parallel_loop3A_445 = vector.broadcast %parallel_loop3A_443 : i32 to vector<16xi32>
          %parallel_loop3A_446 = vector.broadcast %parallel_loop3A_444 : i32 to vector<16xi32>
          %parallel_loop3A_447 = arith.select %parallel_loop3A_437, %parallel_loop3A_445, %parallel_loop3A_446 : vector<16xi1>, vector<16xi32>
          %parallel_loop3A_448 = arith.shrsi %parallel_loop3A_442, %parallel_loop3A_447 : vector<16xi32>
          %parallel_loop3A_449 = arith.constant 16 : i32
          %parallel_loop3A_450 = vector.broadcast %parallel_loop3A_449 : i32 to vector<16xi32>
          %parallel_loop3A_451 = arith.shli %parallel_loop3A_448, %parallel_loop3A_450 : vector<16xi32>
          %parallel_loop3A_452 = vector.bitcast %parallel_loop3A_451 : vector<16xi32> to vector<16xf32>
          %parallel_loop3A_453 = arith.mulf %parallel_loop3A_434, %parallel_loop3A_452 : vector<16xf32>
          %parallel_loop3A_454 = arith.constant 128 : i32
          %parallel_loop3A_455 = arith.muli %parallel_loop3A_88, %parallel_loop3A_454 : i32
          %parallel_loop3A_456 = arith.constant 96 : i32
          %parallel_loop3A_457 = arith.addi %parallel_loop3A_455, %parallel_loop3A_456 : i32
          %parallel_loop3A_458 = arith.index_cast %parallel_loop3A_457 : i32 to index
          %parallel_loop3A_459 = tpu.vector_load %arg8[%parallel_loop3A_458] {strides = array<i32>} : memref<12800xf32, #tpu.memory_space<vmem>>, vector<16xf32>,
          tpu.vector_store %arg8[%parallel_loop3A_458], %parallel_loop3A_453 {strides = array<i32>} : memref<12800xf32, #tpu.memory_space<vmem>>, vector<16xf32>,
          %parallel_loop3A_460 = arith.constant 0 : i32
          %parallel_loop3A_461 = arith.index_cast %parallel_loop3A_88 : i32 to index
          %parallel_loop3A_462 = arith.index_cast %parallel_loop3A_460 : i32 to index
          %parallel_loop3A_463 = arith.constant 112 : index
          %parallel_loop3A_464 = tpu.vector_load %arg6[%parallel_loop3A_461, %parallel_loop3A_462, %parallel_loop3A_463] {strides = array<i32>} : memref<100x2x128xi32, #tpu.memory_space<vmem>>, vector<16xi32>,
          %parallel_loop3A_465 = arith.constant 1 : i32
          %parallel_loop3A_466 = arith.index_cast %parallel_loop3A_88 : i32 to index
          %parallel_loop3A_467 = arith.index_cast %parallel_loop3A_465 : i32 to index
          %parallel_loop3A_468 = arith.constant 112 : index
          %parallel_loop3A_469 = tpu.vector_load %arg6[%parallel_loop3A_466, %parallel_loop3A_467, %parallel_loop3A_468] {strides = array<i32>} : memref<100x2x128xi32, #tpu.memory_space<vmem>>, vector<16xi32>,
          %parallel_loop3A_470 = arith.constant 51200 : i32
          %parallel_loop3A_471 = vector.broadcast %parallel_loop3A_470 : i32 to vector<16xi32>
          %parallel_loop3A_472 = arith.cmpi sge, %parallel_loop3A_464, %parallel_loop3A_471 : vector<16xi32>
          %parallel_loop3A_473 = arith.constant 51200 : i32
          %parallel_loop3A_474 = vector.broadcast %parallel_loop3A_473 : i32 to vector<16xi32>
          %parallel_loop3A_475 = arith.subi %parallel_loop3A_464, %parallel_loop3A_474 : vector<16xi32>
          %parallel_loop3A_476 = arith.select %parallel_loop3A_472, %parallel_loop3A_475, %parallel_loop3A_464 : vector<16xi1>, vector<16xi32>
          %parallel_loop3A_477 = tpu.vector_load_idx %arg5[%parallel_loop3A_476] : memref<51200xi32, #tpu.memory_space<vmem>>[vector<16xi32>], vector<16xi32>,
          %parallel_loop3A_478 = arith.constant 16 : i32
          %parallel_loop3A_479 = arith.constant 0 : i32
          %parallel_loop3A_480 = vector.broadcast %parallel_loop3A_478 : i32 to vector<16xi32>
          %parallel_loop3A_481 = vector.broadcast %parallel_loop3A_479 : i32 to vector<16xi32>
          %parallel_loop3A_482 = arith.select %parallel_loop3A_472, %parallel_loop3A_480, %parallel_loop3A_481 : vector<16xi1>, vector<16xi32>
          %parallel_loop3A_483 = arith.shrsi %parallel_loop3A_477, %parallel_loop3A_482 : vector<16xi32>
          %parallel_loop3A_484 = arith.constant 16 : i32
          %parallel_loop3A_485 = vector.broadcast %parallel_loop3A_484 : i32 to vector<16xi32>
          %parallel_loop3A_486 = arith.shli %parallel_loop3A_483, %parallel_loop3A_485 : vector<16xi32>
          %parallel_loop3A_487 = vector.bitcast %parallel_loop3A_486 : vector<16xi32> to vector<16xf32>
          %parallel_loop3A_488 = arith.constant 51200 : i32
          %parallel_loop3A_489 = vector.broadcast %parallel_loop3A_488 : i32 to vector<16xi32>
          %parallel_loop3A_490 = arith.cmpi sge, %parallel_loop3A_469, %parallel_loop3A_489 : vector<16xi32>
          %parallel_loop3A_491 = arith.constant 51200 : i32
          %parallel_loop3A_492 = vector.broadcast %parallel_loop3A_491 : i32 to vector<16xi32>
          %parallel_loop3A_493 = arith.subi %parallel_loop3A_469, %parallel_loop3A_492 : vector<16xi32>
          %parallel_loop3A_494 = arith.select %parallel_loop3A_490, %parallel_loop3A_493, %parallel_loop3A_469 : vector<16xi1>, vector<16xi32>
          %parallel_loop3A_495 = tpu.vector_load_idx %arg5[%parallel_loop3A_494] : memref<51200xi32, #tpu.memory_space<vmem>>[vector<16xi32>], vector<16xi32>,
          %parallel_loop3A_496 = arith.constant 16 : i32
          %parallel_loop3A_497 = arith.constant 0 : i32
          %parallel_loop3A_498 = vector.broadcast %parallel_loop3A_496 : i32 to vector<16xi32>
          %parallel_loop3A_499 = vector.broadcast %parallel_loop3A_497 : i32 to vector<16xi32>
          %parallel_loop3A_500 = arith.select %parallel_loop3A_490, %parallel_loop3A_498, %parallel_loop3A_499 : vector<16xi1>, vector<16xi32>
          %parallel_loop3A_501 = arith.shrsi %parallel_loop3A_495, %parallel_loop3A_500 : vector<16xi32>
          %parallel_loop3A_502 = arith.constant 16 : i32
          %parallel_loop3A_503 = vector.broadcast %parallel_loop3A_502 : i32 to vector<16xi32>
          %parallel_loop3A_504 = arith.shli %parallel_loop3A_501, %parallel_loop3A_503 : vector<16xi32>
          %parallel_loop3A_505 = vector.bitcast %parallel_loop3A_504 : vector<16xi32> to vector<16xf32>
          %parallel_loop3A_506 = arith.mulf %parallel_loop3A_487, %parallel_loop3A_505 : vector<16xf32>
          %parallel_loop3A_507 = arith.constant 128 : i32
          %parallel_loop3A_508 = arith.muli %parallel_loop3A_88, %parallel_loop3A_507 : i32
          %parallel_loop3A_509 = arith.constant 112 : i32
          %parallel_loop3A_510 = arith.addi %parallel_loop3A_508, %parallel_loop3A_509 : i32
          %parallel_loop3A_511 = arith.index_cast %parallel_loop3A_510 : i32 to index
          %parallel_loop3A_512 = tpu.vector_load %arg8[%parallel_loop3A_511] {strides = array<i32>} : memref<12800xf32, #tpu.memory_space<vmem>>, vector<16xf32>,
          tpu.vector_store %arg8[%parallel_loop3A_511], %parallel_loop3A_506 {strides = array<i32>} : memref<12800xf32, #tpu.memory_space<vmem>>, vector<16xf32>,
        } {sc.loop_unroll_factor = 4 : i64, sc.parallel_access}
        %mul3A_81 = arith.constant 32 : i32
        %mul3A_82 = arith.muli %mul3A_48, %mul3A_81 : i32
        %add3A_83 = arith.addi %add3A, %mul3A_82 : i32
        %mul3A_84 = arith.constant 12800 : i32
        %mul3A_85 = arith.muli %add3A_83, %mul3A_84 : i32
        %dma_start3A_86 = tpu.memref_slice %arg4[%mul3A_85] : memref<6400000xf32, #tpu.memory_space<hbm>> -> memref<12800xf32, #tpu.memory_space<hbm>>
        %dma_start3A_87 = tpu.memref_slice %arg4[%mul3A_85] : memref<6400000xf32, #tpu.memory_space<hbm>> -> memref<12800xf32, #tpu.memory_space<hbm>>
        tpu.enqueue_dma source(%arg8 : memref<12800xf32, #tpu.memory_space<vmem>>) target(%dma_start3A_87 : memref<12800xf32, #tpu.memory_space<hbm>>) target_semaphore(%arg12 : memref<!tpu.dma_semaphore, #tpu.memory_space<semaphore_mem>>)
      } else {
      }
      %add3A_56 = arith.constant 2 : i32
      %add3A_57 = arith.addi %mul3A_48, %add3A_56 : i32
      %lt3A_58 = arith.cmpi slt, %add3A_57, %select_n3A : i32
      %convert_element_type3A_59 = arith.extui %lt3A_58 : i1 to i32
      %cond3A_60 = arith.constant 0 : i32
      %cond3A_61 = arith.cmpi ne, %convert_element_type3A_59, %cond3A_60 : i32
      scf.if %cond3A_61 {
        %add3A_67 = arith.constant 2 : i32
        %add3A_68 = arith.addi %mul3A_48, %add3A_67 : i32
        %mul3A_69 = arith.constant 32 : i32
        %mul3A_70 = arith.muli %add3A_68, %mul3A_69 : i32
        %add3A_71 = arith.addi %add3A, %mul3A_70 : i32
        %mul3A_72 = arith.constant 100 : i32
        %mul3A_73 = arith.muli %add3A_71, %mul3A_72 : i32
        %dma_start3A_74 = arith.constant 0 : i32
        %dma_start3A_75 = arith.constant 0 : i32
        %dma_start3A_76 = tpu.memref_slice %arg3[%mul3A_73, %dma_start3A_74, %dma_start3A_75] : memref<50000x2x128xi32, #tpu.memory_space<hbm>> -> memref<100x2x128xi32, #tpu.memory_space<hbm>>
        %dma_start3A_77 = arith.constant 0 : i32
        %dma_start3A_78 = arith.constant 0 : i32
        %dma_start3A_79 = tpu.memref_slice %arg3[%mul3A_73, %dma_start3A_77, %dma_start3A_78] : memref<50000x2x128xi32, #tpu.memory_space<hbm>> -> memref<100x2x128xi32, #tpu.memory_space<hbm>>
        tpu.enqueue_dma source(%dma_start3A_79 : memref<100x2x128xi32, #tpu.memory_space<hbm>>) target(%arg6 : memref<100x2x128xi32, #tpu.memory_space<vmem>>) target_semaphore(%arg10 : memref<!tpu.dma_semaphore, #tpu.memory_space<semaphore_mem>>)
      } else {
      }
      %lt3A_62 = arith.cmpi slt, %add3A_50, %select_n3A : i32
      %convert_element_type3A_63 = arith.extui %lt3A_62 : i1 to i32
      %cond3A_64 = arith.constant 0 : i32
      %cond3A_65 = arith.cmpi ne, %convert_element_type3A_63, %cond3A_64 : i32
      scf.if %cond3A_65 {
        %dma_wait3A_67 = arith.constant 0 : i32
        %dma_wait3A_68 = arith.constant 0 : i32
        %dma_wait3A_69 = arith.constant 0 : i32
        %dma_wait3A_70 = tpu.memref_slice %arg3[%dma_wait3A_67, %dma_wait3A_68, %dma_wait3A_69] : memref<50000x2x128xi32, #tpu.memory_space<hbm>> -> memref<100x2x128xi32, #tpu.memory_space<hbm>>
        %dma_wait3A_71 = arith.constant 0 : i32
        %dma_wait3A_72 = arith.constant 0 : i32
        %dma_wait3A_73 = arith.constant 0 : i32
        %dma_wait3A_74 = tpu.memref_slice %arg3[%dma_wait3A_71, %dma_wait3A_72, %dma_wait3A_73] : memref<50000x2x128xi32, #tpu.memory_space<hbm>> -> memref<100x2x128xi32, #tpu.memory_space<hbm>>
        tpu.wait_dma2 semaphore(%arg11 : memref<!tpu.dma_semaphore, #tpu.memory_space<semaphore_mem>>) src(%dma_wait3A_74 : memref<100x2x128xi32, #tpu.memory_space<hbm>>) dst(%arg7 : memref<100x2x128xi32, #tpu.memory_space<vmem>>)
        %gt3A = arith.constant 0 : i32
        %gt3A_75 = arith.cmpi sgt, %scan3A_45, %gt3A : i32
        %convert_element_type3A_76 = arith.extui %gt3A_75 : i1 to i32
        %cond3A_77 = arith.constant 0 : i32
        %cond3A_78 = arith.cmpi ne, %convert_element_type3A_76, %cond3A_77 : i32
        scf.if %cond3A_78 {
          %dma_wait3A_88 = arith.constant 0 : i32
          %dma_wait3A_89 = tpu.memref_slice %arg4[%dma_wait3A_88] : memref<6400000xf32, #tpu.memory_space<hbm>> -> memref<12800xf32, #tpu.memory_space<hbm>>
          %dma_wait3A_90 = arith.constant 0 : i32
          %dma_wait3A_91 = tpu.memref_slice %arg4[%dma_wait3A_90] : memref<6400000xf32, #tpu.memory_space<hbm>> -> memref<12800xf32, #tpu.memory_space<hbm>>
          tpu.wait_dma2 semaphore(%arg13 : memref<!tpu.dma_semaphore, #tpu.memory_space<semaphore_mem>>) src(%arg9 : memref<12800xf32, #tpu.memory_space<vmem>>) dst(%dma_wait3A_91 : memref<12800xf32, #tpu.memory_space<hbm>>)
        } else {
        }
        %parallel_loop3A = arith.constant 0 : i32
        %parallel_loop3A_79 = arith.constant 100 : i32
        %parallel_loop3A_80 = arith.constant 1 : i32
        scf.for %parallel_loop3A_88 = %parallel_loop3A to %parallel_loop3A_79 step %parallel_loop3A_80  : i32 {
          %parallel_loop3A_89 = arith.constant 0 : i32
          %parallel_loop3A_90 = arith.index_cast %parallel_loop3A_88 : i32 to index
          %parallel_loop3A_91 = arith.index_cast %parallel_loop3A_89 : i32 to index
          %parallel_loop3A_92 = arith.constant 0 : index
          %parallel_loop3A_93 = tpu.vector_load %arg7[%parallel_loop3A_90, %parallel_loop3A_91, %parallel_loop3A_92] {strides = array<i32>} : memref<100x2x128xi32, #tpu.memory_space<vmem>>, vector<16xi32>,
          %parallel_loop3A_94 = arith.constant 1 : i32
          %parallel_loop3A_95 = arith.index_cast %parallel_loop3A_88 : i32 to index
          %parallel_loop3A_96 = arith.index_cast %parallel_loop3A_94 : i32 to index
          %parallel_loop3A_97 = arith.constant 0 : index
          %parallel_loop3A_98 = tpu.vector_load %arg7[%parallel_loop3A_95, %parallel_loop3A_96, %parallel_loop3A_97] {strides = array<i32>} : memref<100x2x128xi32, #tpu.memory_space<vmem>>, vector<16xi32>,
          %parallel_loop3A_99 = arith.constant 51200 : i32
          %parallel_loop3A_100 = vector.broadcast %parallel_loop3A_99 : i32 to vector<16xi32>
          %parallel_loop3A_101 = arith.cmpi sge, %parallel_loop3A_93, %parallel_loop3A_100 : vector<16xi32>
          %parallel_loop3A_102 = arith.constant 51200 : i32
          %parallel_loop3A_103 = vector.broadcast %parallel_loop3A_102 : i32 to vector<16xi32>
          %parallel_loop3A_104 = arith.subi %parallel_loop3A_93, %parallel_loop3A_103 : vector<16xi32>
          %parallel_loop3A_105 = arith.select %parallel_loop3A_101, %parallel_loop3A_104, %parallel_loop3A_93 : vector<16xi1>, vector<16xi32>
          %parallel_loop3A_106 = tpu.vector_load_idx %arg5[%parallel_loop3A_105] : memref<51200xi32, #tpu.memory_space<vmem>>[vector<16xi32>], vector<16xi32>,
          %parallel_loop3A_107 = arith.constant 16 : i32
          %parallel_loop3A_108 = arith.constant 0 : i32
          %parallel_loop3A_109 = vector.broadcast %parallel_loop3A_107 : i32 to vector<16xi32>
          %parallel_loop3A_110 = vector.broadcast %parallel_loop3A_108 : i32 to vector<16xi32>
          %parallel_loop3A_111 = arith.select %parallel_loop3A_101, %parallel_loop3A_109, %parallel_loop3A_110 : vector<16xi1>, vector<16xi32>
          %parallel_loop3A_112 = arith.shrsi %parallel_loop3A_106, %parallel_loop3A_111 : vector<16xi32>
          %parallel_loop3A_113 = arith.constant 16 : i32
          %parallel_loop3A_114 = vector.broadcast %parallel_loop3A_113 : i32 to vector<16xi32>
          %parallel_loop3A_115 = arith.shli %parallel_loop3A_112, %parallel_loop3A_114 : vector<16xi32>
          %parallel_loop3A_116 = vector.bitcast %parallel_loop3A_115 : vector<16xi32> to vector<16xf32>
          %parallel_loop3A_117 = arith.constant 51200 : i32
          %parallel_loop3A_118 = vector.broadcast %parallel_loop3A_117 : i32 to vector<16xi32>
          %parallel_loop3A_119 = arith.cmpi sge, %parallel_loop3A_98, %parallel_loop3A_118 : vector<16xi32>
          %parallel_loop3A_120 = arith.constant 51200 : i32
          %parallel_loop3A_121 = vector.broadcast %parallel_loop3A_120 : i32 to vector<16xi32>
          %parallel_loop3A_122 = arith.subi %parallel_loop3A_98, %parallel_loop3A_121 : vector<16xi32>
          %parallel_loop3A_123 = arith.select %parallel_loop3A_119, %parallel_loop3A_122, %parallel_loop3A_98 : vector<16xi1>, vector<16xi32>
          %parallel_loop3A_124 = tpu.vector_load_idx %arg5[%parallel_loop3A_123] : memref<51200xi32, #tpu.memory_space<vmem>>[vector<16xi32>], vector<16xi32>,
          %parallel_loop3A_125 = arith.constant 16 : i32
          %parallel_loop3A_126 = arith.constant 0 : i32
          %parallel_loop3A_127 = vector.broadcast %parallel_loop3A_125 : i32 to vector<16xi32>
          %parallel_loop3A_128 = vector.broadcast %parallel_loop3A_126 : i32 to vector<16xi32>
          %parallel_loop3A_129 = arith.select %parallel_loop3A_119, %parallel_loop3A_127, %parallel_loop3A_128 : vector<16xi1>, vector<16xi32>
          %parallel_loop3A_130 = arith.shrsi %parallel_loop3A_124, %parallel_loop3A_129 : vector<16xi32>
          %parallel_loop3A_131 = arith.constant 16 : i32
          %parallel_loop3A_132 = vector.broadcast %parallel_loop3A_131 : i32 to vector<16xi32>
          %parallel_loop3A_133 = arith.shli %parallel_loop3A_130, %parallel_loop3A_132 : vector<16xi32>
          %parallel_loop3A_134 = vector.bitcast %parallel_loop3A_133 : vector<16xi32> to vector<16xf32>
          %parallel_loop3A_135 = arith.mulf %parallel_loop3A_116, %parallel_loop3A_134 : vector<16xf32>
          %parallel_loop3A_136 = arith.constant 128 : i32
          %parallel_loop3A_137 = arith.muli %parallel_loop3A_88, %parallel_loop3A_136 : i32
          %parallel_loop3A_138 = arith.constant 0 : i32
          %parallel_loop3A_139 = arith.addi %parallel_loop3A_137, %parallel_loop3A_138 : i32
          %parallel_loop3A_140 = arith.index_cast %parallel_loop3A_139 : i32 to index
          %parallel_loop3A_141 = tpu.vector_load %arg9[%parallel_loop3A_140] {strides = array<i32>} : memref<12800xf32, #tpu.memory_space<vmem>>, vector<16xf32>,
          tpu.vector_store %arg9[%parallel_loop3A_140], %parallel_loop3A_135 {strides = array<i32>} : memref<12800xf32, #tpu.memory_space<vmem>>, vector<16xf32>,
          %parallel_loop3A_142 = arith.constant 0 : i32
          %parallel_loop3A_143 = arith.index_cast %parallel_loop3A_88 : i32 to index
          %parallel_loop3A_144 = arith.index_cast %parallel_loop3A_142 : i32 to index
          %parallel_loop3A_145 = arith.constant 16 : index
          %parallel_loop3A_146 = tpu.vector_load %arg7[%parallel_loop3A_143, %parallel_loop3A_144, %parallel_loop3A_145] {strides = array<i32>} : memref<100x2x128xi32, #tpu.memory_space<vmem>>, vector<16xi32>,
          %parallel_loop3A_147 = arith.constant 1 : i32
          %parallel_loop3A_148 = arith.index_cast %parallel_loop3A_88 : i32 to index
          %parallel_loop3A_149 = arith.index_cast %parallel_loop3A_147 : i32 to index
          %parallel_loop3A_150 = arith.constant 16 : index
          %parallel_loop3A_151 = tpu.vector_load %arg7[%parallel_loop3A_148, %parallel_loop3A_149, %parallel_loop3A_150] {strides = array<i32>} : memref<100x2x128xi32, #tpu.memory_space<vmem>>, vector<16xi32>,
          %parallel_loop3A_152 = arith.constant 51200 : i32
          %parallel_loop3A_153 = vector.broadcast %parallel_loop3A_152 : i32 to vector<16xi32>
          %parallel_loop3A_154 = arith.cmpi sge, %parallel_loop3A_146, %parallel_loop3A_153 : vector<16xi32>
          %parallel_loop3A_155 = arith.constant 51200 : i32
          %parallel_loop3A_156 = vector.broadcast %parallel_loop3A_155 : i32 to vector<16xi32>
          %parallel_loop3A_157 = arith.subi %parallel_loop3A_146, %parallel_loop3A_156 : vector<16xi32>
          %parallel_loop3A_158 = arith.select %parallel_loop3A_154, %parallel_loop3A_157, %parallel_loop3A_146 : vector<16xi1>, vector<16xi32>
          %parallel_loop3A_159 = tpu.vector_load_idx %arg5[%parallel_loop3A_158] : memref<51200xi32, #tpu.memory_space<vmem>>[vector<16xi32>], vector<16xi32>,
          %parallel_loop3A_160 = arith.constant 16 : i32
          %parallel_loop3A_161 = arith.constant 0 : i32
          %parallel_loop3A_162 = vector.broadcast %parallel_loop3A_160 : i32 to vector<16xi32>
          %parallel_loop3A_163 = vector.broadcast %parallel_loop3A_161 : i32 to vector<16xi32>
          %parallel_loop3A_164 = arith.select %parallel_loop3A_154, %parallel_loop3A_162, %parallel_loop3A_163 : vector<16xi1>, vector<16xi32>
          %parallel_loop3A_165 = arith.shrsi %parallel_loop3A_159, %parallel_loop3A_164 : vector<16xi32>
          %parallel_loop3A_166 = arith.constant 16 : i32
          %parallel_loop3A_167 = vector.broadcast %parallel_loop3A_166 : i32 to vector<16xi32>
          %parallel_loop3A_168 = arith.shli %parallel_loop3A_165, %parallel_loop3A_167 : vector<16xi32>
          %parallel_loop3A_169 = vector.bitcast %parallel_loop3A_168 : vector<16xi32> to vector<16xf32>
          %parallel_loop3A_170 = arith.constant 51200 : i32
          %parallel_loop3A_171 = vector.broadcast %parallel_loop3A_170 : i32 to vector<16xi32>
          %parallel_loop3A_172 = arith.cmpi sge, %parallel_loop3A_151, %parallel_loop3A_171 : vector<16xi32>
          %parallel_loop3A_173 = arith.constant 51200 : i32
          %parallel_loop3A_174 = vector.broadcast %parallel_loop3A_173 : i32 to vector<16xi32>
          %parallel_loop3A_175 = arith.subi %parallel_loop3A_151, %parallel_loop3A_174 : vector<16xi32>
          %parallel_loop3A_176 = arith.select %parallel_loop3A_172, %parallel_loop3A_175, %parallel_loop3A_151 : vector<16xi1>, vector<16xi32>
          %parallel_loop3A_177 = tpu.vector_load_idx %arg5[%parallel_loop3A_176] : memref<51200xi32, #tpu.memory_space<vmem>>[vector<16xi32>], vector<16xi32>,
          %parallel_loop3A_178 = arith.constant 16 : i32
          %parallel_loop3A_179 = arith.constant 0 : i32
          %parallel_loop3A_180 = vector.broadcast %parallel_loop3A_178 : i32 to vector<16xi32>
          %parallel_loop3A_181 = vector.broadcast %parallel_loop3A_179 : i32 to vector<16xi32>
          %parallel_loop3A_182 = arith.select %parallel_loop3A_172, %parallel_loop3A_180, %parallel_loop3A_181 : vector<16xi1>, vector<16xi32>
          %parallel_loop3A_183 = arith.shrsi %parallel_loop3A_177, %parallel_loop3A_182 : vector<16xi32>
          %parallel_loop3A_184 = arith.constant 16 : i32
          %parallel_loop3A_185 = vector.broadcast %parallel_loop3A_184 : i32 to vector<16xi32>
          %parallel_loop3A_186 = arith.shli %parallel_loop3A_183, %parallel_loop3A_185 : vector<16xi32>
          %parallel_loop3A_187 = vector.bitcast %parallel_loop3A_186 : vector<16xi32> to vector<16xf32>
          %parallel_loop3A_188 = arith.mulf %parallel_loop3A_169, %parallel_loop3A_187 : vector<16xf32>
          %parallel_loop3A_189 = arith.constant 128 : i32
          %parallel_loop3A_190 = arith.muli %parallel_loop3A_88, %parallel_loop3A_189 : i32
          %parallel_loop3A_191 = arith.constant 16 : i32
          %parallel_loop3A_192 = arith.addi %parallel_loop3A_190, %parallel_loop3A_191 : i32
          %parallel_loop3A_193 = arith.index_cast %parallel_loop3A_192 : i32 to index
          %parallel_loop3A_194 = tpu.vector_load %arg9[%parallel_loop3A_193] {strides = array<i32>} : memref<12800xf32, #tpu.memory_space<vmem>>, vector<16xf32>,
          tpu.vector_store %arg9[%parallel_loop3A_193], %parallel_loop3A_188 {strides = array<i32>} : memref<12800xf32, #tpu.memory_space<vmem>>, vector<16xf32>,
          %parallel_loop3A_195 = arith.constant 0 : i32
          %parallel_loop3A_196 = arith.index_cast %parallel_loop3A_88 : i32 to index
          %parallel_loop3A_197 = arith.index_cast %parallel_loop3A_195 : i32 to index
          %parallel_loop3A_198 = arith.constant 32 : index
          %parallel_loop3A_199 = tpu.vector_load %arg7[%parallel_loop3A_196, %parallel_loop3A_197, %parallel_loop3A_198] {strides = array<i32>} : memref<100x2x128xi32, #tpu.memory_space<vmem>>, vector<16xi32>,
          %parallel_loop3A_200 = arith.constant 1 : i32
          %parallel_loop3A_201 = arith.index_cast %parallel_loop3A_88 : i32 to index
          %parallel_loop3A_202 = arith.index_cast %parallel_loop3A_200 : i32 to index
          %parallel_loop3A_203 = arith.constant 32 : index
          %parallel_loop3A_204 = tpu.vector_load %arg7[%parallel_loop3A_201, %parallel_loop3A_202, %parallel_loop3A_203] {strides = array<i32>} : memref<100x2x128xi32, #tpu.memory_space<vmem>>, vector<16xi32>,
          %parallel_loop3A_205 = arith.constant 51200 : i32
          %parallel_loop3A_206 = vector.broadcast %parallel_loop3A_205 : i32 to vector<16xi32>
          %parallel_loop3A_207 = arith.cmpi sge, %parallel_loop3A_199, %parallel_loop3A_206 : vector<16xi32>
          %parallel_loop3A_208 = arith.constant 51200 : i32
          %parallel_loop3A_209 = vector.broadcast %parallel_loop3A_208 : i32 to vector<16xi32>
          %parallel_loop3A_210 = arith.subi %parallel_loop3A_199, %parallel_loop3A_209 : vector<16xi32>
          %parallel_loop3A_211 = arith.select %parallel_loop3A_207, %parallel_loop3A_210, %parallel_loop3A_199 : vector<16xi1>, vector<16xi32>
          %parallel_loop3A_212 = tpu.vector_load_idx %arg5[%parallel_loop3A_211] : memref<51200xi32, #tpu.memory_space<vmem>>[vector<16xi32>], vector<16xi32>,
          %parallel_loop3A_213 = arith.constant 16 : i32
          %parallel_loop3A_214 = arith.constant 0 : i32
          %parallel_loop3A_215 = vector.broadcast %parallel_loop3A_213 : i32 to vector<16xi32>
          %parallel_loop3A_216 = vector.broadcast %parallel_loop3A_214 : i32 to vector<16xi32>
          %parallel_loop3A_217 = arith.select %parallel_loop3A_207, %parallel_loop3A_215, %parallel_loop3A_216 : vector<16xi1>, vector<16xi32>
          %parallel_loop3A_218 = arith.shrsi %parallel_loop3A_212, %parallel_loop3A_217 : vector<16xi32>
          %parallel_loop3A_219 = arith.constant 16 : i32
          %parallel_loop3A_220 = vector.broadcast %parallel_loop3A_219 : i32 to vector<16xi32>
          %parallel_loop3A_221 = arith.shli %parallel_loop3A_218, %parallel_loop3A_220 : vector<16xi32>
          %parallel_loop3A_222 = vector.bitcast %parallel_loop3A_221 : vector<16xi32> to vector<16xf32>
          %parallel_loop3A_223 = arith.constant 51200 : i32
          %parallel_loop3A_224 = vector.broadcast %parallel_loop3A_223 : i32 to vector<16xi32>
          %parallel_loop3A_225 = arith.cmpi sge, %parallel_loop3A_204, %parallel_loop3A_224 : vector<16xi32>
          %parallel_loop3A_226 = arith.constant 51200 : i32
          %parallel_loop3A_227 = vector.broadcast %parallel_loop3A_226 : i32 to vector<16xi32>
          %parallel_loop3A_228 = arith.subi %parallel_loop3A_204, %parallel_loop3A_227 : vector<16xi32>
          %parallel_loop3A_229 = arith.select %parallel_loop3A_225, %parallel_loop3A_228, %parallel_loop3A_204 : vector<16xi1>, vector<16xi32>
          %parallel_loop3A_230 = tpu.vector_load_idx %arg5[%parallel_loop3A_229] : memref<51200xi32, #tpu.memory_space<vmem>>[vector<16xi32>], vector<16xi32>,
          %parallel_loop3A_231 = arith.constant 16 : i32
          %parallel_loop3A_232 = arith.constant 0 : i32
          %parallel_loop3A_233 = vector.broadcast %parallel_loop3A_231 : i32 to vector<16xi32>
          %parallel_loop3A_234 = vector.broadcast %parallel_loop3A_232 : i32 to vector<16xi32>
          %parallel_loop3A_235 = arith.select %parallel_loop3A_225, %parallel_loop3A_233, %parallel_loop3A_234 : vector<16xi1>, vector<16xi32>
          %parallel_loop3A_236 = arith.shrsi %parallel_loop3A_230, %parallel_loop3A_235 : vector<16xi32>
          %parallel_loop3A_237 = arith.constant 16 : i32
          %parallel_loop3A_238 = vector.broadcast %parallel_loop3A_237 : i32 to vector<16xi32>
          %parallel_loop3A_239 = arith.shli %parallel_loop3A_236, %parallel_loop3A_238 : vector<16xi32>
          %parallel_loop3A_240 = vector.bitcast %parallel_loop3A_239 : vector<16xi32> to vector<16xf32>
          %parallel_loop3A_241 = arith.mulf %parallel_loop3A_222, %parallel_loop3A_240 : vector<16xf32>
          %parallel_loop3A_242 = arith.constant 128 : i32
          %parallel_loop3A_243 = arith.muli %parallel_loop3A_88, %parallel_loop3A_242 : i32
          %parallel_loop3A_244 = arith.constant 32 : i32
          %parallel_loop3A_245 = arith.addi %parallel_loop3A_243, %parallel_loop3A_244 : i32
          %parallel_loop3A_246 = arith.index_cast %parallel_loop3A_245 : i32 to index
          %parallel_loop3A_247 = tpu.vector_load %arg9[%parallel_loop3A_246] {strides = array<i32>} : memref<12800xf32, #tpu.memory_space<vmem>>, vector<16xf32>,
          tpu.vector_store %arg9[%parallel_loop3A_246], %parallel_loop3A_241 {strides = array<i32>} : memref<12800xf32, #tpu.memory_space<vmem>>, vector<16xf32>,
          %parallel_loop3A_248 = arith.constant 0 : i32
          %parallel_loop3A_249 = arith.index_cast %parallel_loop3A_88 : i32 to index
          %parallel_loop3A_250 = arith.index_cast %parallel_loop3A_248 : i32 to index
          %parallel_loop3A_251 = arith.constant 48 : index
          %parallel_loop3A_252 = tpu.vector_load %arg7[%parallel_loop3A_249, %parallel_loop3A_250, %parallel_loop3A_251] {strides = array<i32>} : memref<100x2x128xi32, #tpu.memory_space<vmem>>, vector<16xi32>,
          %parallel_loop3A_253 = arith.constant 1 : i32
          %parallel_loop3A_254 = arith.index_cast %parallel_loop3A_88 : i32 to index
          %parallel_loop3A_255 = arith.index_cast %parallel_loop3A_253 : i32 to index
          %parallel_loop3A_256 = arith.constant 48 : index
          %parallel_loop3A_257 = tpu.vector_load %arg7[%parallel_loop3A_254, %parallel_loop3A_255, %parallel_loop3A_256] {strides = array<i32>} : memref<100x2x128xi32, #tpu.memory_space<vmem>>, vector<16xi32>,
          %parallel_loop3A_258 = arith.constant 51200 : i32
          %parallel_loop3A_259 = vector.broadcast %parallel_loop3A_258 : i32 to vector<16xi32>
          %parallel_loop3A_260 = arith.cmpi sge, %parallel_loop3A_252, %parallel_loop3A_259 : vector<16xi32>
          %parallel_loop3A_261 = arith.constant 51200 : i32
          %parallel_loop3A_262 = vector.broadcast %parallel_loop3A_261 : i32 to vector<16xi32>
          %parallel_loop3A_263 = arith.subi %parallel_loop3A_252, %parallel_loop3A_262 : vector<16xi32>
          %parallel_loop3A_264 = arith.select %parallel_loop3A_260, %parallel_loop3A_263, %parallel_loop3A_252 : vector<16xi1>, vector<16xi32>
          %parallel_loop3A_265 = tpu.vector_load_idx %arg5[%parallel_loop3A_264] : memref<51200xi32, #tpu.memory_space<vmem>>[vector<16xi32>], vector<16xi32>,
          %parallel_loop3A_266 = arith.constant 16 : i32
          %parallel_loop3A_267 = arith.constant 0 : i32
          %parallel_loop3A_268 = vector.broadcast %parallel_loop3A_266 : i32 to vector<16xi32>
          %parallel_loop3A_269 = vector.broadcast %parallel_loop3A_267 : i32 to vector<16xi32>
          %parallel_loop3A_270 = arith.select %parallel_loop3A_260, %parallel_loop3A_268, %parallel_loop3A_269 : vector<16xi1>, vector<16xi32>
          %parallel_loop3A_271 = arith.shrsi %parallel_loop3A_265, %parallel_loop3A_270 : vector<16xi32>
          %parallel_loop3A_272 = arith.constant 16 : i32
          %parallel_loop3A_273 = vector.broadcast %parallel_loop3A_272 : i32 to vector<16xi32>
          %parallel_loop3A_274 = arith.shli %parallel_loop3A_271, %parallel_loop3A_273 : vector<16xi32>
          %parallel_loop3A_275 = vector.bitcast %parallel_loop3A_274 : vector<16xi32> to vector<16xf32>
          %parallel_loop3A_276 = arith.constant 51200 : i32
          %parallel_loop3A_277 = vector.broadcast %parallel_loop3A_276 : i32 to vector<16xi32>
          %parallel_loop3A_278 = arith.cmpi sge, %parallel_loop3A_257, %parallel_loop3A_277 : vector<16xi32>
          %parallel_loop3A_279 = arith.constant 51200 : i32
          %parallel_loop3A_280 = vector.broadcast %parallel_loop3A_279 : i32 to vector<16xi32>
          %parallel_loop3A_281 = arith.subi %parallel_loop3A_257, %parallel_loop3A_280 : vector<16xi32>
          %parallel_loop3A_282 = arith.select %parallel_loop3A_278, %parallel_loop3A_281, %parallel_loop3A_257 : vector<16xi1>, vector<16xi32>
          %parallel_loop3A_283 = tpu.vector_load_idx %arg5[%parallel_loop3A_282] : memref<51200xi32, #tpu.memory_space<vmem>>[vector<16xi32>], vector<16xi32>,
          %parallel_loop3A_284 = arith.constant 16 : i32
          %parallel_loop3A_285 = arith.constant 0 : i32
          %parallel_loop3A_286 = vector.broadcast %parallel_loop3A_284 : i32 to vector<16xi32>
          %parallel_loop3A_287 = vector.broadcast %parallel_loop3A_285 : i32 to vector<16xi32>
          %parallel_loop3A_288 = arith.select %parallel_loop3A_278, %parallel_loop3A_286, %parallel_loop3A_287 : vector<16xi1>, vector<16xi32>
          %parallel_loop3A_289 = arith.shrsi %parallel_loop3A_283, %parallel_loop3A_288 : vector<16xi32>
          %parallel_loop3A_290 = arith.constant 16 : i32
          %parallel_loop3A_291 = vector.broadcast %parallel_loop3A_290 : i32 to vector<16xi32>
          %parallel_loop3A_292 = arith.shli %parallel_loop3A_289, %parallel_loop3A_291 : vector<16xi32>
          %parallel_loop3A_293 = vector.bitcast %parallel_loop3A_292 : vector<16xi32> to vector<16xf32>
          %parallel_loop3A_294 = arith.mulf %parallel_loop3A_275, %parallel_loop3A_293 : vector<16xf32>
          %parallel_loop3A_295 = arith.constant 128 : i32
          %parallel_loop3A_296 = arith.muli %parallel_loop3A_88, %parallel_loop3A_295 : i32
          %parallel_loop3A_297 = arith.constant 48 : i32
          %parallel_loop3A_298 = arith.addi %parallel_loop3A_296, %parallel_loop3A_297 : i32
          %parallel_loop3A_299 = arith.index_cast %parallel_loop3A_298 : i32 to index
          %parallel_loop3A_300 = tpu.vector_load %arg9[%parallel_loop3A_299] {strides = array<i32>} : memref<12800xf32, #tpu.memory_space<vmem>>, vector<16xf32>,
          tpu.vector_store %arg9[%parallel_loop3A_299], %parallel_loop3A_294 {strides = array<i32>} : memref<12800xf32, #tpu.memory_space<vmem>>, vector<16xf32>,
          %parallel_loop3A_301 = arith.constant 0 : i32
          %parallel_loop3A_302 = arith.index_cast %parallel_loop3A_88 : i32 to index
          %parallel_loop3A_303 = arith.index_cast %parallel_loop3A_301 : i32 to index
          %parallel_loop3A_304 = arith.constant 64 : index
          %parallel_loop3A_305 = tpu.vector_load %arg7[%parallel_loop3A_302, %parallel_loop3A_303, %parallel_loop3A_304] {strides = array<i32>} : memref<100x2x128xi32, #tpu.memory_space<vmem>>, vector<16xi32>,
          %parallel_loop3A_306 = arith.constant 1 : i32
          %parallel_loop3A_307 = arith.index_cast %parallel_loop3A_88 : i32 to index
          %parallel_loop3A_308 = arith.index_cast %parallel_loop3A_306 : i32 to index
          %parallel_loop3A_309 = arith.constant 64 : index
          %parallel_loop3A_310 = tpu.vector_load %arg7[%parallel_loop3A_307, %parallel_loop3A_308, %parallel_loop3A_309] {strides = array<i32>} : memref<100x2x128xi32, #tpu.memory_space<vmem>>, vector<16xi32>,
          %parallel_loop3A_311 = arith.constant 51200 : i32
          %parallel_loop3A_312 = vector.broadcast %parallel_loop3A_311 : i32 to vector<16xi32>
          %parallel_loop3A_313 = arith.cmpi sge, %parallel_loop3A_305, %parallel_loop3A_312 : vector<16xi32>
          %parallel_loop3A_314 = arith.constant 51200 : i32
          %parallel_loop3A_315 = vector.broadcast %parallel_loop3A_314 : i32 to vector<16xi32>
          %parallel_loop3A_316 = arith.subi %parallel_loop3A_305, %parallel_loop3A_315 : vector<16xi32>
          %parallel_loop3A_317 = arith.select %parallel_loop3A_313, %parallel_loop3A_316, %parallel_loop3A_305 : vector<16xi1>, vector<16xi32>
          %parallel_loop3A_318 = tpu.vector_load_idx %arg5[%parallel_loop3A_317] : memref<51200xi32, #tpu.memory_space<vmem>>[vector<16xi32>], vector<16xi32>,
          %parallel_loop3A_319 = arith.constant 16 : i32
          %parallel_loop3A_320 = arith.constant 0 : i32
          %parallel_loop3A_321 = vector.broadcast %parallel_loop3A_319 : i32 to vector<16xi32>
          %parallel_loop3A_322 = vector.broadcast %parallel_loop3A_320 : i32 to vector<16xi32>
          %parallel_loop3A_323 = arith.select %parallel_loop3A_313, %parallel_loop3A_321, %parallel_loop3A_322 : vector<16xi1>, vector<16xi32>
          %parallel_loop3A_324 = arith.shrsi %parallel_loop3A_318, %parallel_loop3A_323 : vector<16xi32>
          %parallel_loop3A_325 = arith.constant 16 : i32
          %parallel_loop3A_326 = vector.broadcast %parallel_loop3A_325 : i32 to vector<16xi32>
          %parallel_loop3A_327 = arith.shli %parallel_loop3A_324, %parallel_loop3A_326 : vector<16xi32>
          %parallel_loop3A_328 = vector.bitcast %parallel_loop3A_327 : vector<16xi32> to vector<16xf32>
          %parallel_loop3A_329 = arith.constant 51200 : i32
          %parallel_loop3A_330 = vector.broadcast %parallel_loop3A_329 : i32 to vector<16xi32>
          %parallel_loop3A_331 = arith.cmpi sge, %parallel_loop3A_310, %parallel_loop3A_330 : vector<16xi32>
          %parallel_loop3A_332 = arith.constant 51200 : i32
          %parallel_loop3A_333 = vector.broadcast %parallel_loop3A_332 : i32 to vector<16xi32>
          %parallel_loop3A_334 = arith.subi %parallel_loop3A_310, %parallel_loop3A_333 : vector<16xi32>
          %parallel_loop3A_335 = arith.select %parallel_loop3A_331, %parallel_loop3A_334, %parallel_loop3A_310 : vector<16xi1>, vector<16xi32>
          %parallel_loop3A_336 = tpu.vector_load_idx %arg5[%parallel_loop3A_335] : memref<51200xi32, #tpu.memory_space<vmem>>[vector<16xi32>], vector<16xi32>,
          %parallel_loop3A_337 = arith.constant 16 : i32
          %parallel_loop3A_338 = arith.constant 0 : i32
          %parallel_loop3A_339 = vector.broadcast %parallel_loop3A_337 : i32 to vector<16xi32>
          %parallel_loop3A_340 = vector.broadcast %parallel_loop3A_338 : i32 to vector<16xi32>
          %parallel_loop3A_341 = arith.select %parallel_loop3A_331, %parallel_loop3A_339, %parallel_loop3A_340 : vector<16xi1>, vector<16xi32>
          %parallel_loop3A_342 = arith.shrsi %parallel_loop3A_336, %parallel_loop3A_341 : vector<16xi32>
          %parallel_loop3A_343 = arith.constant 16 : i32
          %parallel_loop3A_344 = vector.broadcast %parallel_loop3A_343 : i32 to vector<16xi32>
          %parallel_loop3A_345 = arith.shli %parallel_loop3A_342, %parallel_loop3A_344 : vector<16xi32>
          %parallel_loop3A_346 = vector.bitcast %parallel_loop3A_345 : vector<16xi32> to vector<16xf32>
          %parallel_loop3A_347 = arith.mulf %parallel_loop3A_328, %parallel_loop3A_346 : vector<16xf32>
          %parallel_loop3A_348 = arith.constant 128 : i32
          %parallel_loop3A_349 = arith.muli %parallel_loop3A_88, %parallel_loop3A_348 : i32
          %parallel_loop3A_350 = arith.constant 64 : i32
          %parallel_loop3A_351 = arith.addi %parallel_loop3A_349, %parallel_loop3A_350 : i32
          %parallel_loop3A_352 = arith.index_cast %parallel_loop3A_351 : i32 to index
          %parallel_loop3A_353 = tpu.vector_load %arg9[%parallel_loop3A_352] {strides = array<i32>} : memref<12800xf32, #tpu.memory_space<vmem>>, vector<16xf32>,
          tpu.vector_store %arg9[%parallel_loop3A_352], %parallel_loop3A_347 {strides = array<i32>} : memref<12800xf32, #tpu.memory_space<vmem>>, vector<16xf32>,
          %parallel_loop3A_354 = arith.constant 0 : i32
          %parallel_loop3A_355 = arith.index_cast %parallel_loop3A_88 : i32 to index
          %parallel_loop3A_356 = arith.index_cast %parallel_loop3A_354 : i32 to index
          %parallel_loop3A_357 = arith.constant 80 : index
          %parallel_loop3A_358 = tpu.vector_load %arg7[%parallel_loop3A_355, %parallel_loop3A_356, %parallel_loop3A_357] {strides = array<i32>} : memref<100x2x128xi32, #tpu.memory_space<vmem>>, vector<16xi32>,
          %parallel_loop3A_359 = arith.constant 1 : i32
          %parallel_loop3A_360 = arith.index_cast %parallel_loop3A_88 : i32 to index
          %parallel_loop3A_361 = arith.index_cast %parallel_loop3A_359 : i32 to index
          %parallel_loop3A_362 = arith.constant 80 : index
          %parallel_loop3A_363 = tpu.vector_load %arg7[%parallel_loop3A_360, %parallel_loop3A_361, %parallel_loop3A_362] {strides = array<i32>} : memref<100x2x128xi32, #tpu.memory_space<vmem>>, vector<16xi32>,
          %parallel_loop3A_364 = arith.constant 51200 : i32
          %parallel_loop3A_365 = vector.broadcast %parallel_loop3A_364 : i32 to vector<16xi32>
          %parallel_loop3A_366 = arith.cmpi sge, %parallel_loop3A_358, %parallel_loop3A_365 : vector<16xi32>
          %parallel_loop3A_367 = arith.constant 51200 : i32
          %parallel_loop3A_368 = vector.broadcast %parallel_loop3A_367 : i32 to vector<16xi32>
          %parallel_loop3A_369 = arith.subi %parallel_loop3A_358, %parallel_loop3A_368 : vector<16xi32>
          %parallel_loop3A_370 = arith.select %parallel_loop3A_366, %parallel_loop3A_369, %parallel_loop3A_358 : vector<16xi1>, vector<16xi32>
          %parallel_loop3A_371 = tpu.vector_load_idx %arg5[%parallel_loop3A_370] : memref<51200xi32, #tpu.memory_space<vmem>>[vector<16xi32>], vector<16xi32>,
          %parallel_loop3A_372 = arith.constant 16 : i32
          %parallel_loop3A_373 = arith.constant 0 : i32
          %parallel_loop3A_374 = vector.broadcast %parallel_loop3A_372 : i32 to vector<16xi32>
          %parallel_loop3A_375 = vector.broadcast %parallel_loop3A_373 : i32 to vector<16xi32>
          %parallel_loop3A_376 = arith.select %parallel_loop3A_366, %parallel_loop3A_374, %parallel_loop3A_375 : vector<16xi1>, vector<16xi32>
          %parallel_loop3A_377 = arith.shrsi %parallel_loop3A_371, %parallel_loop3A_376 : vector<16xi32>
          %parallel_loop3A_378 = arith.constant 16 : i32
          %parallel_loop3A_379 = vector.broadcast %parallel_loop3A_378 : i32 to vector<16xi32>
          %parallel_loop3A_380 = arith.shli %parallel_loop3A_377, %parallel_loop3A_379 : vector<16xi32>
          %parallel_loop3A_381 = vector.bitcast %parallel_loop3A_380 : vector<16xi32> to vector<16xf32>
          %parallel_loop3A_382 = arith.constant 51200 : i32
          %parallel_loop3A_383 = vector.broadcast %parallel_loop3A_382 : i32 to vector<16xi32>
          %parallel_loop3A_384 = arith.cmpi sge, %parallel_loop3A_363, %parallel_loop3A_383 : vector<16xi32>
          %parallel_loop3A_385 = arith.constant 51200 : i32
          %parallel_loop3A_386 = vector.broadcast %parallel_loop3A_385 : i32 to vector<16xi32>
          %parallel_loop3A_387 = arith.subi %parallel_loop3A_363, %parallel_loop3A_386 : vector<16xi32>
          %parallel_loop3A_388 = arith.select %parallel_loop3A_384, %parallel_loop3A_387, %parallel_loop3A_363 : vector<16xi1>, vector<16xi32>
          %parallel_loop3A_389 = tpu.vector_load_idx %arg5[%parallel_loop3A_388] : memref<51200xi32, #tpu.memory_space<vmem>>[vector<16xi32>], vector<16xi32>,
          %parallel_loop3A_390 = arith.constant 16 : i32
          %parallel_loop3A_391 = arith.constant 0 : i32
          %parallel_loop3A_392 = vector.broadcast %parallel_loop3A_390 : i32 to vector<16xi32>
          %parallel_loop3A_393 = vector.broadcast %parallel_loop3A_391 : i32 to vector<16xi32>
          %parallel_loop3A_394 = arith.select %parallel_loop3A_384, %parallel_loop3A_392, %parallel_loop3A_393 : vector<16xi1>, vector<16xi32>
          %parallel_loop3A_395 = arith.shrsi %parallel_loop3A_389, %parallel_loop3A_394 : vector<16xi32>
          %parallel_loop3A_396 = arith.constant 16 : i32
          %parallel_loop3A_397 = vector.broadcast %parallel_loop3A_396 : i32 to vector<16xi32>
          %parallel_loop3A_398 = arith.shli %parallel_loop3A_395, %parallel_loop3A_397 : vector<16xi32>
          %parallel_loop3A_399 = vector.bitcast %parallel_loop3A_398 : vector<16xi32> to vector<16xf32>
          %parallel_loop3A_400 = arith.mulf %parallel_loop3A_381, %parallel_loop3A_399 : vector<16xf32>
          %parallel_loop3A_401 = arith.constant 128 : i32
          %parallel_loop3A_402 = arith.muli %parallel_loop3A_88, %parallel_loop3A_401 : i32
          %parallel_loop3A_403 = arith.constant 80 : i32
          %parallel_loop3A_404 = arith.addi %parallel_loop3A_402, %parallel_loop3A_403 : i32
          %parallel_loop3A_405 = arith.index_cast %parallel_loop3A_404 : i32 to index
          %parallel_loop3A_406 = tpu.vector_load %arg9[%parallel_loop3A_405] {strides = array<i32>} : memref<12800xf32, #tpu.memory_space<vmem>>, vector<16xf32>,
          tpu.vector_store %arg9[%parallel_loop3A_405], %parallel_loop3A_400 {strides = array<i32>} : memref<12800xf32, #tpu.memory_space<vmem>>, vector<16xf32>,
          %parallel_loop3A_407 = arith.constant 0 : i32
          %parallel_loop3A_408 = arith.index_cast %parallel_loop3A_88 : i32 to index
          %parallel_loop3A_409 = arith.index_cast %parallel_loop3A_407 : i32 to index
          %parallel_loop3A_410 = arith.constant 96 : index
          %parallel_loop3A_411 = tpu.vector_load %arg7[%parallel_loop3A_408, %parallel_loop3A_409, %parallel_loop3A_410] {strides = array<i32>} : memref<100x2x128xi32, #tpu.memory_space<vmem>>, vector<16xi32>,
          %parallel_loop3A_412 = arith.constant 1 : i32
          %parallel_loop3A_413 = arith.index_cast %parallel_loop3A_88 : i32 to index
          %parallel_loop3A_414 = arith.index_cast %parallel_loop3A_412 : i32 to index
          %parallel_loop3A_415 = arith.constant 96 : index
          %parallel_loop3A_416 = tpu.vector_load %arg7[%parallel_loop3A_413, %parallel_loop3A_414, %parallel_loop3A_415] {strides = array<i32>} : memref<100x2x128xi32, #tpu.memory_space<vmem>>, vector<16xi32>,
          %parallel_loop3A_417 = arith.constant 51200 : i32
          %parallel_loop3A_418 = vector.broadcast %parallel_loop3A_417 : i32 to vector<16xi32>
          %parallel_loop3A_419 = arith.cmpi sge, %parallel_loop3A_411, %parallel_loop3A_418 : vector<16xi32>
          %parallel_loop3A_420 = arith.constant 51200 : i32
          %parallel_loop3A_421 = vector.broadcast %parallel_loop3A_420 : i32 to vector<16xi32>
          %parallel_loop3A_422 = arith.subi %parallel_loop3A_411, %parallel_loop3A_421 : vector<16xi32>
          %parallel_loop3A_423 = arith.select %parallel_loop3A_419, %parallel_loop3A_422, %parallel_loop3A_411 : vector<16xi1>, vector<16xi32>
          %parallel_loop3A_424 = tpu.vector_load_idx %arg5[%parallel_loop3A_423] : memref<51200xi32, #tpu.memory_space<vmem>>[vector<16xi32>], vector<16xi32>,
          %parallel_loop3A_425 = arith.constant 16 : i32
          %parallel_loop3A_426 = arith.constant 0 : i32
          %parallel_loop3A_427 = vector.broadcast %parallel_loop3A_425 : i32 to vector<16xi32>
          %parallel_loop3A_428 = vector.broadcast %parallel_loop3A_426 : i32 to vector<16xi32>
          %parallel_loop3A_429 = arith.select %parallel_loop3A_419, %parallel_loop3A_427, %parallel_loop3A_428 : vector<16xi1>, vector<16xi32>
          %parallel_loop3A_430 = arith.shrsi %parallel_loop3A_424, %parallel_loop3A_429 : vector<16xi32>
          %parallel_loop3A_431 = arith.constant 16 : i32
          %parallel_loop3A_432 = vector.broadcast %parallel_loop3A_431 : i32 to vector<16xi32>
          %parallel_loop3A_433 = arith.shli %parallel_loop3A_430, %parallel_loop3A_432 : vector<16xi32>
          %parallel_loop3A_434 = vector.bitcast %parallel_loop3A_433 : vector<16xi32> to vector<16xf32>
          %parallel_loop3A_435 = arith.constant 51200 : i32
          %parallel_loop3A_436 = vector.broadcast %parallel_loop3A_435 : i32 to vector<16xi32>
          %parallel_loop3A_437 = arith.cmpi sge, %parallel_loop3A_416, %parallel_loop3A_436 : vector<16xi32>
          %parallel_loop3A_438 = arith.constant 51200 : i32
          %parallel_loop3A_439 = vector.broadcast %parallel_loop3A_438 : i32 to vector<16xi32>
          %parallel_loop3A_440 = arith.subi %parallel_loop3A_416, %parallel_loop3A_439 : vector<16xi32>
          %parallel_loop3A_441 = arith.select %parallel_loop3A_437, %parallel_loop3A_440, %parallel_loop3A_416 : vector<16xi1>, vector<16xi32>
          %parallel_loop3A_442 = tpu.vector_load_idx %arg5[%parallel_loop3A_441] : memref<51200xi32, #tpu.memory_space<vmem>>[vector<16xi32>], vector<16xi32>,
          %parallel_loop3A_443 = arith.constant 16 : i32
          %parallel_loop3A_444 = arith.constant 0 : i32
          %parallel_loop3A_445 = vector.broadcast %parallel_loop3A_443 : i32 to vector<16xi32>
          %parallel_loop3A_446 = vector.broadcast %parallel_loop3A_444 : i32 to vector<16xi32>
          %parallel_loop3A_447 = arith.select %parallel_loop3A_437, %parallel_loop3A_445, %parallel_loop3A_446 : vector<16xi1>, vector<16xi32>
          %parallel_loop3A_448 = arith.shrsi %parallel_loop3A_442, %parallel_loop3A_447 : vector<16xi32>
          %parallel_loop3A_449 = arith.constant 16 : i32
          %parallel_loop3A_450 = vector.broadcast %parallel_loop3A_449 : i32 to vector<16xi32>
          %parallel_loop3A_451 = arith.shli %parallel_loop3A_448, %parallel_loop3A_450 : vector<16xi32>
          %parallel_loop3A_452 = vector.bitcast %parallel_loop3A_451 : vector<16xi32> to vector<16xf32>
          %parallel_loop3A_453 = arith.mulf %parallel_loop3A_434, %parallel_loop3A_452 : vector<16xf32>
          %parallel_loop3A_454 = arith.constant 128 : i32
          %parallel_loop3A_455 = arith.muli %parallel_loop3A_88, %parallel_loop3A_454 : i32
          %parallel_loop3A_456 = arith.constant 96 : i32
          %parallel_loop3A_457 = arith.addi %parallel_loop3A_455, %parallel_loop3A_456 : i32
          %parallel_loop3A_458 = arith.index_cast %parallel_loop3A_457 : i32 to index
          %parallel_loop3A_459 = tpu.vector_load %arg9[%parallel_loop3A_458] {strides = array<i32>} : memref<12800xf32, #tpu.memory_space<vmem>>, vector<16xf32>,
          tpu.vector_store %arg9[%parallel_loop3A_458], %parallel_loop3A_453 {strides = array<i32>} : memref<12800xf32, #tpu.memory_space<vmem>>, vector<16xf32>,
          %parallel_loop3A_460 = arith.constant 0 : i32
          %parallel_loop3A_461 = arith.index_cast %parallel_loop3A_88 : i32 to index
          %parallel_loop3A_462 = arith.index_cast %parallel_loop3A_460 : i32 to index
          %parallel_loop3A_463 = arith.constant 112 : index
          %parallel_loop3A_464 = tpu.vector_load %arg7[%parallel_loop3A_461, %parallel_loop3A_462, %parallel_loop3A_463] {strides = array<i32>} : memref<100x2x128xi32, #tpu.memory_space<vmem>>, vector<16xi32>,
          %parallel_loop3A_465 = arith.constant 1 : i32
          %parallel_loop3A_466 = arith.index_cast %parallel_loop3A_88 : i32 to index
          %parallel_loop3A_467 = arith.index_cast %parallel_loop3A_465 : i32 to index
          %parallel_loop3A_468 = arith.constant 112 : index
          %parallel_loop3A_469 = tpu.vector_load %arg7[%parallel_loop3A_466, %parallel_loop3A_467, %parallel_loop3A_468] {strides = array<i32>} : memref<100x2x128xi32, #tpu.memory_space<vmem>>, vector<16xi32>,
          %parallel_loop3A_470 = arith.constant 51200 : i32
          %parallel_loop3A_471 = vector.broadcast %parallel_loop3A_470 : i32 to vector<16xi32>
          %parallel_loop3A_472 = arith.cmpi sge, %parallel_loop3A_464, %parallel_loop3A_471 : vector<16xi32>
          %parallel_loop3A_473 = arith.constant 51200 : i32
          %parallel_loop3A_474 = vector.broadcast %parallel_loop3A_473 : i32 to vector<16xi32>
          %parallel_loop3A_475 = arith.subi %parallel_loop3A_464, %parallel_loop3A_474 : vector<16xi32>
          %parallel_loop3A_476 = arith.select %parallel_loop3A_472, %parallel_loop3A_475, %parallel_loop3A_464 : vector<16xi1>, vector<16xi32>
          %parallel_loop3A_477 = tpu.vector_load_idx %arg5[%parallel_loop3A_476] : memref<51200xi32, #tpu.memory_space<vmem>>[vector<16xi32>], vector<16xi32>,
          %parallel_loop3A_478 = arith.constant 16 : i32
          %parallel_loop3A_479 = arith.constant 0 : i32
          %parallel_loop3A_480 = vector.broadcast %parallel_loop3A_478 : i32 to vector<16xi32>
          %parallel_loop3A_481 = vector.broadcast %parallel_loop3A_479 : i32 to vector<16xi32>
          %parallel_loop3A_482 = arith.select %parallel_loop3A_472, %parallel_loop3A_480, %parallel_loop3A_481 : vector<16xi1>, vector<16xi32>
          %parallel_loop3A_483 = arith.shrsi %parallel_loop3A_477, %parallel_loop3A_482 : vector<16xi32>
          %parallel_loop3A_484 = arith.constant 16 : i32
          %parallel_loop3A_485 = vector.broadcast %parallel_loop3A_484 : i32 to vector<16xi32>
          %parallel_loop3A_486 = arith.shli %parallel_loop3A_483, %parallel_loop3A_485 : vector<16xi32>
          %parallel_loop3A_487 = vector.bitcast %parallel_loop3A_486 : vector<16xi32> to vector<16xf32>
          %parallel_loop3A_488 = arith.constant 51200 : i32
          %parallel_loop3A_489 = vector.broadcast %parallel_loop3A_488 : i32 to vector<16xi32>
          %parallel_loop3A_490 = arith.cmpi sge, %parallel_loop3A_469, %parallel_loop3A_489 : vector<16xi32>
          %parallel_loop3A_491 = arith.constant 51200 : i32
          %parallel_loop3A_492 = vector.broadcast %parallel_loop3A_491 : i32 to vector<16xi32>
          %parallel_loop3A_493 = arith.subi %parallel_loop3A_469, %parallel_loop3A_492 : vector<16xi32>
          %parallel_loop3A_494 = arith.select %parallel_loop3A_490, %parallel_loop3A_493, %parallel_loop3A_469 : vector<16xi1>, vector<16xi32>
          %parallel_loop3A_495 = tpu.vector_load_idx %arg5[%parallel_loop3A_494] : memref<51200xi32, #tpu.memory_space<vmem>>[vector<16xi32>], vector<16xi32>,
          %parallel_loop3A_496 = arith.constant 16 : i32
          %parallel_loop3A_497 = arith.constant 0 : i32
          %parallel_loop3A_498 = vector.broadcast %parallel_loop3A_496 : i32 to vector<16xi32>
          %parallel_loop3A_499 = vector.broadcast %parallel_loop3A_497 : i32 to vector<16xi32>
          %parallel_loop3A_500 = arith.select %parallel_loop3A_490, %parallel_loop3A_498, %parallel_loop3A_499 : vector<16xi1>, vector<16xi32>
          %parallel_loop3A_501 = arith.shrsi %parallel_loop3A_495, %parallel_loop3A_500 : vector<16xi32>
          %parallel_loop3A_502 = arith.constant 16 : i32
          %parallel_loop3A_503 = vector.broadcast %parallel_loop3A_502 : i32 to vector<16xi32>
          %parallel_loop3A_504 = arith.shli %parallel_loop3A_501, %parallel_loop3A_503 : vector<16xi32>
          %parallel_loop3A_505 = vector.bitcast %parallel_loop3A_504 : vector<16xi32> to vector<16xf32>
          %parallel_loop3A_506 = arith.mulf %parallel_loop3A_487, %parallel_loop3A_505 : vector<16xf32>
          %parallel_loop3A_507 = arith.constant 128 : i32
          %parallel_loop3A_508 = arith.muli %parallel_loop3A_88, %parallel_loop3A_507 : i32
          %parallel_loop3A_509 = arith.constant 112 : i32
          %parallel_loop3A_510 = arith.addi %parallel_loop3A_508, %parallel_loop3A_509 : i32
          %parallel_loop3A_511 = arith.index_cast %parallel_loop3A_510 : i32 to index
          %parallel_loop3A_512 = tpu.vector_load %arg9[%parallel_loop3A_511] {strides = array<i32>} : memref<12800xf32, #tpu.memory_space<vmem>>, vector<16xf32>,
          tpu.vector_store %arg9[%parallel_loop3A_511], %parallel_loop3A_506 {strides = array<i32>} : memref<12800xf32, #tpu.memory_space<vmem>>, vector<16xf32>,
        } {sc.loop_unroll_factor = 4 : i64, sc.parallel_access}
        %mul3A_81 = arith.constant 32 : i32
        %mul3A_82 = arith.muli %add3A_50, %mul3A_81 : i32
        %add3A_83 = arith.addi %add3A, %mul3A_82 : i32
        %mul3A_84 = arith.constant 12800 : i32
        %mul3A_85 = arith.muli %add3A_83, %mul3A_84 : i32
        %dma_start3A_86 = tpu.memref_slice %arg4[%mul3A_85] : memref<6400000xf32, #tpu.memory_space<hbm>> -> memref<12800xf32, #tpu.memory_space<hbm>>
        %dma_start3A_87 = tpu.memref_slice %arg4[%mul3A_85] : memref<6400000xf32, #tpu.memory_space<hbm>> -> memref<12800xf32, #tpu.memory_space<hbm>>
        tpu.enqueue_dma source(%arg9 : memref<12800xf32, #tpu.memory_space<vmem>>) target(%dma_start3A_87 : memref<12800xf32, #tpu.memory_space<hbm>>) target_semaphore(%arg13 : memref<!tpu.dma_semaphore, #tpu.memory_space<semaphore_mem>>)
      } else {
      }
      %scan3A_66 = arith.constant 0 : i32
      scf.yield %scan3A_66 : i32
    }
    %scan3A_37 = arith.constant 8 : i32
    %dma_wait3A = arith.constant 0 : i32
    %dma_wait3A_38 = tpu.memref_slice %arg4[%dma_wait3A] : memref<6400000xf32, #tpu.memory_space<hbm>> -> memref<12800xf32, #tpu.memory_space<hbm>>
    %dma_wait3A_39 = arith.constant 0 : i32
    %dma_wait3A_40 = tpu.memref_slice %arg4[%dma_wait3A_39] : memref<6400000xf32, #tpu.memory_space<hbm>> -> memref<12800xf32, #tpu.memory_space<hbm>>
    tpu.wait_dma2 semaphore(%arg12 : memref<!tpu.dma_semaphore, #tpu.memory_space<semaphore_mem>>) src(%arg8 : memref<12800xf32, #tpu.memory_space<vmem>>) dst(%dma_wait3A_40 : memref<12800xf32, #tpu.memory_space<hbm>>)
    %dma_wait3A_41 = arith.constant 0 : i32
    %dma_wait3A_42 = tpu.memref_slice %arg4[%dma_wait3A_41] : memref<6400000xf32, #tpu.memory_space<hbm>> -> memref<12800xf32, #tpu.memory_space<hbm>>
    %dma_wait3A_43 = arith.constant 0 : i32
    %dma_wait3A_44 = tpu.memref_slice %arg4[%dma_wait3A_43] : memref<6400000xf32, #tpu.memory_space<hbm>> -> memref<12800xf32, #tpu.memory_space<hbm>>
    tpu.wait_dma2 semaphore(%arg13 : memref<!tpu.dma_semaphore, #tpu.memory_space<semaphore_mem>>) src(%arg9 : memref<12800xf32, #tpu.memory_space<vmem>>) dst(%dma_wait3A_44 : memref<12800xf32, #tpu.memory_space<hbm>>)
    return
  }
}

module attributes {stable_mosaic.version = 14 : i64} {
  func.func @_tc_body(%arg0: memref<1x1xf32, #tpu.memory_space<smem>>, %arg1: memref<800x128xf32, #tpu.memory_space<vmem>>, %arg2: memref<800x128xf32, #tpu.memory_space<vmem>>, %arg3: memref<400x128xi32, #tpu.memory_space<vmem>>, %arg4: memref<1x1xf32, #tpu.memory_space<smem>>) attributes {dimension_semantics = [], scalar_prefetch = 0 : i64, scratch_operands = 0 : i64, tpu.core_type = #tpu.core_type<tc>} {
    %get3A = arith.constant 0 : index
    %get3A_0 = arith.constant 0 : index
    %get3A_1 = vector.load %arg1[%get3A, %get3A_0] : memref<800x128xf32, #tpu.memory_space<vmem>>, vector<800x128xf32>
    %get3A_2 = arith.constant 0 : index
    %get3A_3 = arith.constant 0 : index
    %get3A_4 = vector.load %arg2[%get3A_2, %get3A_3] : memref<800x128xf32, #tpu.memory_space<vmem>>, vector<800x128xf32>
    %get3A_5 = arith.constant 0 : index
    %get3A_6 = arith.constant 0 : index
    %get3A_7 = memref.load %arg0[%get3A_5, %get3A_6] : memref<1x1xf32, #tpu.memory_space<smem>>
    %log3A = math.log %get3A_4 : vector<800x128xf32>
    %sub3A = arith.constant 1.000000e+00 : f32
    %sub3A_8 = vector.broadcast %sub3A : f32 to vector<800x128xf32>
    %sub3A_9 = arith.subf %sub3A_8, %get3A_4 : vector<800x128xf32>
    %log3A_10 = math.log %sub3A_9 : vector<800x128xf32>
    %sub3A_11 = arith.subf %log3A, %log3A_10 : vector<800x128xf32>
    %add3A = arith.addf %get3A_1, %sub3A_11 : vector<800x128xf32>
    %div3A = arith.constant 1.000000e+00 : f32
    %div3A_12 = vector.broadcast %div3A : f32 to vector<800x128xf32>
    %div3A_13 = arith.divf %add3A, %div3A_12 : vector<800x128xf32>
    %logistic3A = arith.negf %div3A_13 : vector<800x128xf32>
    %logistic3A_14 = math.exp %logistic3A : vector<800x128xf32>
    %logistic3A_15 = arith.constant 1.000000e+00 : f32
    %logistic3A_16 = vector.broadcast %logistic3A_15 : f32 to vector<800x128xf32>
    %logistic3A_17 = arith.addf %logistic3A_16, %logistic3A_14 : vector<800x128xf32>
    %logistic3A_18 = arith.divf %logistic3A_16, %logistic3A_17 : vector<800x128xf32>
    %convert_element_type3A = arith.truncf %logistic3A_18 : vector<800x128xf32> to vector<800x128xbf16>
    %bitcast_convert_type3A = tpu.bitcast %convert_element_type3A : vector<800x128xbf16> -> vector<800x128xi16>
    %convert_element_type3A_19 = arith.extui %bitcast_convert_type3A : vector<800x128xi16> to vector<800x128xi32>
    %slice3A = vector.extract_strided_slice %convert_element_type3A_19 {offsets = [0, 0], sizes = [400, 128], strides = [1, 1]} : vector<800x128xi32> to vector<400x128xi32>
    %slice3A_20 = vector.extract_strided_slice %convert_element_type3A_19 {offsets = [400, 0], sizes = [400, 128], strides = [1, 1]} : vector<800x128xi32> to vector<400x128xi32>
    %shift_left3A = arith.constant 16 : i32
    %shift_left3A_21 = vector.broadcast %shift_left3A : i32 to vector<400x128xi32>
    %shift_left3A_22 = arith.shli %slice3A_20, %shift_left3A_21 : vector<400x128xi32>
    %or3A = arith.ori %slice3A, %shift_left3A_22 : vector<400x128xi32>
    %bitcast_convert_type3A_23 = tpu.bitcast %or3A : vector<400x128xi32> -> vector<400x128xi32>
    %swap3A = arith.constant 0 : index
    %swap3A_24 = arith.constant 0 : index
    %swap3A_25 = vector.load %arg3[%swap3A, %swap3A_24] : memref<400x128xi32, #tpu.memory_space<vmem>>, vector<400x128xi32>
    tpu.vector_store %arg3[%swap3A, %swap3A_24], %bitcast_convert_type3A_23 {strides = array<i32>} : memref<400x128xi32, #tpu.memory_space<vmem>>, vector<400x128xi32>,
    %logistic3A_26 = arith.negf %get3A_1 : vector<800x128xf32>
    %logistic3A_27 = math.exp %logistic3A_26 : vector<800x128xf32>
    %logistic3A_28 = arith.constant 1.000000e+00 : f32
    %logistic3A_29 = vector.broadcast %logistic3A_28 : f32 to vector<800x128xf32>
    %logistic3A_30 = arith.addf %logistic3A_29, %logistic3A_27 : vector<800x128xf32>
    %logistic3A_31 = arith.divf %logistic3A_29, %logistic3A_30 : vector<800x128xf32>
    %div3A_32 = vector.broadcast %get3A_7 : f32 to vector<800x128xf32>
    %div3A_33 = arith.divf %logistic3A_31, %div3A_32 : vector<800x128xf32>
    %add3A_34 = arith.constant 9.99999997E-7 : f32
    %add3A_35 = vector.broadcast %add3A_34 : f32 to vector<800x128xf32>
    %add3A_36 = arith.addf %div3A_33, %add3A_35 : vector<800x128xf32>
    %log3A_37 = math.log %add3A_36 : vector<800x128xf32>
    %mul3A = arith.mulf %logistic3A_31, %log3A_37 : vector<800x128xf32>
    %sub3A_38 = arith.constant 1.000000e+00 : f32
    %sub3A_39 = vector.broadcast %sub3A_38 : f32 to vector<800x128xf32>
    %sub3A_40 = arith.subf %sub3A_39, %logistic3A_31 : vector<800x128xf32>
    %sub3A_41 = arith.constant 1.000000e+00 : f32
    %sub3A_42 = vector.broadcast %sub3A_41 : f32 to vector<800x128xf32>
    %sub3A_43 = arith.subf %sub3A_42, %logistic3A_31 : vector<800x128xf32>
    %sub3A_44 = arith.constant 1.000000e+00 : f32
    %sub3A_45 = arith.subf %sub3A_44, %get3A_7 : f32
    %add3A_46 = arith.constant 9.99999997E-7 : f32
    %add3A_47 = arith.addf %sub3A_45, %add3A_46 : f32
    %div3A_48 = vector.broadcast %add3A_47 : f32 to vector<800x128xf32>
    %div3A_49 = arith.divf %sub3A_43, %div3A_48 : vector<800x128xf32>
    %add3A_50 = arith.constant 9.99999997E-7 : f32
    %add3A_51 = vector.broadcast %add3A_50 : f32 to vector<800x128xf32>
    %add3A_52 = arith.addf %div3A_49, %add3A_51 : vector<800x128xf32>
    %log3A_53 = math.log %add3A_52 : vector<800x128xf32>
    %mul3A_54 = arith.mulf %sub3A_40, %log3A_53 : vector<800x128xf32>
    %add3A_55 = arith.addf %mul3A, %mul3A_54 : vector<800x128xf32>
    %iota3A = tpu.iota {dimensions = array<i32: 0>} : vector<800x128xi32>
    %iota3A_56 = tpu.iota {dimensions = array<i32: 1>} : vector<800x128xi32>
    %mul3A_57 = arith.constant 128 : i32
    %mul3A_58 = vector.broadcast %mul3A_57 : i32 to vector<800x128xi32>
    %mul3A_59 = arith.muli %iota3A, %mul3A_58 : vector<800x128xi32>
    %add3A_60 = arith.addi %mul3A_59, %iota3A_56 : vector<800x128xi32>
    %lt3A = arith.constant 100000 : i32
    %lt3A_61 = vector.broadcast %lt3A : i32 to vector<800x128xi32>
    %lt3A_62 = arith.cmpi slt, %add3A_60, %lt3A_61 : vector<800x128xi32>
    %jit3A = arith.constant 0.000000e+00 : f32
    %broadcast_in_dim3A = vector.broadcast %jit3A : f32 to vector<800x128xf32>
    %select_n3A = arith.select %lt3A_62, %add3A_55, %broadcast_in_dim3A : vector<800x128xi1>, vector<800x128xf32>
    %reduce_sum3A = vector.shape_cast %select_n3A : vector<800x128xf32> to vector<1x800x128xf32>
    %reduce_sum3A_63 = arith.constant dense<0.000000e+00> : vector<1xf32>
    %reduce_sum3A_64 = vector.multi_reduction <add>, %reduce_sum3A, %reduce_sum3A_63 [1, 2] : vector<1x800x128xf32> to vector<1xf32>
    %reduce_sum3A_65 = vector.shape_cast %reduce_sum3A_64 : vector<1xf32> to vector<1x1x1xf32>
    %reduce_sum3A_66 = vector.extract %reduce_sum3A_65[0, 0, 0] : f32 from vector<1x1x1xf32>
    %mul3A_67 = arith.constant 9.99999974E-6 : f32
    %mul3A_68 = arith.mulf %reduce_sum3A_66, %mul3A_67 : f32
    %swap3A_69 = arith.constant 0 : index
    %swap3A_70 = arith.constant 0 : index
    %swap3A_71 = memref.load %arg4[%swap3A_69, %swap3A_70] : memref<1x1xf32, #tpu.memory_space<smem>>
    memref.store %mul3A_68, %arg4[%swap3A_69, %swap3A_70] : memref<1x1xf32, #tpu.memory_space<smem>>
    return
  }
}

</mosaic_0001>

<sc_bundles>
// kernel: kernel.4.cloned.1.call-start
scs
__scs_entry_jumppad:
0x0: {  	(pc) =	sbr.rel $0x88, $3  }
0x1: {  	(tag) =	ssettag $0x0;
	lr =	simm.s32 $0x1  }
0x2: {  	[smem:$0x3F9D] =	sst lr;
	_ =	strace $0xD0000000  }
0x3: {  	_ = 	snop  }
0x4: {  	_ = 	snop  }
0x5: {  	_ = 	snop  }
0x6: {  	_ = 	snop  }
0x7: {  	_ = 	snop  }
__scs_overlays_trampoline_lowered:
0x8: {  	[smem:$0x3FAC] =	sst s0  }
0x9: {  	[smem:$0x3FAD] =	sst s1  }
0xa: {  	[smem:$0x3FAE] =	sst s2  }
0xb: {  	[smem:$0x3FAF] =	sst s3  }
0xc: {  	[smem:$0x3FB0] =	sst s4  }
0xd: {  	[smem:$0x3FB1] =	sst s5  }
0xe: {  	[smem:$0x3FB2] =	sst s6  }
0xf: {  	[smem:$0x3FB3] =	sst s7  }
0x10: {  	[smem:$0x3FB4] =	sst s8  }
0x11: {  	[smem:$0x3FB5] =	sst s9;
	s0 =	simm.s32 @!p0 $0x0  }
0x12: {  	s1 =	sld [smem:$0x3F9B];
	s0 =	simm.s32 @p0 $0x1  }
0x13: {  	[smem:$0x3FB6] =	sst s0;
	s0 =	simm.s32 @!p1 $0x0  }
0x14: {  	s2 =	sld [smem:$0x3F9A];
	s0 =	simm.s32 @p1 $0x1  }
0x15: {  	[smem:$0x3FB7] =	sst s0;
	s0 =	simm.s32 @!p2 $0x0  }
0x16: {  	s3 =	sld [smem:$0x3FDB];
	s0 =	simm.s32 @p2 $0x1  }
0x17: {  	s4 =	simm.s32 $0x1BF5;
	[smem:$0x3FB9] =	sst s0  }
0x18: {  	s0 =	sld [smem:$0x3F9C];
	_ =	swait.ge [sflag:s4], $0x0  }
0x19: {  	s7 =	sld [smem:$0x3F9D]  }
0x1a: {  	s8 =	sadd.s32 $0xFFFFE003, lr  }
0x1b: {  	s9 =	sadd.s32 $0xFFFFFEF7, lr;
	s5 =	simm.s32 $0xFFFFFFFF;
	p2 =	slt.u32 s8, $0xFFFFF086  }
0x1c: {  	p1 =	slt.u32 s9, $0xF7A;
	s5 =	simm.s32 @!p2 $0x0  }
0x1d: {  	s5 =	simm.s32 @p1 $0x1;
	p0 =	seq.s32 s7, s2  }
0x1e: {  	s7 =	smul.u32 @!p0 $0xF7A, s2;
	p2 =	seq.s32 @!p0 s5, $0x0  }
0x1f: {  	s9 =	smul.u32 $0xF7A, s1;
	s8 =	simm.s32 @!p0 $0x1BF5;
	p2 =	por !p2, p0  }
0x20: {  	[sflag:s8] =	ssyncset.s32 @!p0 $0xFFFFF086;
	s6 =	sadd.s32 @!p0 s3, s7;
	s7 =	simm.s32 @!p0 $0x108  }
0x21: {  	s3 =	sadd.s32 s3, s9;
	s6 =	sadd.s32 @!p0 $0x88, s6;
	s7 =	simm.s32 @p2 $0x1082  }
0x22: {  	[simem:s7], [sflag:s8] =	dma.local @!p0 [hbm:s6], $0xF7A  }
0x23: {  	s9 =	sor.u32 $0xD0000000, s2;
	s6 =	simm.s32 $0x108;
	_ =	swait.ge @!p0 [sflag:s8], $0x0  }
0x24: {  	s3 =	sadd.s32 $0x88, s3;
	s6 =	simm.s32 @!p1 $0x1082;
	[sflag:s4] =	ssyncset.s32 $0xFFFFF086  }
0x25: {  	[simem:s6], [sflag:s4] =	dma.local [hbm:s3], $0xF7A  }
0x26: {  	[smem:$0x3F9D] =	sst s1;
	(tag) =	ssettag s2;
	_ =	strace s9  }
0x27: {  	s1 =	sld [smem:$0x3FAD]  }
0x28: {  	s2 =	sld [smem:$0x3FAE]  }
0x29: {  	s4 =	sld [smem:$0x3FB0]  }
0x2a: {  	p0 =	seq.s32 s5, $0x0;
	s5 =	sld [smem:$0x3FB1]  }
0x2b: {  	s6 =	sld [smem:$0x3FB2]  }
0x2c: {  	s7 =	sld [smem:$0x3FB3]  }
0x2d: {  	s3 =	simm.s32 $0x108;
	s8 =	sld [smem:$0x3FB4]  }
0x2e: {  	s3 =	simm.s32 @!p0 $0x1082;
	s9 =	sld [smem:$0x3FB5]  }
0x2f: {  	lr =	sadd.s32 s0, s3;
	s0 =	sld [smem:$0x3FAC]  }
0x30: {  	s3 =	sld [smem:$0x3FAF]  }
0x31: {  	[smem:$0x3FB8] =	sst s10  }
0x32: {  	s10 =	sld [smem:$0x3FB6];
	_ =	sdelay $0x3  }
0x33: {  	p0 =	seq.s32 s10, $0x1;
	s10 =	sld [smem:$0x3FB8];
	_ =	sdelay $0x3  }
0x34: {  	[smem:$0x3FB8] =	sst s10  }
0x35: {  	s10 =	sld [smem:$0x3FB7];
	_ =	sdelay $0x3  }
0x36: {  	p1 =	seq.s32 s10, $0x1;
	s10 =	sld [smem:$0x3FB8];
	_ =	sdelay $0x3  }
0x37: {  	[smem:$0x3FB8] =	sst s10  }
0x38: {  	s10 =	sld [smem:$0x3FB9]  }
0x39: {  	_ = 	snop;
	(pc) =	sbr.ind lr, $3  }
0x3a: {  	_ = 	snop  }
0x3b: {  	_ = 	snop  }
0x3c: {  	p2 =	seq.s32 s10, $0x1;
	s10 =	sld [smem:$0x3FB8]  }
0x3d: {  	_ =	shalt  }
0x3e: {  	_ =	shalt  }
0x3f: {  	_ =	shalt  }
0x40: {  	_ =	shalt  }
0x41: {  	_ =	shalt  }
0x42: {  	_ =	shalt  }
0x43: {  	_ =	shalt  }
0x44: {  	_ =	shalt  }
0x45: {  	_ =	shalt  }
0x46: {  	_ =	shalt  }
0x47: {  	_ =	shalt  }
0x48: {  	_ =	shalt  }
0x49: {  	_ =	shalt  }
0x4a: {  	_ =	shalt  }
0x4b: {  	_ =	shalt  }
0x4c: {  	_ =	shalt  }
0x4d: {  	_ =	shalt  }
0x4e: {  	_ =	shalt  }
0x4f: {  	_ =	shalt  }
0x50: {  	_ =	shalt  }
0x51: {  	_ =	shalt  }
0x52: {  	_ =	shalt  }
0x53: {  	_ =	shalt  }
0x54: {  	_ =	shalt  }
0x55: {  	_ =	shalt  }
0x56: {  	_ =	shalt  }
0x57: {  	_ =	shalt  }
0x58: {  	_ =	shalt  }
0x59: {  	_ =	shalt  }
0x5a: {  	_ =	shalt  }
0x5b: {  	_ =	shalt  }
0x5c: {  	_ =	shalt  }
0x5d: {  	_ =	shalt  }
0x5e: {  	_ =	shalt  }
0x5f: {  	_ =	shalt  }
0x60: {  	_ =	shalt  }
0x61: {  	_ =	shalt  }
0x62: {  	_ =	shalt  }
0x63: {  	_ =	shalt  }
0x64: {  	_ =	shalt  }
0x65: {  	_ =	shalt  }
0x66: {  	_ =	shalt  }
0x67: {  	_ =	shalt  }
0x68: {  	_ =	shalt  }
0x69: {  	_ =	shalt  }
0x6a: {  	_ =	shalt  }
0x6b: {  	_ =	shalt  }
0x6c: {  	_ =	shalt  }
0x6d: {  	_ =	shalt  }
0x6e: {  	_ =	shalt  }
0x6f: {  	_ =	shalt  }
0x70: {  	_ =	shalt  }
0x71: {  	_ =	shalt  }
0x72: {  	_ =	shalt  }
0x73: {  	_ =	shalt  }
0x74: {  	_ =	shalt  }
0x75: {  	_ =	shalt  }
0x76: {  	_ =	shalt  }
0x77: {  	_ =	shalt  }
0x78: {  	_ =	shalt  }
0x79: {  	_ =	shalt  }
0x7a: {  	_ =	shalt  }
0x7b: {  	_ =	shalt  }
0x7c: {  	_ =	shalt  }
0x7d: {  	_ =	shalt  }
0x7e: {  	_ =	shalt  }
0x7f: {  	_ =	shalt  }
0x80: {  	_ =	shalt  }
0x81: {  	_ =	shalt  }
0x82: {  	_ =	shalt  }
0x83: {  	_ =	shalt  }
0x84: {  	_ =	shalt  }
0x85: {  	_ =	shalt  }
0x86: {  	_ =	shalt  }
0x87: {  	_ =	shalt  }
.Lfunc_end0:
.L_simem_size_0:
called_computation_lowered:
.L_overlay_start_0:
0x88: {  	s2 =	sld [smem:$0x3FD9]  }
0x89: {  	s3 =	sld [smem:$0x3FFE];
	_ =	sdelay $0x1  }
0x8a: {  	s1 =	srdreg.scid  }
0x8b: {  	s0 =	sand.u32 $0x1, s1  }
0x8c: {  	s14 =	sshll.u32 s0, $0xA;
	s2 =	sadd.s32 s3, s2  }
0x8d: {  	s2 =	sadd.s32 s2, s14  }
0x8e: {  	[smem:$0x3FC4] =	sst s2  }
0x8f: {  	_ = 	snop  }
0x90: {  	s2 =	sld [smem:$0x3FD0];
	_ =	sdelay $0x2  }
0x91: {  	s4 =	simm.s32 $0xA;
	s5 =	simm.s32 $0x10;
	s15 =	sld [smem:$0x3FC7]  }
0x92: {  	[smem:s5], [sflag:s4] =	dma.local [hbm:s2], $0x1  }
0x93: {  	_ =	swait.eq [sflag:s4], $0x1  }
0x94: {  	[sflag:s4] =	ssyncset.done $0x0  }
0x95: {  	[sflag:s4] =	ssyncadd.s32 $0xFFFFFFFF  }
0x96: {  	s16 =	sld [smem:$0x10];
	(tm) =	ssettm $0x1  }
0x97: {  	s17 =	sld [smem:$0x3FFB];
	_ =	sdelay $0x3  }
0x98: {  	_ =	strace s17  }
0x99: {  	s4 =	sld [smem:$0x3FFC];
	_ =	sdelay $0x3  }
0x9a: {  	_ =	strace s4  }
0x9b: {  	s4 =	sld [smem:$0x3FFD];
	_ =	sdelay $0x3  }
0x9c: {  	_ =	strace s4  }
0x9d: {  	_ =	strace $0x8FFFFFFF  }
0x9e: {  	s18 =	sld [smem:$0x3FDB];
	_ =	sdelay $0x1  }
0x9f: {  	s19 =	simm.s32 $_scs_section_size  }
0xa0: {  	s6 =	simm.s32 $_size__tile_overlayer_lowered;
	s7 =	simm.s32 $_tile_overlayer_lowered  }
0xa1: {  	s22 =	simm.s32 $0x1BFF;
	s21 =	sshll.u32 s7, $0x1;
	s4 =	sadd.s32 s19, s18  }
0xa2: {  	s8 =	simm.s32 $0x0;
	s20 =	sshll.u32 s6, $0x1;
	s6 =	sadd.s32 s21, s4  }
0xa3: {  	[timem:s8], [sflag:s22] =	dma.local [hbm:s6], s20  }
0xa4: {  	_ =	swait.ge [sflag:s22], s20  }
0xa5: {  	s5 =	ssub.s32 $0x0, s20;
	[sflag:s22] =	ssyncset.done $0x0  }
0xa6: {  	[sflag:s22] =	ssyncadd.s32 s5;
	_ =	sdelay $0x1  }
0xa7: {  	s23 =	simm.s32 $0x1B8B  }
0xa8: {  	_ =	swait.ge [sflag:s23], $0x1  }
0xa9: {  	[sflag:s23] =	ssyncset.done $0x0  }
0xaa: {  	s25 =	simm.s32 $0x1B8E;
	s24 =	sld [smem:$0x3FFE];
	[sflag:s23] =	ssyncadd.s32 $0xFFFFFFFF  }
0xab: {  	s26 =	simm.s32 $execute0_lowered;
	[smem:$0x3FD2] =	sst s25  }
0xac: {  	s6 =	sshll.u32 s26, $0x1;
	_ =	strace $0x80000046;
	[dreg:$0x1] =	wrdreg $0xFFFFFFFF  }
0xad: {  	s28 =	simm.s32 $_size_execute0_lowered;
	s4 =	sadd.s32 s4, s6;
	[dreg:$0x0] =	wrdreg $0x0  }
0xae: {  	s6 =	sshll.u32 s28, $0x1;
	[dreg:$0x2] =	wrdreg s4  }
0xaf: {  	[dreg:$0x3] =	wrdreg s6  }
0xb0: {  	[dreg:$0x4] =	wrdreg $0xC0  }
0xb1: {  	_ =	task [dreg:s8], $0x5FFFF  }
0xb2: {  	[dreg:$0x1] =	wrdreg $0xFFFFFFFF  }
0xb3: {  	[dreg:$0x0] =	wrdreg $0x60  }
0xb4: {  	[dreg:$0x2] =	wrdreg s24  }
0xb5: {  	[dreg:$0x3] =	wrdreg s15  }
0xb6: {  	[dreg:$0x4] =	wrdreg s16  }
0xb7: {  	[dreg:$0x5] =	wrdreg $0x9  }
0xb8: {  	_ =	task.clear_ibuf [dreg:s8], $0x6FFFF;
	_ =	strace $0x90000046  }
0xb9: {  	s29 =	simm.s32 $0x9;
	_ =	strace $0x80000048  }
0xba: {  	_ =	swait.ge [sflag:s29], $0x1  }
0xbb: {  	[sflag:s29] =	ssyncadd.s32 $0xFFFFFFFF  }
0xbc: {  	_ =	strace $0x90000048  }
0xbd: {  	_ =	sfence  }
0xbe: {  	s30 =	sld [smem:$0x0];
	_ =	sdelay $0x2  }
0xbf: {  	s31 =	sshll.u32 s1, $0xD;
	s1 =	sshrl.u32 s1, $0x2  }
0xc0: {  	s3 =	sand.u32 $0x4000, s31;
	s1 =	sadd.s32 s1, s30  }
0xc1: {  	s0 =	sor.u32 s3, s0;
	s1 =	sshll.u32 s1, $0x11  }
0xc2: {  	s0 =	sor.u32 s1, s0  }
0xc3: {  	s0 =	sadd.s32 $0x8F2B, s0  }
0xc4: {  	[sflag:s0] =	ssyncadd.remote.s32 $0x1  }
0xc5: {  	_ =	sfence.sel $0xFFFF  }
0xc6: {  	[dreg:$0x0] =	wrdreg $0xFFFFFFFF;
	(pc) =	sbr.abs _section_cstart, $3  }
0xc7: {  	[dreg:$0x1] =	wrdreg $0xFFFFFFFF  }
0xc8: {  	_ =	task.clear_ibuf [dreg:s8], $0x2FFFF;
	_ =	strace $0x9FFFFFFF  }
0xc9: {  	(tm) =	ssettm $0x7FFFFFFF  }
tec
execute0_lowered:
.L_overlay_start_1:
0x0: {  	(tag) =	ssettag $0x1  }
0x1: {  	s2 =	rddreg [dreg:$0x0]  }
0x2: {  	s3 =	rddreg [dreg:$0x1]  }
0x3: {  	s4 =	rddreg [dreg:$0x2];
	s5 =	srdreg.scid  }
0x4: {  	s1 =	stileid.u32;
	s0 =	rddreg [dreg:$0x3]  }
0x5: {  	s11 =	simm.s32 $0x5;
	s12 =	simm.s32 $0x1;
	s13 =	simm.s32 $0x19000  }
0x6: {  	s14 =	simm.s32 $0x2;
	s15 =	simm.s32 $0x1C200;
	s16 =	simm.s32 $0x3  }
0x7: {  	s17 =	simm.s32 $0x4;
	s18 =	simm.s32 $0x0;
	s6 =	sand.u32 $0x1, s5  }
.Ltmp0:
0x8: {  	s7 =	sshll.u32 s1, $0x1;
	s5 =	simm.s32 $0x0;
	(pc) =	sbr.rel .LBB2_1-.Ltmp0, $4  }
0x9: {  	s8 =	ssub.s32 $0x2, s6;
	s6 =	sor.u32 s6, s7;
	[smem:$0x7FF] =	sst s5  }
0xa: {  	s30 =	sshrl.u32 s8, $0x1;
	s9 =	smul.u32 $0xC80, s6;
	s31 =	ssub.s32 $0x213, s6  }
0xb: {  	_ =	strace $0x80000047;
	s10 =	ssub.s32 s8, s30;
	s7 =	sshrl.u32 s31, $0x5  }
0xc: {  	v0 =	vimm.s32 $0x0;
	s8 =	sadd.s32 s3, s9;
	s9 =	smax.u32 s10, $0x1;
	s10 =	simm.s32 $0xC800  }
.LBB2_9:
0xd: {  	s18 =	sadd.s32 $0x1, s18  }
0xe: {  	_ =	swait.ge [sflag:s16], $0x3200;
	p0 =	sne.s32 s18, s9  }
.Ltmp1:
0xf: {  	[sflag:s16] =	ssyncset.done $0x0;
	(pc) =	sbr.rel @!p0 .LBB2_10-.Ltmp1, $4  }
0x10: {  	[sflag:s16] =	ssyncadd.s32 $0xFFFFCE00  }
0x11: {  	_ =	swait.ge [sflag:s17], $0x3200  }
0x12: {  	[sflag:s17] =	ssyncset.done $0x0  }
0x13: {  	[sflag:s17] =	ssyncadd.s32 $0xFFFFCE00  }
.LBB2_1:
0x14: {  	[tilespmem:s10], [sflag:$0x1] =	stream.linear.gather [hbm4b:s8+s5], $0x6400, $0x38;
	[tilespmem:$0x1F400] =	vst v63  }
.Ltmp2:
0x15: {  	_ = 	snop;
	(pc) =	sbr.rel .LBB2_2-.Ltmp2, $4  }
0x16: {  	[tilespmem:s5], [sflag:$0x5] =	stream.linear.gather [hbm4b:s2+s5], $0xC800, $0x38;
	[tilespmem:$0x1F400] =	vst v63  }
0x17: {  	_ =	swait.ge [sflag:s11], $0xC800  }
0x18: {  	[sflag:s11] =	ssyncset.done $0x0  }
0x19: {  	s19 =	simm.s32 $0x0;
	[sflag:s11] =	ssyncadd.s32 $0xFFFF3800  }
.LBB2_8:
0x1a: {  	s19 =	sadd.s32 $0x1, s19  }
0x1b: {  	p0 =	sne.s32 s19, $0x8  }
.Ltmp3:
0x1c: {  	_ = 	snop;
	(pc) =	sbr.rel @!p0 .LBB2_9-.Ltmp3, $1  }
0x1d: {  	_ =	sdelay $0x3  }
.LBB2_2:
0x1e: {  	s20 =	sshllo.u32 s19, $0x1  }
0x1f: {  	p0 =	sge.u32 s20, s7  }
0x20: {  	s21 =	sshll.u32 @!p0 s20, $0x5  }
0x21: {  	s21 =	sor.u32 @!p0 s6, s21  }
0x22: {  	s21 =	smul.u32 @!p0 $0xC80, s21;
	_ =	sdelay $0x1  }
0x23: {  	s22 =	simm.s32 @!p0 $0x0;
	s23 =	simm.s32 @!p0 $0x12C00;
	s21 =	sadd.s32 @!p0 s3, s21  }
0x24: {  	[tilespmem:s23], [sflag:$0x2] =	stream.linear.gather @!p0 [hbm4b:s21+s22], $0x6400, $0x38;
	[tilespmem:$0x1F400] =	vst v63  }
0x25: {  	_ =	swait.ge [sflag:s12], $0x6400  }
0x26: {  	p1 =	seq.s32 s19, $0x0;
	[sflag:s12] =	ssyncset.done $0x0  }
0x27: {  	s21 =	simm.s32 @!p1 $0x3;
	[sflag:s12] =	ssyncadd.s32 $0xFFFF9C00  }
0x28: {  	_ =	swait.ge @!p1 [sflag:s21], $0x3200  }
0x29: {  	[sflag:s21] =	ssyncset.done @!p1 $0x0  }
0x2a: {  	s24 =	simm.s32 $0xCA00;
	[sflag:s21] =	ssyncadd.s32 @!p1 $0xFFFFCE00  }
0x2b: {  	v1 =	vld [tilespmem:s24+$0x100]  }
0x2c: {  	v2 =	vld [tilespmem:s24+$0x180];
	_ =	sdelay $0x1  }
0x2d: {  	v3 =	vld [tilespmem:s24+$0xFFFFFF00]  }
0x2e: {  	v4 =	vld [tilespmem:s24+$0xFFFFFF80]  }
0x2f: {  	v5 =	vld [tilespmem:s24+$0xFFFFFE80];
	vm0 =	vgt.s32 v1, $0xC7FF;
	v6 =	vadd.s32 $0xFFFF3800, v1  }
0x30: {  	v7 =	vld [tilespmem:s24+$0xFFFFFE00];
	vm1 =	vgt.s32 v2, $0xC7FF;
	v1 =	vsel vm0, v6, v1;
	v6 =	vadd.s32 $0xFFFF3800, v2  }
0x31: {  	v8 =	vld [tilespmem:s24+$0x0];
	v2 =	vsel vm1, v6, v2  }
0x32: {  	vm2 =	vgt.s32 v3, $0xC7FF;
	v9 =	vadd.s32 $0xFFFF3800, v3;
	v6 =	vld [tilespmem:s24+$0x80]  }
0x33: {  	vm3 =	vgt.s32 v4, $0xC7FF;
	v3 =	vsel vm2, v9, v3;
	v9 =	vadd.s32 $0xFFFF3800, v4  }
0x34: {  	vm4 =	vgt.s32 v5, $0xC7FF;
	v10 =	vadd.s32 $0xFFFF3800, v5;
	v4 =	vsel vm3, v9, v4  }
0x35: {  	vm5 =	vgt.s32 v7, $0xC7FF;
	v5 =	vsel vm4, v10, v5;
	v9 =	vadd.s32 $0xFFFF3800, v7;
	v1 =	vld.idx.msk [tilespmem:v1+s5+$0x0], $0xffff  }
0x36: {  	vm6 =	vgt.s32 v8, $0xC7FF;
	v10 =	vadd.s32 $0xFFFF3800, v8;
	v7 =	vsel vm5, v9, v7;
	v2 =	vld.idx.msk [tilespmem:v2+s5+$0x0], $0xffff  }
0x37: {  	v8 =	vsel vm6, v10, v8;
	vm7 =	vgt.s32 v6, $0xC7FF;
	v9 =	vadd.s32 $0xFFFF3800, v6  }
0x38: {  	v3 =	vld.idx.msk [tilespmem:v3+s5+$0x0], $0xffff;
	v6 =	vsel vm7, v9, v6  }
0x39: {  	v4 =	vld.idx.msk [tilespmem:v4+s5+$0x0], $0xffff  }
0x3a: {  	v10 =	vsel vm1, $0x10, v0;
	v5 =	vld.idx.msk [tilespmem:v5+s5+$0x0], $0xffff;
	v9 =	vsel vm0, $0x10, v0  }
0x3b: {  	v7 =	vld.idx.msk [tilespmem:v7+s5+$0x0], $0xffff;
	v1 =	vshra.s32 v1, v9;
	v2 =	vshra.s32 v2, v10  }
0x3c: {  	v11 =	vsel vm3, $0x10, v0;
	v8 =	vld.idx.msk [tilespmem:v8+s5+$0x0], $0xffff;
	v1 =	vshll.u32 v1, $0x10;
	v2 =	vshll.u32 v2, $0x10  }
0x3d: {  	v9 =	vsel vm5, $0x10, v0;
	v10 =	vsel vm2, $0x10, v0;
	v6 =	vld.idx.msk [tilespmem:v6+s5+$0x0], $0xffff;
	v1 =	vmul.f32 v2, v1  }
0x3e: {  	s21 =	simm.s32 $0x19100;
	v4 =	vshra.s32 v4, v11;
	v3 =	vshra.s32 v3, v10;
	v10 =	vsel vm6, $0x10, v0  }
0x3f: {  	v2 =	vsel vm4, $0x10, v0;
	v3 =	vshll.u32 v3, $0x10;
	[tilespmem:s21+$0x80] =	vst v1;
	v1 =	vshll.u32 v4, $0x10  }
0x40: {  	v2 =	vshra.s32 v5, v2;
	v4 =	vld [tilespmem:s24+$0x110];
	v1 =	vmul.f32 v1, v3;
	v3 =	vshra.s32 v7, v9  }
0x41: {  	v5 =	vsel vm7, $0x10, v0;
	v2 =	vshll.u32 v2, $0x10;
	v7 =	vld [tilespmem:s24+$0x190];
	v3 =	vshll.u32 v3, $0x10  }
0x42: {  	v8 =	vshra.s32 v8, v10;
	v5 =	vshra.s32 v6, v5;
	[tilespmem:s21+$0xFFFFFF80] =	vst v1;
	v1 =	vmul.f32 v2, v3  }
0x43: {  	v2 =	vshll.u32 v8, $0x10;
	v3 =	vshll.u32 v5, $0x10;
	v5 =	vld [tilespmem:s24+$0xFFFFFF10]  }
0x44: {  	v2 =	vmul.f32 v3, v2;
	v3 =	vld [tilespmem:s24+$0xFFFFFF90];
	[tilespmem:s21+$0xFFFFFF00] =	vst v1  }
0x45: {  	vm0 =	vgt.s32 v4, $0xC7FF;
	v1 =	vadd.s32 $0xFFFF3800, v4;
	v6 =	vld [tilespmem:s24+$0xFFFFFE10]  }
0x46: {  	[tilespmem:s21+$0x0] =	vst v2;
	v2 =	vld [tilespmem:s24+$0xFFFFFE90];
	vm12 =	vgt.s32 v7, $0xC7FF;
	v1 =	vsel vm0, v1, v4;
	v4 =	vadd.s32 $0xFFFF3800, v7  }
0x47: {  	v8 =	vld [tilespmem:s24+$0x10];
	v4 =	vsel vm12, v4, v7  }
0x48: {  	v9 =	vld [tilespmem:s24+$0x90];
	vm13 =	vgt.s32 v5, $0xC7FF;
	v7 =	vadd.s32 $0xFFFF3800, v5  }
0x49: {  	vm14 =	vgt.s32 v3, $0xC7FF;
	v5 =	vsel vm13, v7, v5;
	v7 =	vadd.s32 $0xFFFF3800, v3  }
0x4a: {  	v3 =	vsel vm14, v7, v3;
	vm15 =	vgt.s32 v6, $0xC7FF;
	v7 =	vadd.s32 $0xFFFF3800, v6  }
0x4b: {  	vm9 =	vgt.s32 v2, $0xC7FF;
	v1 =	vld.idx.msk [tilespmem:v1+s5+$0x0], $0xffff;
	v6 =	vsel vm15, v7, v6;
	v7 =	vadd.s32 $0xFFFF3800, v2  }
0x4c: {  	vm10 =	vgt.s32 v8, $0xC7FF;
	v10 =	vadd.s32 $0xFFFF3800, v8;
	v2 =	vsel vm9, v7, v2;
	v4 =	vld.idx.msk [tilespmem:v4+s5+$0x0], $0xffff  }
0x4d: {  	vm11 =	vgt.s32 v9, $0xC7FF;
	v7 =	vsel vm10, v10, v8;
	v8 =	vadd.s32 $0xFFFF3800, v9  }
0x4e: {  	v8 =	vsel vm11, v8, v9;
	v5 =	vld.idx.msk [tilespmem:v5+s5+$0x0], $0xffff  }
0x4f: {  	v3 =	vld.idx.msk [tilespmem:v3+s5+$0x0], $0xffff  }
0x50: {  	v10 =	vsel vm12, $0x10, v0;
	v9 =	vsel vm0, $0x10, v0;
	v6 =	vld.idx.msk [tilespmem:v6+s5+$0x0], $0xffff  }
0x51: {  	v1 =	vshra.s32 v1, v9;
	v2 =	vld.idx.msk [tilespmem:v2+s5+$0x0], $0xffff;
	v4 =	vshra.s32 v4, v10  }
0x52: {  	v11 =	vsel vm14, $0x10, v0;
	v7 =	vld.idx.msk [tilespmem:v7+s5+$0x0], $0xffff;
	v1 =	vshll.u32 v1, $0x10;
	v4 =	vshll.u32 v4, $0x10  }
0x53: {  	v9 =	vsel vm15, $0x10, v0;
	v10 =	vsel vm13, $0x10, v0;
	v8 =	vld.idx.msk [tilespmem:v8+s5+$0x0], $0xffff;
	v1 =	vmul.f32 v4, v1  }
0x54: {  	v4 =	vsel vm9, $0x10, v0;
	v5 =	vshra.s32 v5, v10;
	v3 =	vshra.s32 v3, v11  }
0x55: {  	v10 =	vsel vm10, $0x10, v0;
	v5 =	vshll.u32 v5, $0x10;
	v3 =	vshll.u32 v3, $0x10;
	[tilespmem:s21+$0x90] =	vst v1  }
0x56: {  	v1 =	vshra.s32 v6, v9;
	v3 =	vmul.f32 v3, v5;
	v2 =	vshra.s32 v2, v4;
	v4 =	vld [tilespmem:s24+$0x120]  }
0x57: {  	v5 =	vsel vm11, $0x10, v0;
	v1 =	vshll.u32 v1, $0x10;
	v6 =	vld [tilespmem:s24+$0x1A0];
	v2 =	vshll.u32 v2, $0x10  }
0x58: {  	v7 =	vshra.s32 v7, v10;
	[tilespmem:s21+$0xFFFFFF90] =	vst v3;
	v3 =	vshra.s32 v8, v5;
	v1 =	vmul.f32 v2, v1  }
0x59: {  	v2 =	vshll.u32 v7, $0x10;
	v5 =	vld [tilespmem:s24+$0xFFFFFF20];
	v3 =	vshll.u32 v3, $0x10  }
0x5a: {  	v7 =	vld [tilespmem:s24+$0xFFFFFFA0];
	v2 =	vmul.f32 v3, v2;
	[tilespmem:s21+$0xFFFFFF10] =	vst v1  }
0x5b: {  	v1 =	vld [tilespmem:s24+$0xFFFFFE20];
	vm0 =	vgt.s32 v4, $0xC7FF;
	v3 =	vadd.s32 $0xFFFF3800, v4  }
0x5c: {  	vm12 =	vgt.s32 v6, $0xC7FF;
	[tilespmem:s21+$0x10] =	vst v2;
	v2 =	vld [tilespmem:s24+$0xFFFFFEA0];
	v3 =	vsel vm0, v3, v4;
	v4 =	vadd.s32 $0xFFFF3800, v6  }
0x5d: {  	v8 =	vld [tilespmem:s24+$0x20];
	v4 =	vsel vm12, v4, v6  }
0x5e: {  	v9 =	vld [tilespmem:s24+$0xA0];
	vm13 =	vgt.s32 v5, $0xC7FF;
	v6 =	vadd.s32 $0xFFFF3800, v5  }
0x5f: {  	vm14 =	vgt.s32 v7, $0xC7FF;
	v5 =	vsel vm13, v6, v5;
	v6 =	vadd.s32 $0xFFFF3800, v7  }
0x60: {  	v6 =	vsel vm14, v6, v7;
	vm15 =	vgt.s32 v1, $0xC7FF;
	v7 =	vadd.s32 $0xFFFF3800, v1  }
0x61: {  	v1 =	vsel vm15, v7, v1;
	vm9 =	vgt.s32 v2, $0xC7FF;
	v7 =	vadd.s32 $0xFFFF3800, v2;
	v3 =	vld.idx.msk [tilespmem:v3+s5+$0x0], $0xffff  }
0x62: {  	v2 =	vsel vm9, v7, v2;
	vm10 =	vgt.s32 v8, $0xC7FF;
	v7 =	vadd.s32 $0xFFFF3800, v8;
	v4 =	vld.idx.msk [tilespmem:v4+s5+$0x0], $0xffff  }
0x63: {  	vm11 =	vgt.s32 v9, $0xC7FF;
	v7 =	vsel vm10, v7, v8;
	v8 =	vadd.s32 $0xFFFF3800, v9  }
0x64: {  	v5 =	vld.idx.msk [tilespmem:v5+s5+$0x0], $0xffff;
	v8 =	vsel vm11, v8, v9  }
0x65: {  	v6 =	vld.idx.msk [tilespmem:v6+s5+$0x0], $0xffff  }
0x66: {  	v10 =	vsel vm12, $0x10, v0;
	v9 =	vsel vm0, $0x10, v0;
	v1 =	vld.idx.msk [tilespmem:v1+s5+$0x0], $0xffff  }
0x67: {  	v3 =	vshra.s32 v3, v9;
	v2 =	vld.idx.msk [tilespmem:v2+s5+$0x0], $0xffff;
	v4 =	vshra.s32 v4, v10  }
0x68: {  	v11 =	vsel vm15, $0x10, v0;
	v3 =	vshll.u32 v3, $0x10;
	v7 =	vld.idx.msk [tilespmem:v7+s5+$0x0], $0xffff;
	v4 =	vshll.u32 v4, $0x10  }
0x69: {  	v9 =	vsel vm13, $0x10, v0;
	v10 =	vsel vm14, $0x10, v0;
	v8 =	vld.idx.msk [tilespmem:v8+s5+$0x0], $0xffff;
	v3 =	vmul.f32 v4, v3  }
0x6a: {  	v4 =	vsel vm9, $0x10, v0;
	v5 =	vshra.s32 v5, v9;
	v6 =	vshra.s32 v6, v10  }
0x6b: {  	v9 =	vsel vm10, $0x10, v0;
	v5 =	vshll.u32 v5, $0x10;
	v6 =	vshll.u32 v6, $0x10;
	[tilespmem:s21+$0xA0] =	vst v3  }
0x6c: {  	v1 =	vshra.s32 v1, v11;
	v3 =	vmul.f32 v6, v5;
	v2 =	vshra.s32 v2, v4;
	v4 =	vld [tilespmem:s24+$0x130]  }
0x6d: {  	v5 =	vsel vm11, $0x10, v0;
	v1 =	vshll.u32 v1, $0x10;
	v6 =	vld [tilespmem:s24+$0x1B0];
	v2 =	vshll.u32 v2, $0x10  }
0x6e: {  	[tilespmem:s21+$0xFFFFFFA0] =	vst v3;
	v3 =	vshra.s32 v7, v9;
	v1 =	vmul.f32 v2, v1;
	v2 =	vshra.s32 v8, v5  }
0x6f: {  	v5 =	vld [tilespmem:s24+$0xFFFFFF30];
	v3 =	vshll.u32 v3, $0x10;
	v2 =	vshll.u32 v2, $0x10  }
0x70: {  	v7 =	vld [tilespmem:s24+$0xFFFFFFB0];
	[tilespmem:s21+$0xFFFFFF20] =	vst v1;
	v1 =	vmul.f32 v2, v3  }
0x71: {  	v2 =	vld [tilespmem:s24+$0xFFFFFE30];
	vm0 =	vgt.s32 v4, $0xC7FF;
	v3 =	vadd.s32 $0xFFFF3800, v4  }
0x72: {  	v8 =	vld [tilespmem:s24+$0xFFFFFEB0];
	vm12 =	vgt.s32 v6, $0xC7FF;
	[tilespmem:s21+$0x20] =	vst v1;
	v1 =	vsel vm0, v3, v4;
	v3 =	vadd.s32 $0xFFFF3800, v6  }
0x73: {  	v4 =	vld [tilespmem:s24+$0x30];
	v3 =	vsel vm12, v3, v6  }
0x74: {  	v9 =	vld [tilespmem:s24+$0xB0];
	vm13 =	vgt.s32 v5, $0xC7FF;
	v6 =	vadd.s32 $0xFFFF3800, v5  }
0x75: {  	vm14 =	vgt.s32 v7, $0xC7FF;
	v5 =	vsel vm13, v6, v5;
	v6 =	vadd.s32 $0xFFFF3800, v7  }
0x76: {  	v6 =	vsel vm14, v6, v7;
	vm15 =	vgt.s32 v2, $0xC7FF;
	v7 =	vadd.s32 $0xFFFF3800, v2  }
0x77: {  	vm9 =	vgt.s32 v8, $0xC7FF;
	v2 =	vsel vm15, v7, v2;
	v7 =	vadd.s32 $0xFFFF3800, v8;
	v1 =	vld.idx.msk [tilespmem:v1+s5+$0x0], $0xffff  }
0x78: {  	v7 =	vsel vm9, v7, v8;
	vm10 =	vgt.s32 v4, $0xC7FF;
	v8 =	vadd.s32 $0xFFFF3800, v4;
	v3 =	vld.idx.msk [tilespmem:v3+s5+$0x0], $0xffff  }
0x79: {  	vm11 =	vgt.s32 v9, $0xC7FF;
	v4 =	vsel vm10, v8, v4;
	v8 =	vadd.s32 $0xFFFF3800, v9  }
0x7a: {  	v5 =	vld.idx.msk [tilespmem:v5+s5+$0x0], $0xffff;
	v8 =	vsel vm11, v8, v9  }
0x7b: {  	v6 =	vld.idx.msk [tilespmem:v6+s5+$0x0], $0xffff  }
0x7c: {  	v10 =	vsel vm12, $0x10, v0;
	v9 =	vsel vm0, $0x10, v0;
	v2 =	vld.idx.msk [tilespmem:v2+s5+$0x0], $0xffff  }
0x7d: {  	v1 =	vshra.s32 v1, v9;
	v7 =	vld.idx.msk [tilespmem:v7+s5+$0x0], $0xffff;
	v3 =	vshra.s32 v3, v10  }
0x7e: {  	v11 =	vsel vm15, $0x10, v0;
	v1 =	vshll.u32 v1, $0x10;
	v4 =	vld.idx.msk [tilespmem:v4+s5+$0x0], $0xffff;
	v3 =	vshll.u32 v3, $0x10  }
0x7f: {  	v9 =	vsel vm13, $0x10, v0;
	v10 =	vsel vm14, $0x10, v0;
	v8 =	vld.idx.msk [tilespmem:v8+s5+$0x0], $0xffff;
	v1 =	vmul.f32 v3, v1  }
0x80: {  	v3 =	vsel vm9, $0x10, v0;
	v5 =	vshra.s32 v5, v9;
	v6 =	vshra.s32 v6, v10  }
0x81: {  	v9 =	vsel vm10, $0x10, v0;
	v5 =	vshll.u32 v5, $0x10;
	v6 =	vshll.u32 v6, $0x10;
	[tilespmem:s21+$0xB0] =	vst v1  }
0x82: {  	v1 =	vshra.s32 v2, v11;
	v2 =	vmul.f32 v6, v5;
	v3 =	vshra.s32 v7, v3;
	v5 =	vld [tilespmem:s24+$0x140]  }
0x83: {  	v6 =	vsel vm11, $0x10, v0;
	v1 =	vshll.u32 v1, $0x10;
	v7 =	vld [tilespmem:s24+$0x1C0];
	v3 =	vshll.u32 v3, $0x10  }
0x84: {  	[tilespmem:s21+$0xFFFFFFB0] =	vst v2;
	v2 =	vshra.s32 v4, v9;
	v1 =	vmul.f32 v3, v1;
	v3 =	vshra.s32 v8, v6  }
0x85: {  	v4 =	vld [tilespmem:s24+$0xFFFFFF40];
	v2 =	vshll.u32 v2, $0x10;
	v3 =	vshll.u32 v3, $0x10  }
0x86: {  	v6 =	vld [tilespmem:s24+$0xFFFFFFC0];
	[tilespmem:s21+$0xFFFFFF30] =	vst v1;
	v1 =	vmul.f32 v3, v2  }
0x87: {  	v2 =	vld [tilespmem:s24+$0xFFFFFE40];
	vm0 =	vgt.s32 v5, $0xC7FF;
	v3 =	vadd.s32 $0xFFFF3800, v5  }
0x88: {  	v8 =	vld [tilespmem:s24+$0xFFFFFEC0];
	vm12 =	vgt.s32 v7, $0xC7FF;
	[tilespmem:s21+$0x30] =	vst v1;
	v1 =	vsel vm0, v3, v5;
	v3 =	vadd.s32 $0xFFFF3800, v7  }
0x89: {  	v5 =	vld [tilespmem:s24+$0x40];
	v3 =	vsel vm12, v3, v7  }
0x8a: {  	v9 =	vld [tilespmem:s24+$0xC0];
	vm13 =	vgt.s32 v4, $0xC7FF;
	v7 =	vadd.s32 $0xFFFF3800, v4  }
0x8b: {  	vm14 =	vgt.s32 v6, $0xC7FF;
	v4 =	vsel vm13, v7, v4;
	v7 =	vadd.s32 $0xFFFF3800, v6  }
0x8c: {  	v6 =	vsel vm14, v7, v6;
	vm15 =	vgt.s32 v2, $0xC7FF;
	v7 =	vadd.s32 $0xFFFF3800, v2  }
0x8d: {  	vm9 =	vgt.s32 v8, $0xC7FF;
	v2 =	vsel vm15, v7, v2;
	v7 =	vadd.s32 $0xFFFF3800, v8;
	v1 =	vld.idx.msk [tilespmem:v1+s5+$0x0], $0xffff  }
0x8e: {  	v7 =	vsel vm9, v7, v8;
	vm10 =	vgt.s32 v5, $0xC7FF;
	v8 =	vadd.s32 $0xFFFF3800, v5;
	v3 =	vld.idx.msk [tilespmem:v3+s5+$0x0], $0xffff  }
0x8f: {  	vm11 =	vgt.s32 v9, $0xC7FF;
	v5 =	vsel vm10, v8, v5;
	v8 =	vadd.s32 $0xFFFF3800, v9  }
0x90: {  	v4 =	vld.idx.msk [tilespmem:v4+s5+$0x0], $0xffff;
	v8 =	vsel vm11, v8, v9  }
0x91: {  	v6 =	vld.idx.msk [tilespmem:v6+s5+$0x0], $0xffff  }
0x92: {  	v10 =	vsel vm12, $0x10, v0;
	v9 =	vsel vm0, $0x10, v0;
	v2 =	vld.idx.msk [tilespmem:v2+s5+$0x0], $0xffff  }
0x93: {  	v1 =	vshra.s32 v1, v9;
	v7 =	vld.idx.msk [tilespmem:v7+s5+$0x0], $0xffff;
	v3 =	vshra.s32 v3, v10  }
0x94: {  	v11 =	vsel vm15, $0x10, v0;
	v1 =	vshll.u32 v1, $0x10;
	v5 =	vld.idx.msk [tilespmem:v5+s5+$0x0], $0xffff;
	v3 =	vshll.u32 v3, $0x10  }
0x95: {  	v9 =	vsel vm13, $0x10, v0;
	v10 =	vsel vm14, $0x10, v0;
	v8 =	vld.idx.msk [tilespmem:v8+s5+$0x0], $0xffff;
	v1 =	vmul.f32 v3, v1  }
0x96: {  	v3 =	vsel vm9, $0x10, v0;
	v4 =	vshra.s32 v4, v9;
	v6 =	vshra.s32 v6, v10  }
0x97: {  	v9 =	vsel vm10, $0x10, v0;
	v4 =	vshll.u32 v4, $0x10;
	v6 =	vshll.u32 v6, $0x10;
	[tilespmem:s21+$0xC0] =	vst v1  }
0x98: {  	v1 =	vshra.s32 v2, v11;
	v2 =	vmul.f32 v6, v4;
	v3 =	vshra.s32 v7, v3;
	v4 =	vld [tilespmem:s24+$0x150]  }
0x99: {  	v6 =	vsel vm11, $0x10, v0;
	v1 =	vshll.u32 v1, $0x10;
	v7 =	vld [tilespmem:s24+$0x1D0];
	v3 =	vshll.u32 v3, $0x10  }
0x9a: {  	[tilespmem:s21+$0xFFFFFFC0] =	vst v2;
	v2 =	vshra.s32 v5, v9;
	v1 =	vmul.f32 v3, v1;
	v3 =	vshra.s32 v8, v6  }
0x9b: {  	v5 =	vld [tilespmem:s24+$0xFFFFFF50];
	v2 =	vshll.u32 v2, $0x10;
	v3 =	vshll.u32 v3, $0x10  }
0x9c: {  	v6 =	vld [tilespmem:s24+$0xFFFFFFD0];
	[tilespmem:s21+$0xFFFFFF40] =	vst v1;
	v1 =	vmul.f32 v3, v2  }
0x9d: {  	v2 =	vld [tilespmem:s24+$0xFFFFFE50];
	vm0 =	vgt.s32 v4, $0xC7FF;
	v3 =	vadd.s32 $0xFFFF3800, v4  }
0x9e: {  	v8 =	vld [tilespmem:s24+$0xFFFFFED0];
	vm12 =	vgt.s32 v7, $0xC7FF;
	[tilespmem:s21+$0x40] =	vst v1;
	v1 =	vsel vm0, v3, v4;
	v3 =	vadd.s32 $0xFFFF3800, v7  }
0x9f: {  	v4 =	vld [tilespmem:s24+$0x50];
	v3 =	vsel vm12, v3, v7  }
0xa0: {  	s22 =	simm.s32 $0xCE00;
	v9 =	vld [tilespmem:s24+$0xD0];
	vm13 =	vgt.s32 v5, $0xC7FF;
	v7 =	vadd.s32 $0xFFFF3800, v5  }
0xa1: {  	v14 =	vld [tilespmem:s22+$0x80];
	vm14 =	vgt.s32 v6, $0xC7FF;
	v5 =	vsel vm13, v7, v5;
	v7 =	vadd.s32 $0xFFFF3800, v6  }
0xa2: {  	v13 =	vld [tilespmem:s22+$0x180];
	v6 =	vsel vm14, v7, v6;
	vm15 =	vgt.s32 v2, $0xC7FF;
	v7 =	vadd.s32 $0xFFFF3800, v2  }
0xa3: {  	vm9 =	vgt.s32 v8, $0xC7FF;
	v2 =	vsel vm15, v7, v2;
	v7 =	vadd.s32 $0xFFFF3800, v8;
	v1 =	vld.idx.msk [tilespmem:v1+s5+$0x0], $0xffff  }
0xa4: {  	v7 =	vsel vm9, v7, v8;
	vm10 =	vgt.s32 v4, $0xC7FF;
	v8 =	vadd.s32 $0xFFFF3800, v4;
	v3 =	vld.idx.msk [tilespmem:v3+s5+$0x0], $0xffff  }
0xa5: {  	v15 =	vld [tilespmem:s22+$0xFFFFFE00];
	vm11 =	vgt.s32 v9, $0xC7FF;
	v4 =	vsel vm10, v8, v4;
	v8 =	vadd.s32 $0xFFFF3800, v9  }
0xa6: {  	vm8 =	vgt.s32 v14, $0xC7FF;
	v5 =	vld.idx.msk [tilespmem:v5+s5+$0x0], $0xffff;
	v8 =	vsel vm11, v8, v9  }
0xa7: {  	v20 =	vsel vm8, $0x10, v0;
	vm2 =	vgt.s32 v13, $0xC7FF;
	v6 =	vld.idx.msk [tilespmem:v6+s5+$0x0], $0xffff  }
0xa8: {  	v22 =	vsel vm2, $0x10, v0;
	v10 =	vsel vm12, $0x10, v0;
	v9 =	vsel vm0, $0x10, v0;
	v2 =	vld.idx.msk [tilespmem:v2+s5+$0x0], $0xffff  }
0xa9: {  	v11 =	vsel vm13, $0x10, v0;
	v1 =	vshra.s32 v1, v9;
	v7 =	vld.idx.msk [tilespmem:v7+s5+$0x0], $0xffff;
	v3 =	vshra.s32 v3, v10  }
0xaa: {  	v12 =	vsel vm9, $0x10, v0;
	v1 =	vshll.u32 v1, $0x10;
	v4 =	vld.idx.msk [tilespmem:v4+s5+$0x0], $0xffff;
	v3 =	vshll.u32 v3, $0x10  }
0xab: {  	vm9 =	vgt.s32 v15, $0xC7FF;
	v9 =	vsel vm14, $0x10, v0;
	v8 =	vld.idx.msk [tilespmem:v8+s5+$0x0], $0xffff;
	v1 =	vmul.f32 v3, v1  }
0xac: {  	v10 =	vsel vm15, $0x10, v0;
	v5 =	vshra.s32 v5, v11;
	v6 =	vshra.s32 v6, v9;
	v9 =	vld [tilespmem:s22+$0x100]  }
0xad: {  	v3 =	vsel vm10, $0x10, v0;
	v5 =	vshll.u32 v5, $0x10;
	v6 =	vshll.u32 v6, $0x10;
	[tilespmem:s21+$0xD0] =	vst v1  }
0xae: {  	v1 =	vshra.s32 v2, v10;
	v2 =	vmul.f32 v6, v5;
	v5 =	vshra.s32 v7, v12;
	v6 =	vld [tilespmem:s24+$0x160]  }
0xaf: {  	v1 =	vshll.u32 v1, $0x10;
	v7 =	vld [tilespmem:s22+$0xFFFFFE80];
	v5 =	vshll.u32 v5, $0x10;
	v3 =	vshra.s32 v4, v3  }
0xb0: {  	v11 =	vsel vm11, $0x10, v0;
	v4 =	vld [tilespmem:s24+$0x1E0];
	v1 =	vmul.f32 v5, v1;
	v3 =	vshll.u32 v3, $0x10  }
0xb1: {  	v5 =	vshra.s32 v8, v11;
	v8 =	vld [tilespmem:s22+$0xFFFFFF00];
	vm0 =	vgt.s32 v9, $0xC7FF;
	v10 =	vadd.s32 $0xFFFF3800, v9  }
0xb2: {  	v11 =	vld [tilespmem:s22+$0xFFFFFF80];
	v5 =	vshll.u32 v5, $0x10;
	v9 =	vsel vm0, v10, v9;
	v10 =	vadd.s32 $0xFFFF3800, v13  }
0xb3: {  	v12 =	vld [tilespmem:s22+$0x0];
	v10 =	vsel vm2, v10, v13;
	vm1 =	vgt.s32 v6, $0xC7FF;
	v13 =	vadd.s32 $0xFFFF3800, v6  }
0xb4: {  	[tilespmem:s21+$0xFFFFFFD0] =	vst v2;
	vm12 =	vgt.s32 v7, $0xC7FF;
	v16 =	vadd.s32 $0xFFFF3800, v7;
	v6 =	vsel vm1, v13, v6  }
0xb5: {  	v2 =	vld [tilespmem:s24+$0xFFFFFF60];
	[tilespmem:s21+$0xFFFFFF50] =	vst v1;
	vm3 =	vgt.s32 v4, $0xC7FF;
	v13 =	vadd.s32 $0xFFFF3800, v4;
	v7 =	vsel vm12, v16, v7  }
0xb6: {  	v1 =	vld [tilespmem:s24+$0xFFFFFE60];
	v4 =	vsel vm3, v13, v4;
	vm13 =	vgt.s32 v8, $0xC7FF;
	v13 =	vadd.s32 $0xFFFF3800, v8  }
0xb7: {  	vm14 =	vgt.s32 v11, $0xC7FF;
	v8 =	vsel vm13, v13, v8;
	v13 =	vadd.s32 $0xFFFF3800, v11;
	v9 =	vld.idx.msk [tilespmem:v9+s5+$0x0], $0xffff  }
0xb8: {  	vm15 =	vgt.s32 v12, $0xC7FF;
	v11 =	vsel vm14, v13, v11;
	v13 =	vadd.s32 $0xFFFF3800, v12;
	v10 =	vld.idx.msk [tilespmem:v10+s5+$0x0], $0xffff  }
0xb9: {  	v21 =	vsel vm0, $0x10, v0;
	v12 =	vsel vm15, v13, v12;
	v13 =	vadd.s32 $0xFFFF3800, v14;
	v6 =	vld.idx.msk [tilespmem:v6+s5+$0x0], $0xffff  }
0xba: {  	v3 =	vmul.f32 v5, v3;
	v16 =	vadd.s32 $0xFFFF3800, v15;
	v13 =	vsel vm8, v13, v14;
	v7 =	vld.idx.msk [tilespmem:v7+s5+$0x0], $0xffff  }
0xbb: {  	v19 =	vsel vm15, $0x10, v0;
	v17 =	vsel vm13, $0x10, v0;
	v14 =	vsel vm9, v16, v15;
	v4 =	vld.idx.msk [tilespmem:v4+s5+$0x0], $0xffff  }
0xbc: {  	v18 =	vsel vm14, $0x10, v0;
	vm2 =	vgt.s32 v2, $0xC7FF;
	vm0 =	vgt.s32 v1, $0xC7FF;
	v8 =	vld.idx.msk [tilespmem:v8+s5+$0x0], $0xffff  }
0xbd: {  	v15 =	vsel vm9, $0x10, v0;
	v16 =	vsel vm12, $0x10, v0;
	v11 =	vld.idx.msk [tilespmem:v11+s5+$0x0], $0xffff;
	v9 =	vshra.s32 v9, v21  }
0xbe: {  	v21 =	vsel vm3, $0x10, v0;
	v10 =	vshra.s32 v10, v22;
	v5 =	vld.idx.msk [tilespmem:v12+s5+$0x0], $0xffff;
	v12 =	vsel vm1, $0x10, v0  }
0xbf: {  	v9 =	vshll.u32 v9, $0x10;
	v13 =	vld.idx.msk [tilespmem:v13+s5+$0x0], $0xffff;
	v10 =	vshll.u32 v10, $0x10;
	v6 =	vshra.s32 v6, v12  }
0xc0: {  	v12 =	vld.idx.msk [tilespmem:v14+s5+$0x0], $0xffff;
	v7 =	vshra.s32 v7, v16;
	v4 =	vshra.s32 v4, v21;
	v9 =	vmul.f32 v10, v9  }
0xc1: {  	s23 =	simm.s32 $0x19300;
	v6 =	vshll.u32 v6, $0x10;
	v7 =	vshll.u32 v7, $0x10;
	v10 =	vshll.u32 v4, $0x10  }
0xc2: {  	v4 =	vld [tilespmem:s24+$0xFFFFFEE0];
	v8 =	vshra.s32 v8, v17;
	v6 =	vmul.f32 v10, v6;
	v10 =	vshra.s32 v11, v18;
	[tilespmem:s23+$0x80] =	vst v9  }
0xc3: {  	v8 =	vshll.u32 v8, $0x10;
	v9 =	vshll.u32 v10, $0x10;
	v5 =	vshra.s32 v5, v19;
	v10 =	vld [tilespmem:s22+$0x110]  }
0xc4: {  	[tilespmem:s21+$0xE0] =	vst v6;
	v6 =	vmul.f32 v9, v8;
	v5 =	vshll.u32 v5, $0x10;
	v8 =	vshra.s32 v13, v20  }
0xc5: {  	v11 =	vshra.s32 v12, v15;
	v12 =	vadd.s32 $0xFFFF3800, v1;
	v9 =	vld [tilespmem:s24+$0x170];
	v8 =	vshll.u32 v8, $0x10  }
0xc6: {  	v15 =	vadd.s32 $0xFFFF3800, v2;
	v13 =	vld [tilespmem:s24+$0x1F0];
	v11 =	vshll.u32 v11, $0x10;
	v5 =	vmul.f32 v8, v5  }
0xc7: {  	v1 =	vsel vm0, v12, v1;
	[tilespmem:s23+$0xFFFFFF80] =	vst v6;
	v6 =	vld [tilespmem:s22+$0x190];
	vm1 =	vgt.s32 v4, $0xC7FF;
	v7 =	vmul.f32 v7, v11  }
0xc8: {  	v11 =	vadd.s32 $0xFFFF3800, v4;
	v8 =	vld [tilespmem:s22+$0xFFFFFF10];
	[tilespmem:s23+$0x0] =	vst v5;
	vm3 =	vgt.s32 v10, $0xC7FF;
	v5 =	vadd.s32 $0xFFFF3800, v10  }
0xc9: {  	v2 =	vsel vm2, v15, v2;
	v14 =	vld [tilespmem:s22+$0xFFFFFF90];
	v4 =	vsel vm1, v11, v4;
	v5 =	vsel vm3, v5, v10  }
0xca: {  	[tilespmem:s23+$0xFFFFFF00] =	vst v7;
	v7 =	vld [tilespmem:s22+$0x10];
	v25 =	vsel vm3, $0x10, v0;
	vm4 =	vgt.s32 v9, $0xC7FF;
	v10 =	vadd.s32 $0xFFFF3800, v9  }
0xcb: {  	v16 =	vld [tilespmem:s22+$0xFFFFFE10];
	vm5 =	vgt.s32 v13, $0xC7FF;
	v9 =	vsel vm4, v10, v9;
	v10 =	vadd.s32 $0xFFFF3800, v13  }
0xcc: {  	v17 =	vld [tilespmem:s22+$0xFFFFFE90];
	vm6 =	vgt.s32 v6, $0xC7FF;
	v18 =	vadd.s32 $0xFFFF3800, v6;
	v10 =	vsel vm5, v10, v13  }
0xcd: {  	v19 =	vld [tilespmem:s22+$0x90];
	vm7 =	vgt.s32 v8, $0xC7FF;
	v13 =	vadd.s32 $0xFFFF3800, v8;
	v6 =	vsel vm6, v18, v6  }
0xce: {  	v18 =	vld [tilespmem:s24+$0xFFFFFFE0];
	vm8 =	vgt.s32 v14, $0xC7FF;
	v8 =	vsel vm7, v13, v8;
	v13 =	vadd.s32 $0xFFFF3800, v14  }
0xcf: {  	v13 =	vsel vm8, v13, v14;
	vm9 =	vgt.s32 v7, $0xC7FF;
	v14 =	vadd.s32 $0xFFFF3800, v7;
	v5 =	vld.idx.msk [tilespmem:v5+s5+$0x0], $0xffff  }
0xd0: {  	vm10 =	vgt.s32 v16, $0xC7FF;
	v20 =	vadd.s32 $0xFFFF3800, v16;
	v7 =	vsel vm9, v14, v7;
	v9 =	vld.idx.msk [tilespmem:v9+s5+$0x0], $0xffff  }
0xd1: {  	vm11 =	vgt.s32 v17, $0xC7FF;
	v14 =	vsel vm10, v20, v16;
	v16 =	vadd.s32 $0xFFFF3800, v17;
	v10 =	vld.idx.msk [tilespmem:v10+s5+$0x0], $0xffff  }
0xd2: {  	vm12 =	vgt.s32 v19, $0xC7FF;
	v16 =	vsel vm11, v16, v17;
	v17 =	vadd.s32 $0xFFFF3800, v19;
	v6 =	vld.idx.msk [tilespmem:v6+s5+$0x0], $0xffff  }
0xd3: {  	v27 =	vsel vm4, $0x10, v0;
	v28 =	vsel vm5, $0x10, v0;
	v17 =	vsel vm12, v17, v19;
	v8 =	vld.idx.msk [tilespmem:v8+s5+$0x0], $0xffff  }
0xd4: {  	v26 =	vsel vm6, $0x10, v0;
	v22 =	vsel vm8, $0x10, v0;
	v20 =	vsel vm10, $0x10, v0;
	v13 =	vld.idx.msk [tilespmem:v13+s5+$0x0], $0xffff  }
0xd5: {  	v21 =	vsel vm11, $0x10, v0;
	v23 =	vsel vm9, $0x10, v0;
	v24 =	vsel vm12, $0x10, v0;
	v7 =	vld.idx.msk [tilespmem:v7+s5+$0x0], $0xffff  }
0xd6: {  	v19 =	vsel vm7, $0x10, v0;
	vm3 =	vgt.s32 v18, $0xC7FF;
	v5 =	vshra.s32 v5, v25;
	v14 =	vld.idx.msk [tilespmem:v14+s5+$0x0], $0xffff  }
0xd7: {  	v5 =	vshll.u32 v5, $0x10;
	v16 =	vld.idx.msk [tilespmem:v16+s5+$0x0], $0xffff;
	v9 =	vshra.s32 v9, v27;
	v6 =	vshra.s32 v6, v26  }
0xd8: {  	[tilespmem:s21+$0x50] =	vst v3;
	v10 =	vshra.s32 v10, v28;
	v3 =	vshll.u32 v9, $0x10;
	v9 =	vld.idx.msk [tilespmem:v17+s5+$0x0], $0xffff;
	v6 =	vshll.u32 v6, $0x10  }
0xd9: {  	v17 =	vld [tilespmem:s24+$0xE0];
	v8 =	vshra.s32 v8, v19;
	v13 =	vshra.s32 v13, v22;
	v5 =	vmul.f32 v6, v5  }
0xda: {  	v10 =	vshll.u32 v10, $0x10;
	v6 =	vld [tilespmem:s24+$0x60];
	v8 =	vshll.u32 v8, $0x10;
	v13 =	vshll.u32 v13, $0x10  }
0xdb: {  	v3 =	vmul.f32 v10, v3;
	v8 =	vmul.f32 v13, v8;
	[tilespmem:s23+$0x90] =	vst v5;
	v5 =	vshra.s32 v7, v23  }
0xdc: {  	v7 =	vshra.s32 v14, v20;
	v10 =	vshra.s32 v16, v21;
	v14 =	vadd.s32 $0xFFFF3800, v18;
	v13 =	vld [tilespmem:s22+$0x120]  }
0xdd: {  	v5 =	vshll.u32 v5, $0x10;
	v7 =	vshll.u32 v7, $0x10;
	v10 =	vshll.u32 v10, $0x10;
	[tilespmem:s23+$0xFFFFFF90] =	vst v8;
	v8 =	vld [tilespmem:s22+$0x1A0]  }
0xde: {  	v9 =	vshra.s32 v9, v24;
	vm4 =	vgt.s32 v17, $0xC7FF;
	v7 =	vmul.f32 v10, v7;
	v10 =	vld [tilespmem:s22+$0xFFFFFF20]  }
0xdf: {  	v14 =	vsel vm3, v14, v18;
	v9 =	vshll.u32 v9, $0x10;
	vm5 =	vgt.s32 v6, $0xC7FF;
	v19 =	vld [tilespmem:s22+$0xFFFFFFA0]  }
0xe0: {  	v1 =	vld.idx.msk [tilespmem:v1+s5+$0x0], $0xffff;
	v16 =	vadd.s32 $0xFFFF3800, v6;
	v5 =	vmul.f32 v9, v5;
	v9 =	vadd.s32 $0xFFFF3800, v17;
	[tilespmem:s23+$0xFFFFFF10] =	vst v7  }
0xe1: {  	v6 =	vsel vm5, v16, v6;
	v7 =	vld [tilespmem:s22+$0xFFFFFE20];
	vm6 =	vgt.s32 v13, $0xC7FF;
	v12 =	vadd.s32 $0xFFFF3800, v13  }
0xe2: {  	[tilespmem:s23+$0x10] =	vst v5;
	v5 =	vld [tilespmem:s22+$0xFFFFFEA0];
	v11 =	vsel vm6, v12, v13;
	vm7 =	vgt.s32 v8, $0xC7FF;
	v12 =	vadd.s32 $0xFFFF3800, v8  }
0xe3: {  	v20 =	vld [tilespmem:s22+$0x20];
	vm12 =	vgt.s32 v10, $0xC7FF;
	v13 =	vadd.s32 $0xFFFF3800, v10;
	v8 =	vsel vm7, v12, v8  }
0xe4: {  	v12 =	vld [tilespmem:s22+$0xA0];
	vm9 =	vgt.s32 v19, $0xC7FF;
	v10 =	vsel vm12, v13, v10;
	v13 =	vadd.s32 $0xFFFF3800, v19  }
0xe5: {  	v2 =	vld.idx.msk [tilespmem:v2+s5+$0x0], $0xffff;
	v9 =	vsel vm4, v9, v17;
	v17 =	vsel vm0, $0x10, v0;
	v13 =	vsel vm9, v13, v19  }
0xe6: {  	v15 =	vsel vm12, $0x10, v0;
	v6 =	vld.idx.msk [tilespmem:v6+s5+$0x0], $0xffff;
	vm8 =	vgt.s32 v7, $0xC7FF;
	v19 =	vadd.s32 $0xFFFF3800, v7  }
0xe7: {  	vm10 =	vgt.s32 v5, $0xC7FF;
	v7 =	vsel vm8, v19, v7;
	v19 =	vadd.s32 $0xFFFF3800, v5;
	v11 =	vld.idx.msk [tilespmem:v11+s5+$0x0], $0xffff  }
0xe8: {  	vm11 =	vgt.s32 v20, $0xC7FF;
	v5 =	vsel vm10, v19, v5;
	v19 =	vadd.s32 $0xFFFF3800, v20;
	v8 =	vld.idx.msk [tilespmem:v8+s5+$0x0], $0xffff  }
0xe9: {  	v19 =	vsel vm11, v19, v20;
	vm12 =	vgt.s32 v12, $0xC7FF;
	v20 =	vadd.s32 $0xFFFF3800, v12;
	v10 =	vld.idx.msk [tilespmem:v10+s5+$0x0], $0xffff  }
0xea: {  	v1 =	vshra.s32 v1, v17;
	v23 =	vsel vm6, $0x10, v0;
	v12 =	vsel vm12, v20, v12;
	v13 =	vld.idx.msk [tilespmem:v13+s5+$0x0], $0xffff  }
0xeb: {  	v50 =	vsel vm7, $0x10, v0;
	v18 =	vsel vm9, $0x10, v0;
	v9 =	vld.idx.msk [tilespmem:v9+s5+$0x0], $0xffff;
	v16 =	vsel vm8, $0x10, v0  }
0xec: {  	v21 =	vsel vm11, $0x10, v0;
	v20 =	vsel vm10, $0x10, v0;
	v22 =	vsel vm12, $0x10, v0;
	v7 =	vld.idx.msk [tilespmem:v7+s5+$0x0], $0xffff  }
0xed: {  	v5 =	vld.idx.msk [tilespmem:v5+s5+$0x0], $0xffff;
	v11 =	vshra.s32 v11, v23;
	v23 =	vsel vm2, $0x10, v0;
	v8 =	vshra.s32 v8, v50  }
0xee: {  	v19 =	vld.idx.msk [tilespmem:v19+s5+$0x0], $0xffff;
	v11 =	vshll.u32 v11, $0x10;
	v2 =	vshra.s32 v2, v23;
	v8 =	vshll.u32 v8, $0x10  }
0xef: {  	v12 =	vld.idx.msk [tilespmem:v12+s5+$0x0], $0xffff;
	v10 =	vshra.s32 v10, v15;
	v13 =	vshra.s32 v13, v18;
	v8 =	vmul.f32 v8, v11  }
0xf0: {  	v11 =	vsel vm3, $0x10, v0;
	v10 =	vshll.u32 v10, $0x10;
	v13 =	vshll.u32 v13, $0x10  }
0xf1: {  	v14 =	vld.idx.msk [tilespmem:v14+s5+$0x0], $0xffff;
	v7 =	vshra.s32 v7, v16;
	v16 =	vsel vm4, $0x10, v0;
	v10 =	vmul.f32 v13, v10;
	[tilespmem:s23+$0xA0] =	vst v8  }
0xf2: {  	v5 =	vshra.s32 v5, v20;
	v8 =	vsel vm5, $0x10, v0;
	v7 =	vshll.u32 v7, $0x10;
	v13 =	vld [tilespmem:s22+$0x130]  }
0xf3: {  	v9 =	vshra.s32 v9, v16;
	v5 =	vshll.u32 v5, $0x10;
	v15 =	vld [tilespmem:s22+$0x1B0];
	v6 =	vshra.s32 v6, v8  }
0xf4: {  	[tilespmem:s23+$0xFFFFFFA0] =	vst v10;
	v10 =	vshra.s32 v19, v21;
	v5 =	vmul.f32 v5, v7;
	v7 =	vshra.s32 v12, v22  }
0xf5: {  	v9 =	vshll.u32 v9, $0x10;
	v12 =	vld [tilespmem:s22+$0xFFFFFF30];
	v10 =	vshll.u32 v10, $0x10;
	v7 =	vshll.u32 v7, $0x10  }
0xf6: {  	v6 =	vshll.u32 v6, $0x10;
	v17 =	vld [tilespmem:s22+$0xFFFFFFB0];
	[tilespmem:s23+$0xFFFFFF20] =	vst v5;
	v5 =	vmul.f32 v7, v10;
	v10 =	vshra.s32 v14, v11  }
0xf7: {  	v2 =	vshll.u32 v2, $0x10;
	v6 =	vmul.f32 v9, v6;
	v7 =	vld [tilespmem:s22+$0xFFFFFE30];
	v10 =	vshll.u32 v10, $0x10  }
0xf8: {  	v14 =	vld [tilespmem:s22+$0xFFFFFEB0];
	vm0 =	vgt.s32 v13, $0xC7FF;
	v11 =	vadd.s32 $0xFFFF3800, v13;
	[tilespmem:s23+$0x20] =	vst v5;
	vm13 =	vgt.s32 v15, $0xC7FF  }
0xf9: {  	v2 =	vmul.f32 v10, v2;
	v5 =	vsel vm0, v11, v13;
	v11 =	vadd.s32 $0xFFFF3800, v15;
	v13 =	vld [tilespmem:s22+$0x30]  }
0xfa: {  	vm14 =	vgt.s32 v12, $0xC7FF;
	v18 =	vadd.s32 $0xFFFF3800, v12;
	v11 =	vsel vm13, v11, v15;
	v15 =	vld [tilespmem:s22+$0xB0]  }
0xfb: {  	vm15 =	vgt.s32 v17, $0xC7FF;
	v12 =	vsel vm14, v18, v12;
	v18 =	vadd.s32 $0xFFFF3800, v17  }
0xfc: {  	v4 =	vld.idx.msk [tilespmem:v4+s5+$0x0], $0xffff;
	[tilespmem:s21+$0xFFFFFFE0] =	vst v2;
	v17 =	vsel vm15, v18, v17;
	vm9 =	vgt.s32 v7, $0xC7FF;
	v18 =	vadd.s32 $0xFFFF3800, v7  }
0xfd: {  	[tilespmem:s21+$0x60] =	vst v6;
	v6 =	vld [tilespmem:s24+$0xFFFFFFF0];
	vm10 =	vgt.s32 v14, $0xC7FF;
	v7 =	vsel vm9, v18, v7;
	v18 =	vadd.s32 $0xFFFF3800, v14  }
0xfe: {  	v5 =	vld.idx.msk [tilespmem:v5+s5+$0x0], $0xffff;
	v14 =	vsel vm10, v18, v14;
	vm11 =	vgt.s32 v13, $0xC7FF;
	v18 =	vadd.s32 $0xFFFF3800, v13  }
0xff: {  	v11 =	vld.idx.msk [tilespmem:v11+s5+$0x0], $0xffff;
	v13 =	vsel vm11, v18, v13;
	vm12 =	vgt.s32 v15, $0xC7FF;
	v18 =	vadd.s32 $0xFFFF3800, v15  }
0x100: {  	v51 =	vsel vm1, $0x10, v0;
	v8 =	vld.idx.msk [tilespmem:v12+s5+$0x0], $0xffff;
	v12 =	vsel vm12, v18, v15  }
0x101: {  	v4 =	vshra.s32 v4, v51;
	v17 =	vld.idx.msk [tilespmem:v17+s5+$0x0], $0xffff  }
0x102: {  	v4 =	vshll.u32 v4, $0x10;
	v1 =	vshll.u32 v1, $0x10;
	v7 =	vld.idx.msk [tilespmem:v7+s5+$0x0], $0xffff  }
0x103: {  	v1 =	vmul.f32 v4, v1;
	v20 =	vsel vm13, $0x10, v0;
	v4 =	vld.idx.msk [tilespmem:v14+s5+$0x0], $0xffff;
	v14 =	vsel vm0, $0x10, v0  }
0x104: {  	v16 =	vsel vm15, $0x10, v0;
	v13 =	vld.idx.msk [tilespmem:v13+s5+$0x0], $0xffff;
	v5 =	vshra.s32 v5, v14;
	v11 =	vshra.s32 v11, v20  }
0x105: {  	[tilespmem:s21+$0xFFFFFF60] =	vst v1;
	v15 =	vsel vm14, $0x10, v0;
	v1 =	vld.idx.msk [tilespmem:v12+s5+$0x0], $0xffff;
	v5 =	vshll.u32 v5, $0x10;
	v10 =	vshll.u32 v11, $0x10  }
0x106: {  	v8 =	vshra.s32 v8, v15;
	v11 =	vshra.s32 v17, v16;
	v5 =	vmul.f32 v10, v5;
	v10 =	vld [tilespmem:s24+$0xFFFFFE70]  }
0x107: {  	v18 =	vsel vm9, $0x10, v0;
	v2 =	vshll.u32 v8, $0x10;
	v8 =	vshll.u32 v11, $0x10;
	v11 =	vld [tilespmem:s24+$0xFFFFFEF0]  }
0x108: {  	v19 =	vsel vm10, $0x10, v0;
	v21 =	vsel vm11, $0x10, v0;
	v7 =	vshra.s32 v7, v18;
	v18 =	vld [tilespmem:s24+$0x70]  }
0x109: {  	v53 =	vadd.s32 $0xFFFF3800, v6;
	v2 =	vmul.f32 v8, v2;
	[tilespmem:s23+$0xB0] =	vst v5;
	v5 =	vld [tilespmem:s24+$0xFFFFFF70];
	v4 =	vshra.s32 v4, v19  }
0x10a: {  	v12 =	vsel vm12, $0x10, v0;
	v7 =	vshll.u32 v7, $0x10;
	v8 =	vld [tilespmem:s22+$0x140];
	v4 =	vshll.u32 v4, $0x10  }
0x10b: {  	v9 =	vld [tilespmem:s22+$0x1C0];
	[tilespmem:s23+$0xFFFFFFB0] =	vst v2;
	v2 =	vshra.s32 v13, v21;
	v4 =	vmul.f32 v4, v7;
	v1 =	vshra.s32 v1, v12  }
0x10c: {  	v7 =	vld [tilespmem:s22+$0xFFFFFF40];
	v2 =	vshll.u32 v2, $0x10;
	v1 =	vshll.u32 v1, $0x10;
	vm1 =	vgt.s32 v10, $0xC7FF  }
0x10d: {  	v12 =	vld [tilespmem:s22+$0xFFFFFFC0];
	v13 =	vadd.s32 $0xFFFF3800, v10;
	[tilespmem:s23+$0xFFFFFF30] =	vst v4;
	v1 =	vmul.f32 v1, v2;
	vm0 =	vgt.s32 v11, $0xC7FF  }
0x10e: {  	v2 =	vadd.s32 $0xFFFF3800, v11;
	vm8 =	vgt.s32 v18, $0xC7FF;
	v55 =	vadd.s32 $0xFFFF3800, v18;
	v4 =	vld [tilespmem:s22+$0xFFFFFE40]  }
0x10f: {  	vm2 =	vgt.s32 v5, $0xC7FF;
	v15 =	vld [tilespmem:s22+$0xFFFFFEC0];
	vm3 =	vgt.s32 v8, $0xC7FF;
	v14 =	vadd.s32 $0xFFFF3800, v8  }
0x110: {  	[tilespmem:s23+$0x30] =	vst v1;
	vm6 =	vgt.s32 v9, $0xC7FF;
	v1 =	vsel vm3, v14, v8;
	v8 =	vadd.s32 $0xFFFF3800, v9  }
0x111: {  	v16 =	vld [tilespmem:s22+$0x40];
	vm13 =	vgt.s32 v7, $0xC7FF;
	v14 =	vadd.s32 $0xFFFF3800, v7;
	v8 =	vsel vm6, v8, v9  }
0x112: {  	vm14 =	vgt.s32 v12, $0xC7FF;
	v9 =	vadd.s32 $0xFFFF3800, v12;
	v7 =	vsel vm13, v14, v7;
	v14 =	vld [tilespmem:s22+$0xC0]  }
0x113: {  	v9 =	vsel vm14, v9, v12;
	vm15 =	vgt.s32 v4, $0xC7FF;
	v19 =	vadd.s32 $0xFFFF3800, v4  }
0x114: {  	v21 =	vld [tilespmem:s24+$0xF0];
	vm12 =	vgt.s32 v15, $0xC7FF;
	v4 =	vsel vm15, v19, v4;
	v19 =	vadd.s32 $0xFFFF3800, v15  }
0x115: {  	v20 =	vadd.s32 $0xFFFF3800, v5;
	v17 =	vsel vm13, $0x10, v0;
	v1 =	vld.idx.msk [tilespmem:v1+s5+$0x0], $0xffff;
	v15 =	vsel vm12, v19, v15  }
0x116: {  	v12 =	vsel vm14, $0x10, v0;
	vm13 =	vgt.s32 v16, $0xC7FF;
	v19 =	vadd.s32 $0xFFFF3800, v16;
	v8 =	vld.idx.msk [tilespmem:v8+s5+$0x0], $0xffff  }
0x117: {  	v16 =	vsel vm13, v19, v16;
	vm14 =	vgt.s32 v14, $0xC7FF;
	v19 =	vadd.s32 $0xFFFF3800, v14;
	v7 =	vld.idx.msk [tilespmem:v7+s5+$0x0], $0xffff  }
0x118: {  	v2 =	vsel vm0, v2, v11;
	v54 =	vsel vm3, $0x10, v0;
	v9 =	vld.idx.msk [tilespmem:v9+s5+$0x0], $0xffff;
	v14 =	vsel vm14, v19, v14  }
0x119: {  	v56 =	vsel vm6, $0x10, v0;
	vm3 =	vgt.s32 v21, $0xC7FF;
	v57 =	vadd.s32 $0xFFFF3800, v21;
	v4 =	vld.idx.msk [tilespmem:v4+s5+$0x0], $0xffff  }
0x11a: {  	v22 =	vsel vm15, $0x10, v0;
	v23 =	vsel vm12, $0x10, v0;
	vm15 =	vgt.s32 v6, $0xC7FF;
	v15 =	vld.idx.msk [tilespmem:v15+s5+$0x0], $0xffff  }
0x11b: {  	v6 =	vsel vm15, v53, v6;
	v1 =	vshra.s32 v1, v54;
	v8 =	vshra.s32 v8, v56  }
0x11c: {  	v19 =	vsel vm13, $0x10, v0;
	v16 =	vld.idx.msk [tilespmem:v16+s5+$0x0], $0xffff;
	v1 =	vshll.u32 v1, $0x10;
	v8 =	vshll.u32 v8, $0x10  }
0x11d: {  	v7 =	vshra.s32 v7, v17;
	v9 =	vshra.s32 v9, v12;
	v14 =	vld.idx.msk [tilespmem:v14+s5+$0x0], $0xffff;
	v1 =	vmul.f32 v8, v1  }
0x11e: {  	v7 =	vshll.u32 v7, $0x10;
	v8 =	vshll.u32 v9, $0x10;
	v4 =	vshra.s32 v4, v22  }
0x11f: {  	v7 =	vmul.f32 v8, v7;
	[tilespmem:s23+$0xC0] =	vst v1;
	v1 =	vsel vm2, v20, v5;
	v5 =	vshra.s32 v15, v23  }
0x120: {  	v52 =	vsel vm14, $0x10, v0;
	v4 =	vshll.u32 v4, $0x10;
	v8 =	vld [tilespmem:s22+$0x150];
	v5 =	vshll.u32 v5, $0x10  }
0x121: {  	v17 =	vsel vm2, $0x10, v0;
	v9 =	vsel vm1, v13, v10;
	[tilespmem:s23+$0xFFFFFFC0] =	vst v7;
	v10 =	vld [tilespmem:s22+$0x1D0];
	v5 =	vmul.f32 v5, v4  }
0x122: {  	v22 =	vsel vm8, v55, v18;
	v7 =	vshra.s32 v16, v19;
	v11 =	vld [tilespmem:s22+$0xFFFFFF50];
	v4 =	vshra.s32 v14, v52  }
0x123: {  	v16 =	vsel vm0, $0x10, v0;
	v7 =	vshll.u32 v7, $0x10;
	v12 =	vld [tilespmem:s22+$0xFFFFFFD0];
	v13 =	vshll.u32 v4, $0x10;
	[tilespmem:s23+$0xFFFFFF40] =	vst v5  }
0x124: {  	v14 =	vsel vm1, $0x10, v0;
	v4 =	vsel vm3, v57, v21;
	v7 =	vmul.f32 v13, v7;
	v13 =	vld [tilespmem:s22+$0xFFFFFE50]  }
0x125: {  	v5 =	vsel vm15, $0x10, v0;
	v18 =	vld [tilespmem:s22+$0xFFFFFED0];
	vm0 =	vgt.s32 v8, $0xC7FF;
	v15 =	vadd.s32 $0xFFFF3800, v8  }
0x126: {  	v58 =	vld.idx.msk [tilespmem:v1+s5+$0x0], $0xffff;
	v1 =	vsel vm8, $0x10, v0;
	vm9 =	vgt.s32 v10, $0xC7FF;
	[tilespmem:s23+$0x40] =	vst v7;
	v7 =	vsel vm0, v15, v8  }
0x127: {  	v8 =	vadd.s32 $0xFFFF3800, v10;
	vm10 =	vgt.s32 v11, $0xC7FF;
	v15 =	vadd.s32 $0xFFFF3800, v11;
	v19 =	vld [tilespmem:s22+$0x50]  }
0x128: {  	v23 =	vld.idx.msk [tilespmem:v2+s5+$0x0], $0xffff;
	vm11 =	vgt.s32 v12, $0xC7FF;
	v8 =	vsel vm9, v8, v10;
	v10 =	vsel vm10, v15, v11  }
0x129: {  	v11 =	vadd.s32 $0xFFFF3800, v12;
	v15 =	vld [tilespmem:s22+$0xD0];
	v20 =	vsel vm10, $0x10, v0;
	v21 =	vsel vm11, $0x10, v0  }
0x12a: {  	v9 =	vld.idx.msk [tilespmem:v9+s5+$0x0], $0xffff;
	v11 =	vsel vm11, v11, v12;
	vm12 =	vgt.s32 v13, $0xC7FF;
	v2 =	vadd.s32 $0xFFFF3800, v13  }
0x12b: {  	v6 =	vld.idx.msk [tilespmem:v6+s5+$0x0], $0xffff;
	vm13 =	vgt.s32 v18, $0xC7FF;
	v59 =	vsel vm12, v2, v13;
	v2 =	vadd.s32 $0xFFFF3800, v18  }
0x12c: {  	v60 =	vld.idx.msk [tilespmem:v7+s5+$0x0], $0xffff;
	v18 =	vsel vm13, v2, v18;
	vm14 =	vgt.s32 v19, $0xC7FF;
	v2 =	vadd.s32 $0xFFFF3800, v19  }
0x12d: {  	v13 =	vsel vm12, $0x10, v0;
	v12 =	vsel vm13, $0x10, v0;
	v61 =	vld.idx.msk [tilespmem:v8+s5+$0x0], $0xffff;
	v19 =	vsel vm14, v2, v19  }
0x12e: {  	v7 =	vshra.s32 v58, v17;
	v62 =	vld.idx.msk [tilespmem:v10+s5+$0x0], $0xffff;
	vm15 =	vgt.s32 v15, $0xC7FF;
	v2 =	vadd.s32 $0xFFFF3800, v15  }
0x12f: {  	v8 =	vshra.s32 v9, v14;
	v9 =	vshra.s32 v23, v16;
	v29 =	vld.idx.msk [tilespmem:v11+s5+$0x0], $0xffff;
	v30 =	vsel vm15, v2, v15  }
0x130: {  	v16 =	vsel vm0, $0x10, v0;
	v11 =	vsel vm14, $0x10, v0;
	v10 =	vsel vm15, $0x10, v0;
	v15 =	vld.idx.msk [tilespmem:v59+s5+$0x0], $0xffff  }
0x131: {  	v8 =	vshll.u32 v8, $0x10;
	v9 =	vshll.u32 v9, $0x10;
	v17 =	vld.idx.msk [tilespmem:v18+s5+$0x0], $0xffff;
	v18 =	vsel vm9, $0x10, v0  }
0x132: {  	v2 =	vsel vm3, $0x10, v0;
	v18 =	vshra.s32 v61, v18;
	v14 =	vld.idx.msk [tilespmem:v19+s5+$0x0], $0xffff;
	v19 =	vshra.s32 v60, v16  }
0x133: {  	s25 =	sshll.u32 s19, $0x1;
	[tilespmem:s21+$0xF0] =	vst v3;
	v3 =	vld.idx.msk [tilespmem:v22+s5+$0x0], $0xffff;
	v20 =	vshra.s32 v62, v20;
	v63 =	vshll.u32 v18, $0x10;
	v23 =	vshll.u32 v19, $0x10  }
0x134: {  	s26 =	simm.s32 $0x4;
	s28 =	simm.s32 $0xD200;
	s24 =	simm.s32 $0x19300;
	v18 =	vshll.u32 v20, $0x10;
	v16 =	vld.idx.msk [tilespmem:v30+s5+$0x0], $0xffff;
	v19 =	vshra.s32 v29, v21;
	v20 =	vmul.f32 v63, v23  }
.LBB2_3:
0x135: {  	v21 =	vld [tilespmem:s28+$0x100];
	v19 =	vshll.u32 v19, $0x10;
	v7 =	vshll.u32 v7, $0x10;
	v5 =	vshra.s32 v6, v5  }
0x136: {  	v13 =	vshra.s32 v15, v13;
	v6 =	vld [tilespmem:s28+$0x180];
	v15 =	vmul.f32 v19, v18;
	[tilespmem:s23+$0xD0] =	vst v20;
	v5 =	vshll.u32 v5, $0x10  }
0x137: {  	v8 =	vmul.f32 v9, v8;
	v13 =	vshll.u32 v13, $0x10;
	v12 =	vshra.s32 v17, v12;
	v17 =	vld [tilespmem:s22+$0x160]  }
0x138: {  	v9 =	vshll.u32 v12, $0x10;
	v11 =	vshra.s32 v14, v11;
	v5 =	vmul.f32 v5, v7;
	[tilespmem:s23+$0xFFFFFFD0] =	vst v15;
	v12 =	vld [tilespmem:s22+$0x1E0]  }
0x139: {  	v9 =	vmul.f32 v9, v13;
	v11 =	vshll.u32 v11, $0x10;
	v10 =	vshra.s32 v16, v10;
	v7 =	vld [tilespmem:s28+$0xFFFFFE80];
	[tilespmem:s21+$0xFFFFFF70] =	vst v8  }
0x13a: {  	v10 =	vshll.u32 v10, $0x10;
	v8 =	vld [tilespmem:s28+$0xFFFFFF00];
	vm0 =	vgt.s32 v21, $0xC7FF;
	v13 =	vadd.s32 $0xFFFF3800, v21;
	[tilespmem:s21+$0xFFFFFFF0] =	vst v5  }
0x13b: {  	v14 =	vld [tilespmem:s28+$0xFFFFFF80];
	v13 =	vsel vm0, v13, v21;
	vm2 =	vgt.s32 v6, $0xC7FF;
	v5 =	vadd.s32 $0xFFFF3800, v6;
	[tilespmem:s23+$0xFFFFFF50] =	vst v9  }
0x13c: {  	v9 =	vld [tilespmem:s28+$0x0];
	v6 =	vsel vm2, v5, v6;
	vm1 =	vgt.s32 v17, $0xC7FF;
	v5 =	vadd.s32 $0xFFFF3800, v17  }
0x13d: {  	v15 =	vld [tilespmem:s28+$0x80];
	v16 =	vsel vm1, v5, v17;
	vm3 =	vgt.s32 v12, $0xC7FF;
	v5 =	vadd.s32 $0xFFFF3800, v12  }
0x13e: {  	v17 =	vld [tilespmem:s28+$0xFFFFFE00];
	vm4 =	vgt.s32 v7, $0xC7FF;
	v18 =	vadd.s32 $0xFFFF3800, v7;
	v12 =	vsel vm3, v5, v12  }
0x13f: {  	v7 =	vsel vm4, v18, v7;
	vm5 =	vgt.s32 v8, $0xC7FF;
	v18 =	vadd.s32 $0xFFFF3800, v8;
	v5 =	vld [tilespmem:s22+$0xFFFFFE60]  }
0x140: {  	s26 =	sadd.s32 $0x4, s26;
	v8 =	vsel vm5, v18, v8;
	vm6 =	vgt.s32 v14, $0xC7FF;
	v18 =	vadd.s32 $0xFFFF3800, v14;
	v13 =	vld.idx.msk [tilespmem:v13+s5+$0x0], $0xffff  }
0x141: {  	p2 =	slt.u32 s26, $0x60;
	v14 =	vsel vm6, v18, v14;
	vm7 =	vgt.s32 v9, $0xC7FF;
	v18 =	vadd.s32 $0xFFFF3800, v9;
	v6 =	vld.idx.msk [tilespmem:v6+s5+$0x0], $0xffff  }
0x142: {  	v9 =	vsel vm7, v18, v9;
	vm8 =	vgt.s32 v15, $0xC7FF;
	v18 =	vadd.s32 $0xFFFF3800, v15;
	v16 =	vld.idx.msk [tilespmem:v16+s5+$0x0], $0xffff  }
0x143: {  	vm9 =	vgt.s32 v17, $0xC7FF;
	v19 =	vadd.s32 $0xFFFF3800, v17;
	v15 =	vsel vm8, v18, v15;
	v12 =	vld.idx.msk [tilespmem:v12+s5+$0x0], $0xffff  }
0x144: {  	v17 =	vsel vm9, v19, v17;
	v18 =	vsel vm9, $0x10, v0;
	v7 =	vld.idx.msk [tilespmem:v7+s5+$0x0], $0xffff;
	v19 =	vsel vm4, $0x10, v0  }
0x145: {  	v20 =	vsel vm5, $0x10, v0;
	v21 =	vsel vm6, $0x10, v0;
	v22 =	vsel vm7, $0x10, v0;
	v8 =	vld.idx.msk [tilespmem:v8+s5+$0x0], $0xffff  }
0x146: {  	v24 =	vsel vm0, $0x10, v0;
	v25 =	vsel vm2, $0x10, v0;
	v23 =	vsel vm8, $0x10, v0;
	v14 =	vld.idx.msk [tilespmem:v14+s5+$0x0], $0xffff  }
0x147: {  	v10 =	vmul.f32 v10, v11;
	v13 =	vshra.s32 v13, v24;
	v6 =	vshra.s32 v6, v25;
	v9 =	vld.idx.msk [tilespmem:v9+s5+$0x0], $0xffff  }
0x148: {  	v24 =	vsel vm3, $0x10, v0;
	v13 =	vshll.u32 v13, $0x10;
	v11 =	vld.idx.msk [tilespmem:v15+s5+$0x0], $0xffff;
	v15 =	vsel vm1, $0x10, v0  }
0x149: {  	v6 =	vshll.u32 v6, $0x10;
	v12 =	vshra.s32 v12, v24;
	v17 =	vld.idx.msk [tilespmem:v17+s5+$0x0], $0xffff;
	[tilespmem:s23+$0x50] =	vst v10;
	v10 =	vshra.s32 v16, v15  }
0x14a: {  	v13 =	vmul.f32 v6, v13;
	v12 =	vshll.u32 v12, $0x10;
	v6 =	vld [tilespmem:s22+$0xFFFFFEE0];
	v10 =	vshll.u32 v10, $0x10  }
0x14b: {  	v15 =	vshra.s32 v7, v19;
	s23 =	sadd.s32 $0x200, s23;
	v8 =	vshra.s32 v8, v20;
	v7 =	vld [tilespmem:s22+$0xFFFFFF60];
	v10 =	vmul.f32 v12, v10  }
0x14c: {  	v12 =	vshll.u32 v15, $0x10;
	v15 =	vshll.u32 v8, $0x10;
	v14 =	vshra.s32 v14, v21;
	[tilespmem:s23+$0x80] =	vst v13;
	v8 =	vld [tilespmem:s22+$0xFFFFFFE0]  }
0x14d: {  	vm0 =	vgt.s32 v5, $0xC7FF;
	v13 =	vshll.u32 v14, $0x10;
	v9 =	vshra.s32 v9, v22;
	v14 =	vld [tilespmem:s28+$0x110];
	[tilespmem:s24+$0xE0] =	vst v10  }
0x14e: {  	v10 =	vmul.f32 v13, v15;
	v13 =	vshll.u32 v9, $0x10;
	v9 =	vshra.s32 v11, v23;
	v11 =	vld [tilespmem:s22+$0x170]  }
0x14f: {  	v15 =	vshra.s32 v17, v18;
	v16 =	vshll.u32 v9, $0x10;
	v9 =	vadd.s32 $0xFFFF3800, v5;
	v17 =	vld [tilespmem:s22+$0x1F0]  }
0x150: {  	v15 =	vshll.u32 v15, $0x10;
	vm1 =	vgt.s32 v6, $0xC7FF;
	[tilespmem:s23+$0xFFFFFF80] =	vst v10;
	v10 =	vmul.f32 v16, v13;
	v13 =	vld [tilespmem:s28+$0x190]  }
0x151: {  	v12 =	vmul.f32 v12, v15;
	v16 =	vadd.s32 $0xFFFF3800, v6;
	vm2 =	vgt.s32 v7, $0xC7FF;
	v15 =	vld [tilespmem:s28+$0xFFFFFF10]  }
0x152: {  	v19 =	vadd.s32 $0xFFFF3800, v7;
	v18 =	vld [tilespmem:s28+$0xFFFFFF90];
	[tilespmem:s23+$0x0] =	vst v10;
	vm3 =	vgt.s32 v14, $0xC7FF;
	v10 =	vadd.s32 $0xFFFF3800, v14  }
0x153: {  	[tilespmem:s23+$0xFFFFFF00] =	vst v12;
	v12 =	vld [tilespmem:s28+$0x10];
	v10 =	vsel vm3, v10, v14;
	vm4 =	vgt.s32 v11, $0xC7FF;
	v14 =	vadd.s32 $0xFFFF3800, v11  }
0x154: {  	v20 =	vld [tilespmem:s28+$0xFFFFFE10];
	v11 =	vsel vm4, v14, v11;
	vm5 =	vgt.s32 v17, $0xC7FF;
	v14 =	vadd.s32 $0xFFFF3800, v17  }
0x155: {  	v21 =	vld [tilespmem:s28+$0xFFFFFE90];
	vm6 =	vgt.s32 v13, $0xC7FF;
	v22 =	vadd.s32 $0xFFFF3800, v13;
	v14 =	vsel vm5, v14, v17  }
0x156: {  	vm7 =	vgt.s32 v15, $0xC7FF;
	v17 =	vadd.s32 $0xFFFF3800, v15;
	v23 =	vld [tilespmem:s28+$0x90];
	v13 =	vsel vm6, v22, v13  }
0x157: {  	v15 =	vsel vm7, v17, v15;
	vm8 =	vgt.s32 v18, $0xC7FF;
	v17 =	vadd.s32 $0xFFFF3800, v18;
	v22 =	vld [tilespmem:s22+$0x60]  }
0x158: {  	v17 =	vsel vm8, v17, v18;
	vm9 =	vgt.s32 v12, $0xC7FF;
	v18 =	vadd.s32 $0xFFFF3800, v12;
	v10 =	vld.idx.msk [tilespmem:v10+s5+$0x0], $0xffff  }
0x159: {  	vm10 =	vgt.s32 v20, $0xC7FF;
	v24 =	vadd.s32 $0xFFFF3800, v20;
	v12 =	vsel vm9, v18, v12;
	v11 =	vld.idx.msk [tilespmem:v11+s5+$0x0], $0xffff  }
0x15a: {  	v18 =	vsel vm10, v24, v20;
	vm11 =	vgt.s32 v21, $0xC7FF;
	v20 =	vadd.s32 $0xFFFF3800, v21;
	v14 =	vld.idx.msk [tilespmem:v14+s5+$0x0], $0xffff  }
0x15b: {  	v20 =	vsel vm11, v20, v21;
	vm12 =	vgt.s32 v23, $0xC7FF;
	v21 =	vadd.s32 $0xFFFF3800, v23;
	v13 =	vld.idx.msk [tilespmem:v13+s5+$0x0], $0xffff  }
0x15c: {  	v24 =	vsel vm10, $0x10, v0;
	v25 =	vsel vm11, $0x10, v0;
	v15 =	vld.idx.msk [tilespmem:v15+s5+$0x0], $0xffff;
	v21 =	vsel vm12, v21, v23  }
0x15d: {  	v26 =	vsel vm8, $0x10, v0;
	v27 =	vsel vm9, $0x10, v0;
	v23 =	vsel vm7, $0x10, v0;
	v17 =	vld.idx.msk [tilespmem:v17+s5+$0x0], $0xffff  }
0x15e: {  	v29 =	vsel vm3, $0x10, v0;
	vm3 =	vgt.s32 v8, $0xC7FF;
	v28 =	vsel vm12, $0x10, v0;
	v12 =	vld.idx.msk [tilespmem:v12+s5+$0x0], $0xffff  }
0x15f: {  	v31 =	vsel vm4, $0x10, v0;
	v32 =	vsel vm5, $0x10, v0;
	v30 =	vsel vm6, $0x10, v0;
	v18 =	vld.idx.msk [tilespmem:v18+s5+$0x0], $0xffff  }
0x160: {  	v10 =	vshra.s32 v10, v29;
	v11 =	vshra.s32 v11, v31;
	v14 =	vshra.s32 v14, v32;
	v20 =	vld.idx.msk [tilespmem:v20+s5+$0x0], $0xffff  }
0x161: {  	v11 =	vshll.u32 v11, $0x10;
	v13 =	vshra.s32 v13, v30;
	v14 =	vshll.u32 v14, $0x10;
	v21 =	vld.idx.msk [tilespmem:v21+s5+$0x0], $0xffff  }
0x162: {  	v10 =	vshll.u32 v10, $0x10;
	v13 =	vshll.u32 v13, $0x10;
	v11 =	vmul.f32 v14, v11;
	v29 =	vld [tilespmem:s22+$0xE0]  }
0x163: {  	v14 =	vshra.s32 v15, v23;
	v15 =	vshra.s32 v17, v26;
	v10 =	vmul.f32 v13, v10;
	v4 =	vld.idx.msk [tilespmem:v4+s5+$0x0], $0xffff  }
0x164: {  	v13 =	vshll.u32 v14, $0x10;
	v14 =	vshll.u32 v15, $0x10;
	v12 =	vshra.s32 v12, v27;
	[tilespmem:s24+$0xF0] =	vst v11  }
0x165: {  	v11 =	vshra.s32 v18, v24;
	v13 =	vmul.f32 v14, v13;
	v12 =	vshll.u32 v12, $0x10;
	[tilespmem:s23+$0x90] =	vst v10  }
0x166: {  	v15 =	vadd.s32 $0xFFFF3800, v8;
	v10 =	vshll.u32 v11, $0x10;
	v11 =	vshra.s32 v20, v25;
	v14 =	vld [tilespmem:s28+$0x120]  }
0x167: {  	vm5 =	vgt.s32 v22, $0xC7FF;
	v11 =	vshll.u32 v11, $0x10;
	[tilespmem:s23+$0xFFFFFF90] =	vst v13;
	v13 =	vshra.s32 v21, v28;
	v17 =	vld [tilespmem:s28+$0x1A0]  }
0x168: {  	v18 =	vadd.s32 $0xFFFF3800, v22;
	v10 =	vmul.f32 v11, v10;
	v11 =	vld [tilespmem:s28+$0xFFFFFF20];
	v13 =	vshll.u32 v13, $0x10  }
0x169: {  	vm4 =	vgt.s32 v29, $0xC7FF;
	v20 =	vld [tilespmem:s28+$0xFFFFFFA0];
	v12 =	vmul.f32 v13, v12;
	v13 =	vadd.s32 $0xFFFF3800, v29  }
0x16a: {  	v5 =	vsel vm0, v9, v5;
	v6 =	vsel vm1, v16, v6;
	v7 =	vsel vm2, v19, v7;
	[tilespmem:s23+$0xFFFFFF10] =	vst v10  }
0x16b: {  	v8 =	vsel vm3, v15, v8;
	v9 =	vld [tilespmem:s28+$0xFFFFFE20];
	[tilespmem:s23+$0x10] =	vst v12;
	vm6 =	vgt.s32 v14, $0xC7FF;
	v10 =	vadd.s32 $0xFFFF3800, v14  }
0x16c: {  	v12 =	vld [tilespmem:s28+$0xFFFFFEA0];
	v10 =	vsel vm6, v10, v14;
	vm7 =	vgt.s32 v17, $0xC7FF;
	v14 =	vadd.s32 $0xFFFF3800, v17  }
0x16d: {  	vm8 =	vgt.s32 v11, $0xC7FF;
	v15 =	vadd.s32 $0xFFFF3800, v11;
	v16 =	vld [tilespmem:s28+$0x20];
	v14 =	vsel vm7, v14, v17  }
0x16e: {  	v11 =	vsel vm8, v15, v11;
	vm9 =	vgt.s32 v20, $0xC7FF;
	v15 =	vadd.s32 $0xFFFF3800, v20;
	v17 =	vld [tilespmem:s28+$0xA0]  }
0x16f: {  	v19 =	vsel vm8, $0x10, v0;
	v15 =	vsel vm9, v15, v20;
	v20 =	vsel vm9, $0x10, v0;
	v5 =	vld.idx.msk [tilespmem:v5+s5+$0x0], $0xffff  }
0x170: {  	v18 =	vsel vm5, v18, v22;
	vm8 =	vgt.s32 v9, $0xC7FF;
	v21 =	vadd.s32 $0xFFFF3800, v9;
	v6 =	vld.idx.msk [tilespmem:v6+s5+$0x0], $0xffff  }
0x171: {  	v9 =	vsel vm8, v21, v9;
	vm9 =	vgt.s32 v12, $0xC7FF;
	v21 =	vadd.s32 $0xFFFF3800, v12;
	v10 =	vld.idx.msk [tilespmem:v10+s5+$0x0], $0xffff  }
0x172: {  	v12 =	vsel vm9, v21, v12;
	vm10 =	vgt.s32 v16, $0xC7FF;
	v21 =	vadd.s32 $0xFFFF3800, v16;
	v14 =	vld.idx.msk [tilespmem:v14+s5+$0x0], $0xffff  }
0x173: {  	v11 =	vld.idx.msk [tilespmem:v11+s5+$0x0], $0xffff;
	v16 =	vsel vm10, v21, v16;
	vm11 =	vgt.s32 v17, $0xC7FF;
	v21 =	vadd.s32 $0xFFFF3800, v17  }
0x174: {  	v22 =	vsel vm8, $0x10, v0;
	v23 =	vsel vm9, $0x10, v0;
	v15 =	vld.idx.msk [tilespmem:v15+s5+$0x0], $0xffff;
	v17 =	vsel vm11, v21, v17  }
0x175: {  	v13 =	vsel vm4, v13, v29;
	v21 =	vsel vm10, $0x10, v0;
	v24 =	vsel vm11, $0x10, v0;
	v7 =	vld.idx.msk [tilespmem:v7+s5+$0x0], $0xffff  }
0x176: {  	v26 =	vsel vm1, $0x10, v0;
	v27 =	vsel vm2, $0x10, v0;
	v25 =	vsel vm0, $0x10, v0;
	v9 =	vld.idx.msk [tilespmem:v9+s5+$0x0], $0xffff  }
0x177: {  	v30 =	vsel vm3, $0x10, v0;
	v28 =	vsel vm6, $0x10, v0;
	v29 =	vsel vm7, $0x10, v0;
	v12 =	vld.idx.msk [tilespmem:v12+s5+$0x0], $0xffff  }
0x178: {  	v10 =	vshra.s32 v10, v28;
	v28 =	vsel vm5, $0x10, v0;
	v14 =	vshra.s32 v14, v29;
	v16 =	vld.idx.msk [tilespmem:v16+s5+$0x0], $0xffff  }
0x179: {  	v10 =	vshll.u32 v10, $0x10;
	v11 =	vshra.s32 v11, v19;
	v14 =	vshll.u32 v14, $0x10;
	v17 =	vld.idx.msk [tilespmem:v17+s5+$0x0], $0xffff  }
0x17a: {  	v11 =	vshll.u32 v11, $0x10;
	v15 =	vshra.s32 v15, v20;
	v10 =	vmul.f32 v14, v10;
	v8 =	vld.idx.msk [tilespmem:v8+s5+$0x0], $0xffff  }
0x17b: {  	v5 =	vshra.s32 v5, v25;
	v14 =	vshll.u32 v15, $0x10;
	v15 =	vld.idx.msk [tilespmem:v18+s5+$0x0], $0xffff;
	v18 =	vsel vm4, $0x10, v0  }
0x17c: {  	v5 =	vshll.u32 v5, $0x10;
	v9 =	vshra.s32 v9, v22;
	v11 =	vmul.f32 v14, v11;
	[tilespmem:s23+$0xA0] =	vst v10;
	v10 =	vld.idx.msk [tilespmem:v13+s5+$0x0], $0xffff  }
0x17d: {  	v6 =	vshra.s32 v6, v26;
	v9 =	vshll.u32 v9, $0x10;
	v12 =	vshra.s32 v12, v23;
	v13 =	vld [tilespmem:s28+$0x130]  }
0x17e: {  	v7 =	vshra.s32 v7, v27;
	v12 =	vshll.u32 v12, $0x10;
	[tilespmem:s23+$0xFFFFFFA0] =	vst v11;
	v11 =	vshra.s32 v16, v21;
	v14 =	vld [tilespmem:s28+$0x1B0]  }
0x17f: {  	v9 =	vmul.f32 v12, v9;
	v16 =	vshra.s32 v17, v24;
	v12 =	vld [tilespmem:s28+$0xFFFFFF30];
	v11 =	vshll.u32 v11, $0x10  }
0x180: {  	v6 =	vshll.u32 v6, $0x10;
	v16 =	vshll.u32 v16, $0x10;
	v8 =	vshra.s32 v8, v30;
	v17 =	vld [tilespmem:s28+$0xFFFFFFB0]  }
0x181: {  	v7 =	vshll.u32 v7, $0x10;
	[tilespmem:s23+$0xFFFFFF20] =	vst v9;
	v9 =	vmul.f32 v16, v11;
	v11 =	vshra.s32 v15, v28  }
0x182: {  	v10 =	vshra.s32 v10, v18;
	v15 =	vld [tilespmem:s28+$0xFFFFFE30];
	vm0 =	vgt.s32 v13, $0xC7FF;
	v16 =	vadd.s32 $0xFFFF3800, v13  }
0x183: {  	v18 =	vld [tilespmem:s28+$0xFFFFFEB0];
	[tilespmem:s23+$0x20] =	vst v9;
	v9 =	vsel vm0, v16, v13;
	vm1 =	vgt.s32 v14, $0xC7FF;
	v13 =	vadd.s32 $0xFFFF3800, v14  }
0x184: {  	vm2 =	vgt.s32 v12, $0xC7FF;
	v16 =	vadd.s32 $0xFFFF3800, v12;
	v19 =	vld [tilespmem:s28+$0x30];
	v13 =	vsel vm1, v13, v14  }
0x185: {  	v12 =	vsel vm2, v16, v12;
	vm3 =	vgt.s32 v17, $0xC7FF;
	v14 =	vadd.s32 $0xFFFF3800, v17;
	v16 =	vld [tilespmem:s28+$0xB0]  }
0x186: {  	v20 =	vsel vm2, $0x10, v0;
	v14 =	vsel vm3, v14, v17;
	v17 =	vsel vm3, $0x10, v0  }
0x187: {  	v8 =	vshll.u32 v8, $0x10;
	vm2 =	vgt.s32 v15, $0xC7FF;
	v21 =	vadd.s32 $0xFFFF3800, v15  }
0x188: {  	v15 =	vsel vm2, v21, v15;
	vm3 =	vgt.s32 v18, $0xC7FF;
	v21 =	vadd.s32 $0xFFFF3800, v18;
	v9 =	vld.idx.msk [tilespmem:v9+s5+$0x0], $0xffff  }
0x189: {  	v18 =	vsel vm3, v21, v18;
	vm4 =	vgt.s32 v19, $0xC7FF;
	v21 =	vadd.s32 $0xFFFF3800, v19;
	v13 =	vld.idx.msk [tilespmem:v13+s5+$0x0], $0xffff  }
0x18a: {  	v12 =	vld.idx.msk [tilespmem:v12+s5+$0x0], $0xffff;
	v19 =	vsel vm4, v21, v19;
	vm5 =	vgt.s32 v16, $0xC7FF;
	v21 =	vadd.s32 $0xFFFF3800, v16  }
0x18b: {  	v22 =	vsel vm2, $0x10, v0;
	v23 =	vsel vm3, $0x10, v0;
	v14 =	vld.idx.msk [tilespmem:v14+s5+$0x0], $0xffff;
	v16 =	vsel vm5, v21, v16  }
0x18c: {  	v11 =	vshll.u32 v11, $0x10;
	v21 =	vsel vm4, $0x10, v0;
	v24 =	vsel vm5, $0x10, v0  }
0x18d: {  	v5 =	vmul.f32 v6, v5;
	v6 =	vmul.f32 v8, v7;
	v7 =	vshll.u32 v10, $0x10;
	v15 =	vld.idx.msk [tilespmem:v15+s5+$0x0], $0xffff  }
0x18e: {  	v10 =	vsel vm0, $0x10, v0;
	v7 =	vmul.f32 v7, v11;
	v8 =	vld.idx.msk [tilespmem:v18+s5+$0x0], $0xffff;
	v18 =	vsel vm1, $0x10, v0  }
0x18f: {  	v9 =	vshra.s32 v9, v10;
	v11 =	vld.idx.msk [tilespmem:v19+s5+$0x0], $0xffff;
	v10 =	vshra.s32 v13, v18;
	[tilespmem:s24+$0xFFFFFF60] =	vst v5  }
0x190: {  	v9 =	vshll.u32 v9, $0x10;
	v5 =	vshra.s32 v12, v20;
	v12 =	vld.idx.msk [tilespmem:v16+s5+$0x0], $0xffff;
	v10 =	vshll.u32 v10, $0x10;
	[tilespmem:s24+$0xFFFFFFE0] =	vst v6  }
0x191: {  	v5 =	vshll.u32 v5, $0x10;
	v6 =	vshra.s32 v14, v17;
	v9 =	vmul.f32 v10, v9;
	v10 =	vld [tilespmem:s22+$0xFFFFFE70];
	[tilespmem:s24+$0x60] =	vst v7  }
0x192: {  	v1 =	vshra.s32 v3, v1;
	v2 =	vshra.s32 v4, v2;
	v6 =	vshll.u32 v6, $0x10;
	v7 =	vld [tilespmem:s22+$0xFFFFFEF0]  }
0x193: {  	v1 =	vshll.u32 v1, $0x10;
	v3 =	vshra.s32 v15, v22;
	v4 =	vmul.f32 v6, v5;
	[tilespmem:s23+$0xB0] =	vst v9;
	v5 =	vld [tilespmem:s22+$0xFFFFFF70]  }
0x194: {  	v2 =	vshll.u32 v2, $0x10;
	v3 =	vshll.u32 v3, $0x10;
	v6 =	vshra.s32 v8, v23;
	v8 =	vld [tilespmem:s28+$0x140]  }
0x195: {  	v1 =	vmul.f32 v2, v1;
	v6 =	vshll.u32 v6, $0x10;
	[tilespmem:s23+$0xFFFFFFB0] =	vst v4;
	v4 =	vshra.s32 v11, v21;
	v9 =	vld [tilespmem:s28+$0x1C0]  }
0x196: {  	v2 =	vmul.f32 v6, v3;
	v6 =	vshra.s32 v12, v24;
	v3 =	vld [tilespmem:s28+$0xFFFFFF40];
	v4 =	vshll.u32 v4, $0x10  }
0x197: {  	v6 =	vshll.u32 v6, $0x10;
	vm0 =	vgt.s32 v10, $0xC7FF;
	v12 =	vadd.s32 $0xFFFF3800, v10;
	v11 =	vld [tilespmem:s28+$0xFFFFFFC0];
	[tilespmem:s21+$0x70] =	vst v1;
	s21 =	smov.u32 s24;
	s24 =	smov.u32 s23  }
0x198: {  	v1 =	vmul.f32 v6, v4;
	vm1 =	vgt.s32 v7, $0xC7FF;
	[tilespmem:s23+$0xFFFFFF30] =	vst v2;
	v2 =	vadd.s32 $0xFFFF3800, v7;
	v4 =	vld [tilespmem:s22+$0xFFFFFFF0]  }
0x199: {  	vm2 =	vgt.s32 v5, $0xC7FF;
	v6 =	vld [tilespmem:s28+$0xFFFFFE40];
	vm3 =	vgt.s32 v8, $0xC7FF;
	v13 =	vadd.s32 $0xFFFF3800, v8  }
0x19a: {  	v14 =	vld [tilespmem:s28+$0xFFFFFEC0];
	[tilespmem:s23+$0x30] =	vst v1;
	v1 =	vsel vm3, v13, v8;
	vm6 =	vgt.s32 v9, $0xC7FF;
	v8 =	vadd.s32 $0xFFFF3800, v9  }
0x19b: {  	vm4 =	vgt.s32 v3, $0xC7FF;
	v13 =	vadd.s32 $0xFFFF3800, v3;
	v15 =	vld [tilespmem:s28+$0x40];
	v8 =	vsel vm6, v8, v9  }
0x19c: {  	v3 =	vsel vm4, v13, v3;
	vm5 =	vgt.s32 v11, $0xC7FF;
	v9 =	vadd.s32 $0xFFFF3800, v11;
	v13 =	vld [tilespmem:s28+$0xC0]  }
0x19d: {  	v16 =	vsel vm4, $0x10, v0;
	v9 =	vsel vm5, v9, v11;
	v11 =	vsel vm5, $0x10, v0;
	v17 =	vld [tilespmem:s22+$0x70]  }
0x19e: {  	v19 =	vadd.s32 $0xFFFF3800, v5;
	vm4 =	vgt.s32 v6, $0xC7FF;
	v18 =	vadd.s32 $0xFFFF3800, v6;
	v20 =	vld [tilespmem:s22+$0xF0];
	s22 =	smov.u32 s28  }
0x19f: {  	v6 =	vsel vm4, v18, v6;
	vm5 =	vgt.s32 v14, $0xC7FF;
	v18 =	vadd.s32 $0xFFFF3800, v14;
	v1 =	vld.idx.msk [tilespmem:v1+s5+$0x0], $0xffff  }
0x1a0: {  	v14 =	vsel vm5, v18, v14;
	vm7 =	vgt.s32 v15, $0xC7FF;
	v18 =	vadd.s32 $0xFFFF3800, v15;
	v8 =	vld.idx.msk [tilespmem:v8+s5+$0x0], $0xffff  }
0x1a1: {  	v3 =	vld.idx.msk [tilespmem:v3+s5+$0x0], $0xffff;
	v15 =	vsel vm7, v18, v15;
	vm8 =	vgt.s32 v13, $0xC7FF;
	v18 =	vadd.s32 $0xFFFF3800, v13  }
0x1a2: {  	v21 =	vsel vm4, $0x10, v0;
	v22 =	vsel vm5, $0x10, v0;
	v9 =	vld.idx.msk [tilespmem:v9+s5+$0x0], $0xffff;
	v13 =	vsel vm8, v18, v13  }
0x1a3: {  	vm5 =	vgt.s32 v4, $0xC7FF;
	v18 =	vsel vm7, $0x10, v0;
	v23 =	vsel vm8, $0x10, v0  }
0x1a4: {  	v24 =	vadd.s32 $0xFFFF3800, v4;
	vm4 =	vgt.s32 v17, $0xC7FF;
	v25 =	vadd.s32 $0xFFFF3800, v17;
	v6 =	vld.idx.msk [tilespmem:v6+s5+$0x0], $0xffff  }
0x1a5: {  	v26 =	vsel vm3, $0x10, v0;
	v27 =	vsel vm6, $0x10, v0;
	vm3 =	vgt.s32 v20, $0xC7FF;
	v14 =	vld.idx.msk [tilespmem:v14+s5+$0x0], $0xffff  }
0x1a6: {  	v1 =	vshra.s32 v1, v26;
	v26 =	vadd.s32 $0xFFFF3800, v20;
	v8 =	vshra.s32 v8, v27;
	v15 =	vld.idx.msk [tilespmem:v15+s5+$0x0], $0xffff  }
0x1a7: {  	v1 =	vshll.u32 v1, $0x10;
	v3 =	vshra.s32 v3, v16;
	v8 =	vshll.u32 v8, $0x10;
	v13 =	vld.idx.msk [tilespmem:v13+s5+$0x0], $0xffff  }
0x1a8: {  	v3 =	vshll.u32 v3, $0x10;
	v9 =	vshra.s32 v9, v11;
	v1 =	vmul.f32 v8, v1  }
0x1a9: {  	v2 =	vsel vm1, v2, v7;
	v8 =	vshll.u32 v9, $0x10;
	v9 =	vsel vm0, v12, v10  }
0x1aa: {  	v6 =	vshra.s32 v6, v21;
	v3 =	vmul.f32 v8, v3;
	[tilespmem:s23+$0xC0] =	vst v1;
	v1 =	vsel vm2, v19, v5  }
0x1ab: {  	v8 =	vsel vm5, v24, v4;
	v5 =	vshll.u32 v6, $0x10;
	v6 =	vshra.s32 v14, v22;
	v7 =	vld [tilespmem:s28+$0x150]  }
0x1ac: {  	v21 =	vsel vm4, v25, v17;
	v4 =	vshll.u32 v6, $0x10;
	[tilespmem:s23+$0xFFFFFFC0] =	vst v3;
	v3 =	vshra.s32 v15, v18;
	v6 =	vld [tilespmem:s28+$0x1D0]  }
0x1ad: {  	v5 =	vmul.f32 v4, v5;
	v4 =	vshra.s32 v13, v23;
	v10 =	vld [tilespmem:s28+$0xFFFFFF50];
	v3 =	vshll.u32 v3, $0x10  }
0x1ae: {  	v14 =	vsel vm0, $0x10, v0;
	v12 =	vshll.u32 v4, $0x10;
	v4 =	vsel vm3, v26, v20;
	v11 =	vld [tilespmem:s28+$0xFFFFFFD0]  }
0x1af: {  	v16 =	vsel vm1, $0x10, v0;
	v17 =	vsel vm2, $0x10, v0;
	v3 =	vmul.f32 v12, v3;
	[tilespmem:s23+$0xFFFFFF40] =	vst v5;
	v9 =	vld.idx.msk [tilespmem:v9+s5+$0x0], $0xffff  }
0x1b0: {  	v5 =	vsel vm5, $0x10, v0;
	v12 =	vld [tilespmem:s28+$0xFFFFFE50];
	vm0 =	vgt.s32 v7, $0xC7FF;
	v13 =	vadd.s32 $0xFFFF3800, v7  }
0x1b1: {  	v15 =	vld [tilespmem:s28+$0xFFFFFED0];
	[tilespmem:s23+$0x40] =	vst v3;
	v3 =	vsel vm0, v13, v7;
	vm1 =	vgt.s32 v6, $0xC7FF;
	v7 =	vadd.s32 $0xFFFF3800, v6  }
0x1b2: {  	vm2 =	vgt.s32 v10, $0xC7FF;
	v13 =	vadd.s32 $0xFFFF3800, v10;
	v18 =	vld [tilespmem:s28+$0x50];
	v6 =	vsel vm1, v7, v6  }
0x1b3: {  	v7 =	vsel vm2, v13, v10;
	vm5 =	vgt.s32 v11, $0xC7FF;
	v10 =	vadd.s32 $0xFFFF3800, v11;
	v19 =	vld [tilespmem:s28+$0xD0]  }
0x1b4: {  	v20 =	vsel vm2, $0x10, v0;
	v10 =	vsel vm5, v10, v11;
	v22 =	vsel vm5, $0x10, v0;
	v23 =	vld.idx.msk [tilespmem:v2+s5+$0x0], $0xffff  }
0x1b5: {  	vm2 =	vgt.s32 v12, $0xC7FF;
	v2 =	vadd.s32 $0xFFFF3800, v12;
	v24 =	vld.idx.msk [tilespmem:v1+s5+$0x0], $0xffff;
	v1 =	vsel vm4, $0x10, v0  }
0x1b6: {  	v25 =	vsel vm2, v2, v12;
	vm4 =	vgt.s32 v15, $0xC7FF;
	v2 =	vadd.s32 $0xFFFF3800, v15;
	v3 =	vld.idx.msk [tilespmem:v3+s5+$0x0], $0xffff  }
0x1b7: {  	v26 =	vsel vm4, v2, v15;
	vm5 =	vgt.s32 v18, $0xC7FF;
	v2 =	vadd.s32 $0xFFFF3800, v18;
	v27 =	vld.idx.msk [tilespmem:v6+s5+$0x0], $0xffff  }
0x1b8: {  	v28 =	vld.idx.msk [tilespmem:v7+s5+$0x0], $0xffff;
	v18 =	vsel vm5, v2, v18;
	vm6 =	vgt.s32 v19, $0xC7FF;
	v2 =	vadd.s32 $0xFFFF3800, v19  }
0x1b9: {  	v13 =	vsel vm2, $0x10, v0;
	v12 =	vsel vm4, $0x10, v0;
	v29 =	vld.idx.msk [tilespmem:v10+s5+$0x0], $0xffff;
	v19 =	vsel vm6, v2, v19  }
0x1ba: {  	v11 =	vsel vm5, $0x10, v0;
	v10 =	vsel vm6, $0x10, v0;
	v2 =	vsel vm3, $0x10, v0;
	v6 =	vld.idx.msk [tilespmem:v8+s5+$0x0], $0xffff  }
.Ltmp4:
0x1bb: {  	v8 =	vshra.s32 v9, v14;
	v9 =	vshra.s32 v23, v16;
	v7 =	vshra.s32 v24, v17;
	v15 =	vld.idx.msk [tilespmem:v25+s5+$0x0], $0xffff;
	(pc) =	sbr.rel @p2 .LBB2_3-.Ltmp4, $4  }
0x1bc: {  	v16 =	vsel vm0, $0x10, v0;
	v23 =	vsel vm1, $0x10, v0;
	v8 =	vshll.u32 v8, $0x10;
	v17 =	vld.idx.msk [tilespmem:v26+s5+$0x0], $0xffff  }
0x1bd: {  	v3 =	vshra.s32 v3, v16;
	v9 =	vshll.u32 v9, $0x10;
	v14 =	vld.idx.msk [tilespmem:v18+s5+$0x0], $0xffff;
	v18 =	vshra.s32 v27, v23  }
0x1be: {  	v3 =	vshll.u32 v3, $0x10;
	v20 =	vshra.s32 v28, v20;
	v16 =	vld.idx.msk [tilespmem:v19+s5+$0x0], $0xffff;
	v23 =	vshll.u32 v18, $0x10  }
0x1bf: {  	s28 =	sadd.s32 $0x400, s28;
	v18 =	vshll.u32 v20, $0x10;
	v19 =	vshra.s32 v29, v22;
	v20 =	vmul.f32 v23, v3;
	v3 =	vld.idx.msk [tilespmem:v21+s5+$0x0], $0xffff  }
0x1c0: {  	_ = 	snop  }
0x1c1: {  	v13 =	vshra.s32 v15, v13;
	v12 =	vshra.s32 v17, v12  }
0x1c2: {  	v13 =	vshll.u32 v13, $0x10;
	v12 =	vshll.u32 v12, $0x10  }
0x1c3: {  	[tilespmem:s23+$0xD0] =	vst v20;
	v12 =	vmul.f32 v12, v13  }
0x1c4: {  	v43 =	vshll.u32 v19, $0x10;
	v41 =	vld [tilespmem:s22+$0x160]  }
0x1c5: {  	v42 =	vld [tilespmem:s22+$0x1E0];
	v11 =	vshra.s32 v14, v11;
	v13 =	vmul.f32 v43, v18;
	v10 =	vshra.s32 v16, v10;
	[tilespmem:s23+$0xFFFFFF50] =	vst v12  }
0x1c6: {  	v11 =	vshll.u32 v11, $0x10;
	v10 =	vshll.u32 v10, $0x10;
	v12 =	vld [tilespmem:s22+$0xFFFFFE60]  }
0x1c7: {  	[tilespmem:s23+$0xFFFFFFD0] =	vst v13;
	v10 =	vmul.f32 v10, v11;
	v45 =	vld [tilespmem:s22+$0xFFFFFEE0]  }
0x1c8: {  	v47 =	vld [tilespmem:s22+$0xFFFFFF60]  }
0x1c9: {  	v48 =	vld [tilespmem:s22+$0xFFFFFFE0];
	vm0 =	vgt.s32 v41, $0xC7FF;
	v44 =	vadd.s32 $0xFFFF3800, v41;
	[tilespmem:s23+$0x50] =	vst v10  }
0x1ca: {  	vm2 =	vgt.s32 v42, $0xC7FF;
	v46 =	vadd.s32 $0xFFFF3800, v42;
	v13 =	vsel vm0, v44, v41;
	v49 =	vld [tilespmem:s22+$0x60]  }
0x1cb: {  	v14 =	vsel vm2, v46, v42;
	v51 =	vld [tilespmem:s22+$0xE0];
	vm1 =	vgt.s32 v12, $0xC7FF;
	v50 =	vadd.s32 $0xFFFF3800, v12  }
0x1cc: {  	vm3 =	vgt.s32 v45, $0xC7FF;
	v52 =	vadd.s32 $0xFFFF3800, v45;
	v12 =	vsel vm1, v50, v12  }
0x1cd: {  	vm4 =	vgt.s32 v47, $0xC7FF;
	v53 =	vadd.s32 $0xFFFF3800, v47;
	v11 =	vsel vm3, v52, v45  }
0x1ce: {  	vm5 =	vgt.s32 v48, $0xC7FF;
	v54 =	vadd.s32 $0xFFFF3800, v48;
	v15 =	vsel vm4, v53, v47  }
0x1cf: {  	v10 =	vsel vm5, v54, v48;
	v13 =	vld.idx.msk [tilespmem:v13+s5+$0x0], $0xffff;
	vm6 =	vgt.s32 v49, $0xC7FF;
	v55 =	vadd.s32 $0xFFFF3800, v49  }
0x1d0: {  	v14 =	vld.idx.msk [tilespmem:v14+s5+$0x0], $0xffff;
	vm7 =	vgt.s32 v51, $0xC7FF;
	v56 =	vadd.s32 $0xFFFF3800, v51;
	v16 =	vsel vm6, v55, v49  }
0x1d1: {  	v17 =	vsel vm7, v56, v51;
	v12 =	vld.idx.msk [tilespmem:v12+s5+$0x0], $0xffff  }
0x1d2: {  	v11 =	vld.idx.msk [tilespmem:v11+s5+$0x0], $0xffff  }
0x1d3: {  	v57 =	vsel vm0, $0x10, v0;
	v15 =	vld.idx.msk [tilespmem:v15+s5+$0x0], $0xffff  }
0x1d4: {  	v58 =	vsel vm2, $0x10, v0;
	v60 =	vsel vm1, $0x10, v0;
	v61 =	vsel vm3, $0x10, v0;
	v10 =	vld.idx.msk [tilespmem:v10+s5+$0x0], $0xffff  }
0x1d5: {  	v62 =	vsel vm4, $0x10, v0;
	v13 =	vshra.s32 v13, v57;
	v14 =	vshra.s32 v14, v58;
	v59 =	vld.idx.msk [tilespmem:v16+s5+$0x0], $0xffff  }
0x1d6: {  	v63 =	vsel vm5, $0x10, v0;
	v13 =	vshll.u32 v13, $0x10;
	v14 =	vshll.u32 v14, $0x10;
	v17 =	vld.idx.msk [tilespmem:v17+s5+$0x0], $0xffff  }
0x1d7: {  	v13 =	vmul.f32 v14, v13;
	v12 =	vshra.s32 v12, v60;
	v11 =	vshra.s32 v11, v61  }
0x1d8: {  	v25 =	vsel vm6, $0x10, v0;
	v12 =	vshll.u32 v12, $0x10;
	v11 =	vshll.u32 v11, $0x10  }
0x1d9: {  	[tilespmem:s24+$0xE0] =	vst v13;
	v15 =	vshra.s32 v15, v62;
	v10 =	vshra.s32 v10, v63;
	v11 =	vmul.f32 v11, v12  }
0x1da: {  	v26 =	vsel vm7, $0x10, v0;
	v24 =	vld [tilespmem:s22+$0x170];
	v27 =	vshll.u32 v15, $0x10;
	v10 =	vshll.u32 v10, $0x10  }
0x1db: {  	v20 =	vld [tilespmem:s22+$0x1F0];
	v14 =	vshra.s32 v59, v25;
	v12 =	vshra.s32 v17, v26;
	v10 =	vmul.f32 v10, v27;
	[tilespmem:s24+$0xFFFFFF60] =	vst v11  }
0x1dc: {  	v28 =	vshll.u32 v14, $0x10;
	v12 =	vshll.u32 v12, $0x10;
	v29 =	vld [tilespmem:s22+$0xFFFFFE70]  }
0x1dd: {  	v11 =	vmul.f32 v12, v28;
	[tilespmem:s24+$0xFFFFFFE0] =	vst v10;
	v31 =	vld [tilespmem:s22+$0xFFFFFEF0]  }
0x1de: {  	v5 =	vshra.s32 v6, v5;
	v7 =	vshll.u32 v7, $0x10;
	v34 =	vld [tilespmem:s22+$0xFFFFFF70]  }
0x1df: {  	v5 =	vshll.u32 v5, $0x10;
	v35 =	vld [tilespmem:s22+$0xFFFFFFF0];
	vm8 =	vgt.s32 v24, $0xC7FF;
	v30 =	vadd.s32 $0xFFFF3800, v24;
	[tilespmem:s24+$0x60] =	vst v11  }
0x1e0: {  	vm9 =	vgt.s32 v20, $0xC7FF;
	v33 =	vadd.s32 $0xFFFF3800, v20;
	v32 =	vsel vm8, v30, v24;
	v37 =	vld [tilespmem:s22+$0x70]  }
0x1e1: {  	v14 =	vsel vm9, v33, v20;
	v40 =	vld [tilespmem:s22+$0xF0];
	vm10 =	vgt.s32 v29, $0xC7FF;
	v39 =	vadd.s32 $0xFFFF3800, v29  }
0x1e2: {  	v4 =	vld.idx.msk [tilespmem:v4+s5+$0x0], $0xffff;
	vm11 =	vgt.s32 v31, $0xC7FF;
	v41 =	vadd.s32 $0xFFFF3800, v31;
	v13 =	vsel vm10, v39, v29  }
0x1e3: {  	vm12 =	vgt.s32 v34, $0xC7FF;
	v42 =	vadd.s32 $0xFFFF3800, v34;
	v10 =	vsel vm11, v41, v31  }
0x1e4: {  	vm13 =	vgt.s32 v35, $0xC7FF;
	v43 =	vadd.s32 $0xFFFF3800, v35;
	v15 =	vsel vm12, v42, v34  }
0x1e5: {  	v11 =	vsel vm13, v43, v35;
	v12 =	vld.idx.msk [tilespmem:v32+s5+$0x0], $0xffff;
	vm14 =	vgt.s32 v37, $0xC7FF;
	v44 =	vadd.s32 $0xFFFF3800, v37  }
0x1e6: {  	v14 =	vld.idx.msk [tilespmem:v14+s5+$0x0], $0xffff;
	vm15 =	vgt.s32 v40, $0xC7FF;
	v45 =	vadd.s32 $0xFFFF3800, v40;
	v17 =	vsel vm14, v44, v37  }
0x1e7: {  	v1 =	vshra.s32 v3, v1;
	v2 =	vshra.s32 v4, v2;
	v47 =	vsel vm15, v45, v40;
	v48 =	vld.idx.msk [tilespmem:v13+s5+$0x0], $0xffff  }
0x1e8: {  	v5 =	vmul.f32 v5, v7;
	v1 =	vshll.u32 v1, $0x10;
	v2 =	vshll.u32 v2, $0x10;
	v10 =	vld.idx.msk [tilespmem:v10+s5+$0x0], $0xffff  }
0x1e9: {  	v1 =	vmul.f32 v2, v1;
	v46 =	vmul.f32 v9, v8;
	v50 =	vld.idx.msk [tilespmem:v15+s5+$0x0], $0xffff  }
0x1ea: {  	v36 =	vsel vm8, $0x10, v0;
	v38 =	vsel vm9, $0x10, v0;
	v2 =	vsel vm10, $0x10, v0;
	v3 =	vld.idx.msk [tilespmem:v11+s5+$0x0], $0xffff  }
0x1eb: {  	v53 =	vsel vm11, $0x10, v0;
	v54 =	vsel vm12, $0x10, v0;
	v55 =	vsel vm13, $0x10, v0;
	v52 =	vld.idx.msk [tilespmem:v17+s5+$0x0], $0xffff  }
0x1ec: {  	v56 =	vsel vm14, $0x10, v0;
	v12 =	vshra.s32 v12, v36;
	v49 =	vshra.s32 v14, v38;
	v8 =	vld.idx.msk [tilespmem:v47+s5+$0x0], $0xffff  }
0x1ed: {  	v57 =	vsel vm15, $0x10, v0;
	v12 =	vshll.u32 v12, $0x10;
	v7 =	vshll.u32 v49, $0x10  }
0x1ee: {  	v51 =	vmul.f32 v7, v12;
	v2 =	vshra.s32 v48, v2;
	v58 =	vshra.s32 v10, v53  }
0x1ef: {  	[tilespmem:s21+$0xFFFFFFF0] =	vst v5;
	v59 =	vshra.s32 v50, v54;
	v3 =	vshra.s32 v3, v55;
	v2 =	vshll.u32 v2, $0x10  }
0x1f0: {  	[tilespmem:s21+$0x70] =	vst v1;
	v60 =	vshll.u32 v58, $0x10;
	v6 =	vshll.u32 v59, $0x10;
	v3 =	vshll.u32 v3, $0x10  }
0x1f1: {  	s30 =	sshll.u32 s19, $0x6;
	s23 =	sadd.s32 $0x2, s25;
	[tilespmem:s21+$0xFFFFFF70] =	vst v46;
	v2 =	vmul.f32 v60, v2;
	v61 =	vshra.s32 v52, v56;
	v62 =	vshra.s32 v8, v57  }
0x1f2: {  	s31 =	sor.u32 s6, s30;
	p2 =	sge.u32 s23, s7;
	[tilespmem:s24+$0xF0] =	vst v51;
	v1 =	vmul.f32 v3, v6;
	v3 =	vshll.u32 v61, $0x10;
	v63 =	vshll.u32 v62, $0x10  }
0x1f3: {  	s21 =	smul.u32 $0x640, s31;
	s22 =	sshll.u32 @!p2 s23, $0x5;
	[tilespmem:s24+$0xFFFFFF70] =	vst v2;
	v2 =	vmul.f32 v63, v3  }
.Ltmp5:
0x1f4: {  	s22 =	sor.u32 @!p2 s6, s22;
	[tilespmem:s24+$0xFFFFFFF0] =	vst v1;
	(pc) =	sbr.rel @p0 .LBB2_8-.Ltmp5, $4  }
0x1f5: {  	s21 =	sadd.s32 s4, s21;
	s22 =	smul.u32 @!p2 $0xC80, s22;
	[tilespmem:s24+$0x70] =	vst v2  }
0x1f6: {  	[hbm4b:s21+s5] =	stream.linear.scatter [tilespmem:s13], [sflag:$0x3], $0x3200, $0x38;
	[tilespmem:$0x1F400] =	vst v63  }
0x1f7: {  	s23 =	simm.s32 @!p2 $0xC800;
	s21 =	sadd.s32 @!p2 s3, s22;
	s22 =	simm.s32 @!p2 $0x0  }
0x1f8: {  	[tilespmem:s23], [sflag:$0x1] =	stream.linear.gather @!p2 [hbm4b:s21+s22], $0x6400, $0x38;
	[tilespmem:$0x1F400] =	vst v63  }
0x1f9: {  	_ =	swait.ge [sflag:s14], $0x6400  }
0x1fa: {  	[sflag:s14] =	ssyncset.done $0x0  }
0x1fb: {  	s21 =	simm.s32 @!p1 $0x4;
	[sflag:s14] =	ssyncadd.s32 $0xFFFF9C00  }
0x1fc: {  	_ =	swait.ge @!p1 [sflag:s21], $0x3200  }
0x1fd: {  	[sflag:s21] =	ssyncset.done @!p1 $0x0  }
0x1fe: {  	s24 =	simm.s32 $0x12E00;
	[sflag:s21] =	ssyncadd.s32 @!p1 $0xFFFFCE00  }
0x1ff: {  	v1 =	vld [tilespmem:s24+$0x100]  }
0x200: {  	v2 =	vld [tilespmem:s24+$0x180];
	_ =	sdelay $0x1  }
0x201: {  	v3 =	vld [tilespmem:s24+$0xFFFFFF00]  }
0x202: {  	v4 =	vld [tilespmem:s24+$0xFFFFFF80]  }
0x203: {  	v5 =	vld [tilespmem:s24+$0xFFFFFE80];
	vm0 =	vgt.s32 v1, $0xC7FF;
	v6 =	vadd.s32 $0xFFFF3800, v1  }
0x204: {  	v7 =	vld [tilespmem:s24+$0xFFFFFE00];
	vm1 =	vgt.s32 v2, $0xC7FF;
	v1 =	vsel vm0, v6, v1;
	v6 =	vadd.s32 $0xFFFF3800, v2  }
0x205: {  	v8 =	vld [tilespmem:s24+$0x0];
	v2 =	vsel vm1, v6, v2  }
0x206: {  	vm2 =	vgt.s32 v3, $0xC7FF;
	v9 =	vadd.s32 $0xFFFF3800, v3;
	v6 =	vld [tilespmem:s24+$0x80]  }
0x207: {  	vm3 =	vgt.s32 v4, $0xC7FF;
	v3 =	vsel vm2, v9, v3;
	v9 =	vadd.s32 $0xFFFF3800, v4  }
0x208: {  	vm4 =	vgt.s32 v5, $0xC7FF;
	v10 =	vadd.s32 $0xFFFF3800, v5;
	v4 =	vsel vm3, v9, v4  }
0x209: {  	vm5 =	vgt.s32 v7, $0xC7FF;
	v5 =	vsel vm4, v10, v5;
	v9 =	vadd.s32 $0xFFFF3800, v7;
	v1 =	vld.idx.msk [tilespmem:v1+s5+$0x0], $0xffff  }
0x20a: {  	vm6 =	vgt.s32 v8, $0xC7FF;
	v10 =	vadd.s32 $0xFFFF3800, v8;
	v7 =	vsel vm5, v9, v7;
	v2 =	vld.idx.msk [tilespmem:v2+s5+$0x0], $0xffff  }
0x20b: {  	v8 =	vsel vm6, v10, v8;
	vm7 =	vgt.s32 v6, $0xC7FF;
	v9 =	vadd.s32 $0xFFFF3800, v6  }
0x20c: {  	v3 =	vld.idx.msk [tilespmem:v3+s5+$0x0], $0xffff;
	v6 =	vsel vm7, v9, v6  }
0x20d: {  	v4 =	vld.idx.msk [tilespmem:v4+s5+$0x0], $0xffff  }
0x20e: {  	v10 =	vsel vm1, $0x10, v0;
	v5 =	vld.idx.msk [tilespmem:v5+s5+$0x0], $0xffff;
	v9 =	vsel vm0, $0x10, v0  }
0x20f: {  	v7 =	vld.idx.msk [tilespmem:v7+s5+$0x0], $0xffff;
	v1 =	vshra.s32 v1, v9;
	v2 =	vshra.s32 v2, v10  }
0x210: {  	v11 =	vsel vm3, $0x10, v0;
	v8 =	vld.idx.msk [tilespmem:v8+s5+$0x0], $0xffff;
	v1 =	vshll.u32 v1, $0x10;
	v2 =	vshll.u32 v2, $0x10  }
0x211: {  	v9 =	vsel vm5, $0x10, v0;
	v10 =	vsel vm2, $0x10, v0;
	v6 =	vld.idx.msk [tilespmem:v6+s5+$0x0], $0xffff;
	v1 =	vmul.f32 v2, v1  }
0x212: {  	s21 =	simm.s32 $0x1C300;
	v4 =	vshra.s32 v4, v11;
	v3 =	vshra.s32 v3, v10;
	v10 =	vsel vm6, $0x10, v0  }
0x213: {  	v2 =	vsel vm4, $0x10, v0;
	v3 =	vshll.u32 v3, $0x10;
	[tilespmem:s21+$0x80] =	vst v1;
	v1 =	vshll.u32 v4, $0x10  }
0x214: {  	v2 =	vshra.s32 v5, v2;
	v4 =	vld [tilespmem:s24+$0x110];
	v1 =	vmul.f32 v1, v3;
	v3 =	vshra.s32 v7, v9  }
0x215: {  	v5 =	vsel vm7, $0x10, v0;
	v2 =	vshll.u32 v2, $0x10;
	v7 =	vld [tilespmem:s24+$0x190];
	v3 =	vshll.u32 v3, $0x10  }
0x216: {  	v8 =	vshra.s32 v8, v10;
	v5 =	vshra.s32 v6, v5;
	[tilespmem:s21+$0xFFFFFF80] =	vst v1;
	v1 =	vmul.f32 v2, v3  }
0x217: {  	v2 =	vshll.u32 v8, $0x10;
	v3 =	vshll.u32 v5, $0x10;
	v5 =	vld [tilespmem:s24+$0xFFFFFF10]  }
0x218: {  	v2 =	vmul.f32 v3, v2;
	v3 =	vld [tilespmem:s24+$0xFFFFFF90];
	[tilespmem:s21+$0xFFFFFF00] =	vst v1  }
0x219: {  	vm0 =	vgt.s32 v4, $0xC7FF;
	v1 =	vadd.s32 $0xFFFF3800, v4;
	v6 =	vld [tilespmem:s24+$0xFFFFFE10]  }
0x21a: {  	[tilespmem:s21+$0x0] =	vst v2;
	v2 =	vld [tilespmem:s24+$0xFFFFFE90];
	vm12 =	vgt.s32 v7, $0xC7FF;
	v1 =	vsel vm0, v1, v4;
	v4 =	vadd.s32 $0xFFFF3800, v7  }
0x21b: {  	v8 =	vld [tilespmem:s24+$0x10];
	v4 =	vsel vm12, v4, v7  }
0x21c: {  	v9 =	vld [tilespmem:s24+$0x90];
	vm13 =	vgt.s32 v5, $0xC7FF;
	v7 =	vadd.s32 $0xFFFF3800, v5  }
0x21d: {  	vm14 =	vgt.s32 v3, $0xC7FF;
	v5 =	vsel vm13, v7, v5;
	v7 =	vadd.s32 $0xFFFF3800, v3  }
0x21e: {  	v3 =	vsel vm14, v7, v3;
	vm15 =	vgt.s32 v6, $0xC7FF;
	v7 =	vadd.s32 $0xFFFF3800, v6  }
0x21f: {  	vm9 =	vgt.s32 v2, $0xC7FF;
	v1 =	vld.idx.msk [tilespmem:v1+s5+$0x0], $0xffff;
	v6 =	vsel vm15, v7, v6;
	v7 =	vadd.s32 $0xFFFF3800, v2  }
0x220: {  	vm10 =	vgt.s32 v8, $0xC7FF;
	v10 =	vadd.s32 $0xFFFF3800, v8;
	v2 =	vsel vm9, v7, v2;
	v4 =	vld.idx.msk [tilespmem:v4+s5+$0x0], $0xffff  }
0x221: {  	vm11 =	vgt.s32 v9, $0xC7FF;
	v7 =	vsel vm10, v10, v8;
	v8 =	vadd.s32 $0xFFFF3800, v9  }
0x222: {  	v8 =	vsel vm11, v8, v9;
	v5 =	vld.idx.msk [tilespmem:v5+s5+$0x0], $0xffff  }
0x223: {  	v3 =	vld.idx.msk [tilespmem:v3+s5+$0x0], $0xffff  }
0x224: {  	v10 =	vsel vm12, $0x10, v0;
	v9 =	vsel vm0, $0x10, v0;
	v6 =	vld.idx.msk [tilespmem:v6+s5+$0x0], $0xffff  }
0x225: {  	v1 =	vshra.s32 v1, v9;
	v2 =	vld.idx.msk [tilespmem:v2+s5+$0x0], $0xffff;
	v4 =	vshra.s32 v4, v10  }
0x226: {  	v11 =	vsel vm14, $0x10, v0;
	v7 =	vld.idx.msk [tilespmem:v7+s5+$0x0], $0xffff;
	v1 =	vshll.u32 v1, $0x10;
	v4 =	vshll.u32 v4, $0x10  }
0x227: {  	v9 =	vsel vm15, $0x10, v0;
	v10 =	vsel vm13, $0x10, v0;
	v8 =	vld.idx.msk [tilespmem:v8+s5+$0x0], $0xffff;
	v1 =	vmul.f32 v4, v1  }
0x228: {  	v4 =	vsel vm9, $0x10, v0;
	v5 =	vshra.s32 v5, v10;
	v3 =	vshra.s32 v3, v11  }
0x229: {  	v10 =	vsel vm10, $0x10, v0;
	v5 =	vshll.u32 v5, $0x10;
	v3 =	vshll.u32 v3, $0x10;
	[tilespmem:s21+$0x90] =	vst v1  }
0x22a: {  	v1 =	vshra.s32 v6, v9;
	v3 =	vmul.f32 v3, v5;
	v2 =	vshra.s32 v2, v4;
	v4 =	vld [tilespmem:s24+$0x120]  }
0x22b: {  	v5 =	vsel vm11, $0x10, v0;
	v1 =	vshll.u32 v1, $0x10;
	v6 =	vld [tilespmem:s24+$0x1A0];
	v2 =	vshll.u32 v2, $0x10  }
0x22c: {  	v7 =	vshra.s32 v7, v10;
	[tilespmem:s21+$0xFFFFFF90] =	vst v3;
	v3 =	vshra.s32 v8, v5;
	v1 =	vmul.f32 v2, v1  }
0x22d: {  	v2 =	vshll.u32 v7, $0x10;
	v5 =	vld [tilespmem:s24+$0xFFFFFF20];
	v3 =	vshll.u32 v3, $0x10  }
0x22e: {  	v7 =	vld [tilespmem:s24+$0xFFFFFFA0];
	v2 =	vmul.f32 v3, v2;
	[tilespmem:s21+$0xFFFFFF10] =	vst v1  }
0x22f: {  	v1 =	vld [tilespmem:s24+$0xFFFFFE20];
	vm0 =	vgt.s32 v4, $0xC7FF;
	v3 =	vadd.s32 $0xFFFF3800, v4  }
0x230: {  	vm12 =	vgt.s32 v6, $0xC7FF;
	[tilespmem:s21+$0x10] =	vst v2;
	v2 =	vld [tilespmem:s24+$0xFFFFFEA0];
	v3 =	vsel vm0, v3, v4;
	v4 =	vadd.s32 $0xFFFF3800, v6  }
0x231: {  	v8 =	vld [tilespmem:s24+$0x20];
	v4 =	vsel vm12, v4, v6  }
0x232: {  	v9 =	vld [tilespmem:s24+$0xA0];
	vm13 =	vgt.s32 v5, $0xC7FF;
	v6 =	vadd.s32 $0xFFFF3800, v5  }
0x233: {  	vm14 =	vgt.s32 v7, $0xC7FF;
	v5 =	vsel vm13, v6, v5;
	v6 =	vadd.s32 $0xFFFF3800, v7  }
0x234: {  	v6 =	vsel vm14, v6, v7;
	vm15 =	vgt.s32 v1, $0xC7FF;
	v7 =	vadd.s32 $0xFFFF3800, v1  }
0x235: {  	v1 =	vsel vm15, v7, v1;
	vm9 =	vgt.s32 v2, $0xC7FF;
	v7 =	vadd.s32 $0xFFFF3800, v2;
	v3 =	vld.idx.msk [tilespmem:v3+s5+$0x0], $0xffff  }
0x236: {  	v2 =	vsel vm9, v7, v2;
	vm10 =	vgt.s32 v8, $0xC7FF;
	v7 =	vadd.s32 $0xFFFF3800, v8;
	v4 =	vld.idx.msk [tilespmem:v4+s5+$0x0], $0xffff  }
0x237: {  	vm11 =	vgt.s32 v9, $0xC7FF;
	v7 =	vsel vm10, v7, v8;
	v8 =	vadd.s32 $0xFFFF3800, v9  }
0x238: {  	v5 =	vld.idx.msk [tilespmem:v5+s5+$0x0], $0xffff;
	v8 =	vsel vm11, v8, v9  }
0x239: {  	v6 =	vld.idx.msk [tilespmem:v6+s5+$0x0], $0xffff  }
0x23a: {  	v10 =	vsel vm12, $0x10, v0;
	v9 =	vsel vm0, $0x10, v0;
	v1 =	vld.idx.msk [tilespmem:v1+s5+$0x0], $0xffff  }
0x23b: {  	v3 =	vshra.s32 v3, v9;
	v2 =	vld.idx.msk [tilespmem:v2+s5+$0x0], $0xffff;
	v4 =	vshra.s32 v4, v10  }
0x23c: {  	v11 =	vsel vm15, $0x10, v0;
	v3 =	vshll.u32 v3, $0x10;
	v7 =	vld.idx.msk [tilespmem:v7+s5+$0x0], $0xffff;
	v4 =	vshll.u32 v4, $0x10  }
0x23d: {  	v9 =	vsel vm13, $0x10, v0;
	v10 =	vsel vm14, $0x10, v0;
	v8 =	vld.idx.msk [tilespmem:v8+s5+$0x0], $0xffff;
	v3 =	vmul.f32 v4, v3  }
0x23e: {  	v4 =	vsel vm9, $0x10, v0;
	v5 =	vshra.s32 v5, v9;
	v6 =	vshra.s32 v6, v10  }
0x23f: {  	v9 =	vsel vm10, $0x10, v0;
	v5 =	vshll.u32 v5, $0x10;
	v6 =	vshll.u32 v6, $0x10;
	[tilespmem:s21+$0xA0] =	vst v3  }
0x240: {  	v1 =	vshra.s32 v1, v11;
	v3 =	vmul.f32 v6, v5;
	v2 =	vshra.s32 v2, v4;
	v4 =	vld [tilespmem:s24+$0x130]  }
0x241: {  	v5 =	vsel vm11, $0x10, v0;
	v1 =	vshll.u32 v1, $0x10;
	v6 =	vld [tilespmem:s24+$0x1B0];
	v2 =	vshll.u32 v2, $0x10  }
0x242: {  	[tilespmem:s21+$0xFFFFFFA0] =	vst v3;
	v3 =	vshra.s32 v7, v9;
	v1 =	vmul.f32 v2, v1;
	v2 =	vshra.s32 v8, v5  }
0x243: {  	v5 =	vld [tilespmem:s24+$0xFFFFFF30];
	v3 =	vshll.u32 v3, $0x10;
	v2 =	vshll.u32 v2, $0x10  }
0x244: {  	v7 =	vld [tilespmem:s24+$0xFFFFFFB0];
	[tilespmem:s21+$0xFFFFFF20] =	vst v1;
	v1 =	vmul.f32 v2, v3  }
0x245: {  	v2 =	vld [tilespmem:s24+$0xFFFFFE30];
	vm0 =	vgt.s32 v4, $0xC7FF;
	v3 =	vadd.s32 $0xFFFF3800, v4  }
0x246: {  	v8 =	vld [tilespmem:s24+$0xFFFFFEB0];
	vm12 =	vgt.s32 v6, $0xC7FF;
	[tilespmem:s21+$0x20] =	vst v1;
	v1 =	vsel vm0, v3, v4;
	v3 =	vadd.s32 $0xFFFF3800, v6  }
0x247: {  	v4 =	vld [tilespmem:s24+$0x30];
	v3 =	vsel vm12, v3, v6  }
0x248: {  	v9 =	vld [tilespmem:s24+$0xB0];
	vm13 =	vgt.s32 v5, $0xC7FF;
	v6 =	vadd.s32 $0xFFFF3800, v5  }
0x249: {  	vm14 =	vgt.s32 v7, $0xC7FF;
	v5 =	vsel vm13, v6, v5;
	v6 =	vadd.s32 $0xFFFF3800, v7  }
0x24a: {  	v6 =	vsel vm14, v6, v7;
	vm15 =	vgt.s32 v2, $0xC7FF;
	v7 =	vadd.s32 $0xFFFF3800, v2  }
0x24b: {  	vm9 =	vgt.s32 v8, $0xC7FF;
	v2 =	vsel vm15, v7, v2;
	v7 =	vadd.s32 $0xFFFF3800, v8;
	v1 =	vld.idx.msk [tilespmem:v1+s5+$0x0], $0xffff  }
0x24c: {  	v7 =	vsel vm9, v7, v8;
	vm10 =	vgt.s32 v4, $0xC7FF;
	v8 =	vadd.s32 $0xFFFF3800, v4;
	v3 =	vld.idx.msk [tilespmem:v3+s5+$0x0], $0xffff  }
0x24d: {  	vm11 =	vgt.s32 v9, $0xC7FF;
	v4 =	vsel vm10, v8, v4;
	v8 =	vadd.s32 $0xFFFF3800, v9  }
0x24e: {  	v5 =	vld.idx.msk [tilespmem:v5+s5+$0x0], $0xffff;
	v8 =	vsel vm11, v8, v9  }
0x24f: {  	v6 =	vld.idx.msk [tilespmem:v6+s5+$0x0], $0xffff  }
0x250: {  	v10 =	vsel vm12, $0x10, v0;
	v9 =	vsel vm0, $0x10, v0;
	v2 =	vld.idx.msk [tilespmem:v2+s5+$0x0], $0xffff  }
0x251: {  	v1 =	vshra.s32 v1, v9;
	v7 =	vld.idx.msk [tilespmem:v7+s5+$0x0], $0xffff;
	v3 =	vshra.s32 v3, v10  }
0x252: {  	v11 =	vsel vm15, $0x10, v0;
	v1 =	vshll.u32 v1, $0x10;
	v4 =	vld.idx.msk [tilespmem:v4+s5+$0x0], $0xffff;
	v3 =	vshll.u32 v3, $0x10  }
0x253: {  	v9 =	vsel vm13, $0x10, v0;
	v10 =	vsel vm14, $0x10, v0;
	v8 =	vld.idx.msk [tilespmem:v8+s5+$0x0], $0xffff;
	v1 =	vmul.f32 v3, v1  }
0x254: {  	v3 =	vsel vm9, $0x10, v0;
	v5 =	vshra.s32 v5, v9;
	v6 =	vshra.s32 v6, v10  }
0x255: {  	v9 =	vsel vm10, $0x10, v0;
	v5 =	vshll.u32 v5, $0x10;
	v6 =	vshll.u32 v6, $0x10;
	[tilespmem:s21+$0xB0] =	vst v1  }
0x256: {  	v1 =	vshra.s32 v2, v11;
	v2 =	vmul.f32 v6, v5;
	v3 =	vshra.s32 v7, v3;
	v5 =	vld [tilespmem:s24+$0x140]  }
0x257: {  	v6 =	vsel vm11, $0x10, v0;
	v1 =	vshll.u32 v1, $0x10;
	v7 =	vld [tilespmem:s24+$0x1C0];
	v3 =	vshll.u32 v3, $0x10  }
0x258: {  	[tilespmem:s21+$0xFFFFFFB0] =	vst v2;
	v2 =	vshra.s32 v4, v9;
	v1 =	vmul.f32 v3, v1;
	v3 =	vshra.s32 v8, v6  }
0x259: {  	v4 =	vld [tilespmem:s24+$0xFFFFFF40];
	v2 =	vshll.u32 v2, $0x10;
	v3 =	vshll.u32 v3, $0x10  }
0x25a: {  	v6 =	vld [tilespmem:s24+$0xFFFFFFC0];
	[tilespmem:s21+$0xFFFFFF30] =	vst v1;
	v1 =	vmul.f32 v3, v2  }
0x25b: {  	v2 =	vld [tilespmem:s24+$0xFFFFFE40];
	vm0 =	vgt.s32 v5, $0xC7FF;
	v3 =	vadd.s32 $0xFFFF3800, v5  }
0x25c: {  	v8 =	vld [tilespmem:s24+$0xFFFFFEC0];
	vm12 =	vgt.s32 v7, $0xC7FF;
	[tilespmem:s21+$0x30] =	vst v1;
	v1 =	vsel vm0, v3, v5;
	v3 =	vadd.s32 $0xFFFF3800, v7  }
0x25d: {  	v5 =	vld [tilespmem:s24+$0x40];
	v3 =	vsel vm12, v3, v7  }
0x25e: {  	v9 =	vld [tilespmem:s24+$0xC0];
	vm13 =	vgt.s32 v4, $0xC7FF;
	v7 =	vadd.s32 $0xFFFF3800, v4  }
0x25f: {  	vm14 =	vgt.s32 v6, $0xC7FF;
	v4 =	vsel vm13, v7, v4;
	v7 =	vadd.s32 $0xFFFF3800, v6  }
0x260: {  	v6 =	vsel vm14, v7, v6;
	vm15 =	vgt.s32 v2, $0xC7FF;
	v7 =	vadd.s32 $0xFFFF3800, v2  }
0x261: {  	vm9 =	vgt.s32 v8, $0xC7FF;
	v2 =	vsel vm15, v7, v2;
	v7 =	vadd.s32 $0xFFFF3800, v8;
	v1 =	vld.idx.msk [tilespmem:v1+s5+$0x0], $0xffff  }
0x262: {  	v7 =	vsel vm9, v7, v8;
	vm10 =	vgt.s32 v5, $0xC7FF;
	v8 =	vadd.s32 $0xFFFF3800, v5;
	v3 =	vld.idx.msk [tilespmem:v3+s5+$0x0], $0xffff  }
0x263: {  	vm11 =	vgt.s32 v9, $0xC7FF;
	v5 =	vsel vm10, v8, v5;
	v8 =	vadd.s32 $0xFFFF3800, v9  }
0x264: {  	v4 =	vld.idx.msk [tilespmem:v4+s5+$0x0], $0xffff;
	v8 =	vsel vm11, v8, v9  }
0x265: {  	v6 =	vld.idx.msk [tilespmem:v6+s5+$0x0], $0xffff  }
0x266: {  	v10 =	vsel vm12, $0x10, v0;
	v9 =	vsel vm0, $0x10, v0;
	v2 =	vld.idx.msk [tilespmem:v2+s5+$0x0], $0xffff  }
0x267: {  	v1 =	vshra.s32 v1, v9;
	v7 =	vld.idx.msk [tilespmem:v7+s5+$0x0], $0xffff;
	v3 =	vshra.s32 v3, v10  }
0x268: {  	v11 =	vsel vm15, $0x10, v0;
	v1 =	vshll.u32 v1, $0x10;
	v5 =	vld.idx.msk [tilespmem:v5+s5+$0x0], $0xffff;
	v3 =	vshll.u32 v3, $0x10  }
0x269: {  	v9 =	vsel vm13, $0x10, v0;
	v10 =	vsel vm14, $0x10, v0;
	v8 =	vld.idx.msk [tilespmem:v8+s5+$0x0], $0xffff;
	v1 =	vmul.f32 v3, v1  }
0x26a: {  	v3 =	vsel vm9, $0x10, v0;
	v4 =	vshra.s32 v4, v9;
	v6 =	vshra.s32 v6, v10  }
0x26b: {  	v9 =	vsel vm10, $0x10, v0;
	v4 =	vshll.u32 v4, $0x10;
	v6 =	vshll.u32 v6, $0x10;
	[tilespmem:s21+$0xC0] =	vst v1  }
0x26c: {  	v1 =	vshra.s32 v2, v11;
	v2 =	vmul.f32 v6, v4;
	v3 =	vshra.s32 v7, v3;
	v4 =	vld [tilespmem:s24+$0x150]  }
0x26d: {  	v6 =	vsel vm11, $0x10, v0;
	v1 =	vshll.u32 v1, $0x10;
	v7 =	vld [tilespmem:s24+$0x1D0];
	v3 =	vshll.u32 v3, $0x10  }
0x26e: {  	[tilespmem:s21+$0xFFFFFFC0] =	vst v2;
	v2 =	vshra.s32 v5, v9;
	v1 =	vmul.f32 v3, v1;
	v3 =	vshra.s32 v8, v6  }
0x26f: {  	v5 =	vld [tilespmem:s24+$0xFFFFFF50];
	v2 =	vshll.u32 v2, $0x10;
	v3 =	vshll.u32 v3, $0x10  }
0x270: {  	v6 =	vld [tilespmem:s24+$0xFFFFFFD0];
	[tilespmem:s21+$0xFFFFFF40] =	vst v1;
	v1 =	vmul.f32 v3, v2  }
0x271: {  	v2 =	vld [tilespmem:s24+$0xFFFFFE50];
	vm0 =	vgt.s32 v4, $0xC7FF;
	v3 =	vadd.s32 $0xFFFF3800, v4  }
0x272: {  	v8 =	vld [tilespmem:s24+$0xFFFFFED0];
	vm12 =	vgt.s32 v7, $0xC7FF;
	[tilespmem:s21+$0x40] =	vst v1;
	v1 =	vsel vm0, v3, v4;
	v3 =	vadd.s32 $0xFFFF3800, v7  }
0x273: {  	v4 =	vld [tilespmem:s24+$0x50];
	v3 =	vsel vm12, v3, v7  }
0x274: {  	s22 =	simm.s32 $0x13200;
	v9 =	vld [tilespmem:s24+$0xD0];
	vm13 =	vgt.s32 v5, $0xC7FF;
	v7 =	vadd.s32 $0xFFFF3800, v5  }
0x275: {  	v14 =	vld [tilespmem:s22+$0x80];
	vm14 =	vgt.s32 v6, $0xC7FF;
	v5 =	vsel vm13, v7, v5;
	v7 =	vadd.s32 $0xFFFF3800, v6  }
0x276: {  	v13 =	vld [tilespmem:s22+$0x180];
	v6 =	vsel vm14, v7, v6;
	vm15 =	vgt.s32 v2, $0xC7FF;
	v7 =	vadd.s32 $0xFFFF3800, v2  }
0x277: {  	vm9 =	vgt.s32 v8, $0xC7FF;
	v2 =	vsel vm15, v7, v2;
	v7 =	vadd.s32 $0xFFFF3800, v8;
	v1 =	vld.idx.msk [tilespmem:v1+s5+$0x0], $0xffff  }
0x278: {  	v7 =	vsel vm9, v7, v8;
	vm10 =	vgt.s32 v4, $0xC7FF;
	v8 =	vadd.s32 $0xFFFF3800, v4;
	v3 =	vld.idx.msk [tilespmem:v3+s5+$0x0], $0xffff  }
0x279: {  	v15 =	vld [tilespmem:s22+$0xFFFFFE00];
	vm11 =	vgt.s32 v9, $0xC7FF;
	v4 =	vsel vm10, v8, v4;
	v8 =	vadd.s32 $0xFFFF3800, v9  }
0x27a: {  	vm8 =	vgt.s32 v14, $0xC7FF;
	v5 =	vld.idx.msk [tilespmem:v5+s5+$0x0], $0xffff;
	v8 =	vsel vm11, v8, v9  }
0x27b: {  	v20 =	vsel vm8, $0x10, v0;
	vm2 =	vgt.s32 v13, $0xC7FF;
	v6 =	vld.idx.msk [tilespmem:v6+s5+$0x0], $0xffff  }
0x27c: {  	v22 =	vsel vm2, $0x10, v0;
	v10 =	vsel vm12, $0x10, v0;
	v9 =	vsel vm0, $0x10, v0;
	v2 =	vld.idx.msk [tilespmem:v2+s5+$0x0], $0xffff  }
0x27d: {  	v11 =	vsel vm13, $0x10, v0;
	v1 =	vshra.s32 v1, v9;
	v7 =	vld.idx.msk [tilespmem:v7+s5+$0x0], $0xffff;
	v3 =	vshra.s32 v3, v10  }
0x27e: {  	v12 =	vsel vm9, $0x10, v0;
	v1 =	vshll.u32 v1, $0x10;
	v4 =	vld.idx.msk [tilespmem:v4+s5+$0x0], $0xffff;
	v3 =	vshll.u32 v3, $0x10  }
0x27f: {  	vm9 =	vgt.s32 v15, $0xC7FF;
	v9 =	vsel vm14, $0x10, v0;
	v8 =	vld.idx.msk [tilespmem:v8+s5+$0x0], $0xffff;
	v1 =	vmul.f32 v3, v1  }
0x280: {  	v10 =	vsel vm15, $0x10, v0;
	v5 =	vshra.s32 v5, v11;
	v6 =	vshra.s32 v6, v9;
	v9 =	vld [tilespmem:s22+$0x100]  }
0x281: {  	v3 =	vsel vm10, $0x10, v0;
	v5 =	vshll.u32 v5, $0x10;
	v6 =	vshll.u32 v6, $0x10;
	[tilespmem:s21+$0xD0] =	vst v1  }
0x282: {  	v1 =	vshra.s32 v2, v10;
	v2 =	vmul.f32 v6, v5;
	v5 =	vshra.s32 v7, v12;
	v6 =	vld [tilespmem:s24+$0x160]  }
0x283: {  	v1 =	vshll.u32 v1, $0x10;
	v7 =	vld [tilespmem:s22+$0xFFFFFE80];
	v5 =	vshll.u32 v5, $0x10;
	v3 =	vshra.s32 v4, v3  }
0x284: {  	v11 =	vsel vm11, $0x10, v0;
	v4 =	vld [tilespmem:s24+$0x1E0];
	v1 =	vmul.f32 v5, v1;
	v3 =	vshll.u32 v3, $0x10  }
0x285: {  	v5 =	vshra.s32 v8, v11;
	v8 =	vld [tilespmem:s22+$0xFFFFFF00];
	vm0 =	vgt.s32 v9, $0xC7FF;
	v10 =	vadd.s32 $0xFFFF3800, v9  }
0x286: {  	v11 =	vld [tilespmem:s22+$0xFFFFFF80];
	v5 =	vshll.u32 v5, $0x10;
	v9 =	vsel vm0, v10, v9;
	v10 =	vadd.s32 $0xFFFF3800, v13  }
0x287: {  	v12 =	vld [tilespmem:s22+$0x0];
	v10 =	vsel vm2, v10, v13;
	vm1 =	vgt.s32 v6, $0xC7FF;
	v13 =	vadd.s32 $0xFFFF3800, v6  }
0x288: {  	[tilespmem:s21+$0xFFFFFFD0] =	vst v2;
	vm12 =	vgt.s32 v7, $0xC7FF;
	v16 =	vadd.s32 $0xFFFF3800, v7;
	v6 =	vsel vm1, v13, v6  }
0x289: {  	v2 =	vld [tilespmem:s24+$0xFFFFFF60];
	[tilespmem:s21+$0xFFFFFF50] =	vst v1;
	vm3 =	vgt.s32 v4, $0xC7FF;
	v13 =	vadd.s32 $0xFFFF3800, v4;
	v7 =	vsel vm12, v16, v7  }
0x28a: {  	v1 =	vld [tilespmem:s24+$0xFFFFFE60];
	v4 =	vsel vm3, v13, v4;
	vm13 =	vgt.s32 v8, $0xC7FF;
	v13 =	vadd.s32 $0xFFFF3800, v8  }
0x28b: {  	vm14 =	vgt.s32 v11, $0xC7FF;
	v8 =	vsel vm13, v13, v8;
	v13 =	vadd.s32 $0xFFFF3800, v11;
	v9 =	vld.idx.msk [tilespmem:v9+s5+$0x0], $0xffff  }
0x28c: {  	vm15 =	vgt.s32 v12, $0xC7FF;
	v11 =	vsel vm14, v13, v11;
	v13 =	vadd.s32 $0xFFFF3800, v12;
	v10 =	vld.idx.msk [tilespmem:v10+s5+$0x0], $0xffff  }
0x28d: {  	v21 =	vsel vm0, $0x10, v0;
	v12 =	vsel vm15, v13, v12;
	v13 =	vadd.s32 $0xFFFF3800, v14;
	v6 =	vld.idx.msk [tilespmem:v6+s5+$0x0], $0xffff  }
0x28e: {  	v3 =	vmul.f32 v5, v3;
	v16 =	vadd.s32 $0xFFFF3800, v15;
	v13 =	vsel vm8, v13, v14;
	v7 =	vld.idx.msk [tilespmem:v7+s5+$0x0], $0xffff  }
0x28f: {  	v19 =	vsel vm15, $0x10, v0;
	v17 =	vsel vm13, $0x10, v0;
	v14 =	vsel vm9, v16, v15;
	v4 =	vld.idx.msk [tilespmem:v4+s5+$0x0], $0xffff  }
0x290: {  	v18 =	vsel vm14, $0x10, v0;
	vm2 =	vgt.s32 v2, $0xC7FF;
	vm0 =	vgt.s32 v1, $0xC7FF;
	v8 =	vld.idx.msk [tilespmem:v8+s5+$0x0], $0xffff  }
0x291: {  	v15 =	vsel vm9, $0x10, v0;
	v16 =	vsel vm12, $0x10, v0;
	v11 =	vld.idx.msk [tilespmem:v11+s5+$0x0], $0xffff;
	v9 =	vshra.s32 v9, v21  }
0x292: {  	v21 =	vsel vm3, $0x10, v0;
	v10 =	vshra.s32 v10, v22;
	v5 =	vld.idx.msk [tilespmem:v12+s5+$0x0], $0xffff;
	v12 =	vsel vm1, $0x10, v0  }
0x293: {  	v9 =	vshll.u32 v9, $0x10;
	v13 =	vld.idx.msk [tilespmem:v13+s5+$0x0], $0xffff;
	v10 =	vshll.u32 v10, $0x10;
	v6 =	vshra.s32 v6, v12  }
0x294: {  	v12 =	vld.idx.msk [tilespmem:v14+s5+$0x0], $0xffff;
	v7 =	vshra.s32 v7, v16;
	v4 =	vshra.s32 v4, v21;
	v9 =	vmul.f32 v10, v9  }
0x295: {  	s23 =	simm.s32 $0x1C500;
	v6 =	vshll.u32 v6, $0x10;
	v7 =	vshll.u32 v7, $0x10;
	v10 =	vshll.u32 v4, $0x10  }
0x296: {  	v4 =	vld [tilespmem:s24+$0xFFFFFEE0];
	v8 =	vshra.s32 v8, v17;
	v6 =	vmul.f32 v10, v6;
	v10 =	vshra.s32 v11, v18;
	[tilespmem:s23+$0x80] =	vst v9  }
0x297: {  	v8 =	vshll.u32 v8, $0x10;
	v9 =	vshll.u32 v10, $0x10;
	v5 =	vshra.s32 v5, v19;
	v10 =	vld [tilespmem:s22+$0x110]  }
0x298: {  	[tilespmem:s21+$0xE0] =	vst v6;
	v6 =	vmul.f32 v9, v8;
	v5 =	vshll.u32 v5, $0x10;
	v8 =	vshra.s32 v13, v20  }
0x299: {  	v11 =	vshra.s32 v12, v15;
	v12 =	vadd.s32 $0xFFFF3800, v1;
	v9 =	vld [tilespmem:s24+$0x170];
	v8 =	vshll.u32 v8, $0x10  }
0x29a: {  	v15 =	vadd.s32 $0xFFFF3800, v2;
	v13 =	vld [tilespmem:s24+$0x1F0];
	v11 =	vshll.u32 v11, $0x10;
	v5 =	vmul.f32 v8, v5  }
0x29b: {  	v1 =	vsel vm0, v12, v1;
	[tilespmem:s23+$0xFFFFFF80] =	vst v6;
	v6 =	vld [tilespmem:s22+$0x190];
	vm1 =	vgt.s32 v4, $0xC7FF;
	v7 =	vmul.f32 v7, v11  }
0x29c: {  	v11 =	vadd.s32 $0xFFFF3800, v4;
	v8 =	vld [tilespmem:s22+$0xFFFFFF10];
	[tilespmem:s23+$0x0] =	vst v5;
	vm3 =	vgt.s32 v10, $0xC7FF;
	v5 =	vadd.s32 $0xFFFF3800, v10  }
0x29d: {  	v2 =	vsel vm2, v15, v2;
	v14 =	vld [tilespmem:s22+$0xFFFFFF90];
	v4 =	vsel vm1, v11, v4;
	v5 =	vsel vm3, v5, v10  }
0x29e: {  	[tilespmem:s23+$0xFFFFFF00] =	vst v7;
	v7 =	vld [tilespmem:s22+$0x10];
	v25 =	vsel vm3, $0x10, v0;
	vm4 =	vgt.s32 v9, $0xC7FF;
	v10 =	vadd.s32 $0xFFFF3800, v9  }
0x29f: {  	v16 =	vld [tilespmem:s22+$0xFFFFFE10];
	vm5 =	vgt.s32 v13, $0xC7FF;
	v9 =	vsel vm4, v10, v9;
	v10 =	vadd.s32 $0xFFFF3800, v13  }
0x2a0: {  	v17 =	vld [tilespmem:s22+$0xFFFFFE90];
	vm6 =	vgt.s32 v6, $0xC7FF;
	v18 =	vadd.s32 $0xFFFF3800, v6;
	v10 =	vsel vm5, v10, v13  }
0x2a1: {  	v19 =	vld [tilespmem:s22+$0x90];
	vm7 =	vgt.s32 v8, $0xC7FF;
	v13 =	vadd.s32 $0xFFFF3800, v8;
	v6 =	vsel vm6, v18, v6  }
0x2a2: {  	v18 =	vld [tilespmem:s24+$0xFFFFFFE0];
	vm8 =	vgt.s32 v14, $0xC7FF;
	v8 =	vsel vm7, v13, v8;
	v13 =	vadd.s32 $0xFFFF3800, v14  }
0x2a3: {  	v13 =	vsel vm8, v13, v14;
	vm9 =	vgt.s32 v7, $0xC7FF;
	v14 =	vadd.s32 $0xFFFF3800, v7;
	v5 =	vld.idx.msk [tilespmem:v5+s5+$0x0], $0xffff  }
0x2a4: {  	vm10 =	vgt.s32 v16, $0xC7FF;
	v20 =	vadd.s32 $0xFFFF3800, v16;
	v7 =	vsel vm9, v14, v7;
	v9 =	vld.idx.msk [tilespmem:v9+s5+$0x0], $0xffff  }
0x2a5: {  	vm11 =	vgt.s32 v17, $0xC7FF;
	v14 =	vsel vm10, v20, v16;
	v16 =	vadd.s32 $0xFFFF3800, v17;
	v10 =	vld.idx.msk [tilespmem:v10+s5+$0x0], $0xffff  }
0x2a6: {  	vm12 =	vgt.s32 v19, $0xC7FF;
	v16 =	vsel vm11, v16, v17;
	v17 =	vadd.s32 $0xFFFF3800, v19;
	v6 =	vld.idx.msk [tilespmem:v6+s5+$0x0], $0xffff  }
0x2a7: {  	v27 =	vsel vm4, $0x10, v0;
	v28 =	vsel vm5, $0x10, v0;
	v17 =	vsel vm12, v17, v19;
	v8 =	vld.idx.msk [tilespmem:v8+s5+$0x0], $0xffff  }
0x2a8: {  	v26 =	vsel vm6, $0x10, v0;
	v22 =	vsel vm8, $0x10, v0;
	v20 =	vsel vm10, $0x10, v0;
	v13 =	vld.idx.msk [tilespmem:v13+s5+$0x0], $0xffff  }
0x2a9: {  	v21 =	vsel vm11, $0x10, v0;
	v23 =	vsel vm9, $0x10, v0;
	v24 =	vsel vm12, $0x10, v0;
	v7 =	vld.idx.msk [tilespmem:v7+s5+$0x0], $0xffff  }
0x2aa: {  	v19 =	vsel vm7, $0x10, v0;
	vm3 =	vgt.s32 v18, $0xC7FF;
	v5 =	vshra.s32 v5, v25;
	v14 =	vld.idx.msk [tilespmem:v14+s5+$0x0], $0xffff  }
0x2ab: {  	v5 =	vshll.u32 v5, $0x10;
	v16 =	vld.idx.msk [tilespmem:v16+s5+$0x0], $0xffff;
	v9 =	vshra.s32 v9, v27;
	v6 =	vshra.s32 v6, v26  }
0x2ac: {  	[tilespmem:s21+$0x50] =	vst v3;
	v10 =	vshra.s32 v10, v28;
	v3 =	vshll.u32 v9, $0x10;
	v9 =	vld.idx.msk [tilespmem:v17+s5+$0x0], $0xffff;
	v6 =	vshll.u32 v6, $0x10  }
0x2ad: {  	v17 =	vld [tilespmem:s24+$0xE0];
	v8 =	vshra.s32 v8, v19;
	v13 =	vshra.s32 v13, v22;
	v5 =	vmul.f32 v6, v5  }
0x2ae: {  	v10 =	vshll.u32 v10, $0x10;
	v6 =	vld [tilespmem:s24+$0x60];
	v8 =	vshll.u32 v8, $0x10;
	v13 =	vshll.u32 v13, $0x10  }
0x2af: {  	v3 =	vmul.f32 v10, v3;
	v8 =	vmul.f32 v13, v8;
	[tilespmem:s23+$0x90] =	vst v5;
	v5 =	vshra.s32 v7, v23  }
0x2b0: {  	v7 =	vshra.s32 v14, v20;
	v10 =	vshra.s32 v16, v21;
	v14 =	vadd.s32 $0xFFFF3800, v18;
	v13 =	vld [tilespmem:s22+$0x120]  }
0x2b1: {  	v5 =	vshll.u32 v5, $0x10;
	v7 =	vshll.u32 v7, $0x10;
	v10 =	vshll.u32 v10, $0x10;
	[tilespmem:s23+$0xFFFFFF90] =	vst v8;
	v8 =	vld [tilespmem:s22+$0x1A0]  }
0x2b2: {  	v9 =	vshra.s32 v9, v24;
	vm4 =	vgt.s32 v17, $0xC7FF;
	v7 =	vmul.f32 v10, v7;
	v10 =	vld [tilespmem:s22+$0xFFFFFF20]  }
0x2b3: {  	v14 =	vsel vm3, v14, v18;
	v9 =	vshll.u32 v9, $0x10;
	vm5 =	vgt.s32 v6, $0xC7FF;
	v19 =	vld [tilespmem:s22+$0xFFFFFFA0]  }
0x2b4: {  	v1 =	vld.idx.msk [tilespmem:v1+s5+$0x0], $0xffff;
	v16 =	vadd.s32 $0xFFFF3800, v6;
	v5 =	vmul.f32 v9, v5;
	v9 =	vadd.s32 $0xFFFF3800, v17;
	[tilespmem:s23+$0xFFFFFF10] =	vst v7  }
0x2b5: {  	v6 =	vsel vm5, v16, v6;
	v7 =	vld [tilespmem:s22+$0xFFFFFE20];
	vm6 =	vgt.s32 v13, $0xC7FF;
	v12 =	vadd.s32 $0xFFFF3800, v13  }
0x2b6: {  	[tilespmem:s23+$0x10] =	vst v5;
	v5 =	vld [tilespmem:s22+$0xFFFFFEA0];
	v11 =	vsel vm6, v12, v13;
	vm7 =	vgt.s32 v8, $0xC7FF;
	v12 =	vadd.s32 $0xFFFF3800, v8  }
0x2b7: {  	v20 =	vld [tilespmem:s22+$0x20];
	vm12 =	vgt.s32 v10, $0xC7FF;
	v13 =	vadd.s32 $0xFFFF3800, v10;
	v8 =	vsel vm7, v12, v8  }
0x2b8: {  	v12 =	vld [tilespmem:s22+$0xA0];
	vm9 =	vgt.s32 v19, $0xC7FF;
	v10 =	vsel vm12, v13, v10;
	v13 =	vadd.s32 $0xFFFF3800, v19  }
0x2b9: {  	v2 =	vld.idx.msk [tilespmem:v2+s5+$0x0], $0xffff;
	v9 =	vsel vm4, v9, v17;
	v17 =	vsel vm0, $0x10, v0;
	v13 =	vsel vm9, v13, v19  }
0x2ba: {  	v15 =	vsel vm12, $0x10, v0;
	v6 =	vld.idx.msk [tilespmem:v6+s5+$0x0], $0xffff;
	vm8 =	vgt.s32 v7, $0xC7FF;
	v19 =	vadd.s32 $0xFFFF3800, v7  }
0x2bb: {  	vm10 =	vgt.s32 v5, $0xC7FF;
	v7 =	vsel vm8, v19, v7;
	v19 =	vadd.s32 $0xFFFF3800, v5;
	v11 =	vld.idx.msk [tilespmem:v11+s5+$0x0], $0xffff  }
0x2bc: {  	vm11 =	vgt.s32 v20, $0xC7FF;
	v5 =	vsel vm10, v19, v5;
	v19 =	vadd.s32 $0xFFFF3800, v20;
	v8 =	vld.idx.msk [tilespmem:v8+s5+$0x0], $0xffff  }
0x2bd: {  	v19 =	vsel vm11, v19, v20;
	vm12 =	vgt.s32 v12, $0xC7FF;
	v20 =	vadd.s32 $0xFFFF3800, v12;
	v10 =	vld.idx.msk [tilespmem:v10+s5+$0x0], $0xffff  }
0x2be: {  	v1 =	vshra.s32 v1, v17;
	v23 =	vsel vm6, $0x10, v0;
	v12 =	vsel vm12, v20, v12;
	v13 =	vld.idx.msk [tilespmem:v13+s5+$0x0], $0xffff  }
0x2bf: {  	v50 =	vsel vm7, $0x10, v0;
	v18 =	vsel vm9, $0x10, v0;
	v9 =	vld.idx.msk [tilespmem:v9+s5+$0x0], $0xffff;
	v16 =	vsel vm8, $0x10, v0  }
0x2c0: {  	v21 =	vsel vm11, $0x10, v0;
	v20 =	vsel vm10, $0x10, v0;
	v22 =	vsel vm12, $0x10, v0;
	v7 =	vld.idx.msk [tilespmem:v7+s5+$0x0], $0xffff  }
0x2c1: {  	v5 =	vld.idx.msk [tilespmem:v5+s5+$0x0], $0xffff;
	v11 =	vshra.s32 v11, v23;
	v23 =	vsel vm2, $0x10, v0;
	v8 =	vshra.s32 v8, v50  }
0x2c2: {  	v19 =	vld.idx.msk [tilespmem:v19+s5+$0x0], $0xffff;
	v11 =	vshll.u32 v11, $0x10;
	v2 =	vshra.s32 v2, v23;
	v8 =	vshll.u32 v8, $0x10  }
0x2c3: {  	v12 =	vld.idx.msk [tilespmem:v12+s5+$0x0], $0xffff;
	v10 =	vshra.s32 v10, v15;
	v13 =	vshra.s32 v13, v18;
	v8 =	vmul.f32 v8, v11  }
0x2c4: {  	v11 =	vsel vm3, $0x10, v0;
	v10 =	vshll.u32 v10, $0x10;
	v13 =	vshll.u32 v13, $0x10  }
0x2c5: {  	v14 =	vld.idx.msk [tilespmem:v14+s5+$0x0], $0xffff;
	v7 =	vshra.s32 v7, v16;
	v16 =	vsel vm4, $0x10, v0;
	v10 =	vmul.f32 v13, v10;
	[tilespmem:s23+$0xA0] =	vst v8  }
0x2c6: {  	v5 =	vshra.s32 v5, v20;
	v8 =	vsel vm5, $0x10, v0;
	v7 =	vshll.u32 v7, $0x10;
	v13 =	vld [tilespmem:s22+$0x130]  }
0x2c7: {  	v9 =	vshra.s32 v9, v16;
	v5 =	vshll.u32 v5, $0x10;
	v15 =	vld [tilespmem:s22+$0x1B0];
	v6 =	vshra.s32 v6, v8  }
0x2c8: {  	[tilespmem:s23+$0xFFFFFFA0] =	vst v10;
	v10 =	vshra.s32 v19, v21;
	v5 =	vmul.f32 v5, v7;
	v7 =	vshra.s32 v12, v22  }
0x2c9: {  	v9 =	vshll.u32 v9, $0x10;
	v12 =	vld [tilespmem:s22+$0xFFFFFF30];
	v10 =	vshll.u32 v10, $0x10;
	v7 =	vshll.u32 v7, $0x10  }
0x2ca: {  	v6 =	vshll.u32 v6, $0x10;
	v17 =	vld [tilespmem:s22+$0xFFFFFFB0];
	[tilespmem:s23+$0xFFFFFF20] =	vst v5;
	v5 =	vmul.f32 v7, v10;
	v10 =	vshra.s32 v14, v11  }
0x2cb: {  	v2 =	vshll.u32 v2, $0x10;
	v6 =	vmul.f32 v9, v6;
	v7 =	vld [tilespmem:s22+$0xFFFFFE30];
	v10 =	vshll.u32 v10, $0x10  }
0x2cc: {  	v14 =	vld [tilespmem:s22+$0xFFFFFEB0];
	vm0 =	vgt.s32 v13, $0xC7FF;
	v11 =	vadd.s32 $0xFFFF3800, v13;
	[tilespmem:s23+$0x20] =	vst v5;
	vm13 =	vgt.s32 v15, $0xC7FF  }
0x2cd: {  	v2 =	vmul.f32 v10, v2;
	v5 =	vsel vm0, v11, v13;
	v11 =	vadd.s32 $0xFFFF3800, v15;
	v13 =	vld [tilespmem:s22+$0x30]  }
0x2ce: {  	vm14 =	vgt.s32 v12, $0xC7FF;
	v18 =	vadd.s32 $0xFFFF3800, v12;
	v11 =	vsel vm13, v11, v15;
	v15 =	vld [tilespmem:s22+$0xB0]  }
0x2cf: {  	vm15 =	vgt.s32 v17, $0xC7FF;
	v12 =	vsel vm14, v18, v12;
	v18 =	vadd.s32 $0xFFFF3800, v17  }
0x2d0: {  	v4 =	vld.idx.msk [tilespmem:v4+s5+$0x0], $0xffff;
	[tilespmem:s21+$0xFFFFFFE0] =	vst v2;
	v17 =	vsel vm15, v18, v17;
	vm9 =	vgt.s32 v7, $0xC7FF;
	v18 =	vadd.s32 $0xFFFF3800, v7  }
0x2d1: {  	[tilespmem:s21+$0x60] =	vst v6;
	v6 =	vld [tilespmem:s24+$0xFFFFFFF0];
	vm10 =	vgt.s32 v14, $0xC7FF;
	v7 =	vsel vm9, v18, v7;
	v18 =	vadd.s32 $0xFFFF3800, v14  }
0x2d2: {  	v5 =	vld.idx.msk [tilespmem:v5+s5+$0x0], $0xffff;
	v14 =	vsel vm10, v18, v14;
	vm11 =	vgt.s32 v13, $0xC7FF;
	v18 =	vadd.s32 $0xFFFF3800, v13  }
0x2d3: {  	v11 =	vld.idx.msk [tilespmem:v11+s5+$0x0], $0xffff;
	v13 =	vsel vm11, v18, v13;
	vm12 =	vgt.s32 v15, $0xC7FF;
	v18 =	vadd.s32 $0xFFFF3800, v15  }
0x2d4: {  	v51 =	vsel vm1, $0x10, v0;
	v8 =	vld.idx.msk [tilespmem:v12+s5+$0x0], $0xffff;
	v12 =	vsel vm12, v18, v15  }
0x2d5: {  	v4 =	vshra.s32 v4, v51;
	v17 =	vld.idx.msk [tilespmem:v17+s5+$0x0], $0xffff  }
0x2d6: {  	v4 =	vshll.u32 v4, $0x10;
	v1 =	vshll.u32 v1, $0x10;
	v7 =	vld.idx.msk [tilespmem:v7+s5+$0x0], $0xffff  }
0x2d7: {  	v1 =	vmul.f32 v4, v1;
	v20 =	vsel vm13, $0x10, v0;
	v4 =	vld.idx.msk [tilespmem:v14+s5+$0x0], $0xffff;
	v14 =	vsel vm0, $0x10, v0  }
0x2d8: {  	v16 =	vsel vm15, $0x10, v0;
	v13 =	vld.idx.msk [tilespmem:v13+s5+$0x0], $0xffff;
	v5 =	vshra.s32 v5, v14;
	v11 =	vshra.s32 v11, v20  }
0x2d9: {  	[tilespmem:s21+$0xFFFFFF60] =	vst v1;
	v15 =	vsel vm14, $0x10, v0;
	v1 =	vld.idx.msk [tilespmem:v12+s5+$0x0], $0xffff;
	v5 =	vshll.u32 v5, $0x10;
	v10 =	vshll.u32 v11, $0x10  }
0x2da: {  	v8 =	vshra.s32 v8, v15;
	v11 =	vshra.s32 v17, v16;
	v5 =	vmul.f32 v10, v5;
	v10 =	vld [tilespmem:s24+$0xFFFFFE70]  }
0x2db: {  	v18 =	vsel vm9, $0x10, v0;
	v2 =	vshll.u32 v8, $0x10;
	v8 =	vshll.u32 v11, $0x10;
	v11 =	vld [tilespmem:s24+$0xFFFFFEF0]  }
0x2dc: {  	v19 =	vsel vm10, $0x10, v0;
	v21 =	vsel vm11, $0x10, v0;
	v7 =	vshra.s32 v7, v18;
	v18 =	vld [tilespmem:s24+$0x70]  }
0x2dd: {  	v53 =	vadd.s32 $0xFFFF3800, v6;
	v2 =	vmul.f32 v8, v2;
	[tilespmem:s23+$0xB0] =	vst v5;
	v5 =	vld [tilespmem:s24+$0xFFFFFF70];
	v4 =	vshra.s32 v4, v19  }
0x2de: {  	v12 =	vsel vm12, $0x10, v0;
	v7 =	vshll.u32 v7, $0x10;
	v8 =	vld [tilespmem:s22+$0x140];
	v4 =	vshll.u32 v4, $0x10  }
0x2df: {  	v9 =	vld [tilespmem:s22+$0x1C0];
	[tilespmem:s23+$0xFFFFFFB0] =	vst v2;
	v2 =	vshra.s32 v13, v21;
	v4 =	vmul.f32 v4, v7;
	v1 =	vshra.s32 v1, v12  }
0x2e0: {  	v7 =	vld [tilespmem:s22+$0xFFFFFF40];
	v2 =	vshll.u32 v2, $0x10;
	v1 =	vshll.u32 v1, $0x10;
	vm1 =	vgt.s32 v10, $0xC7FF  }
0x2e1: {  	v12 =	vld [tilespmem:s22+$0xFFFFFFC0];
	v13 =	vadd.s32 $0xFFFF3800, v10;
	[tilespmem:s23+$0xFFFFFF30] =	vst v4;
	v1 =	vmul.f32 v1, v2;
	vm0 =	vgt.s32 v11, $0xC7FF  }
0x2e2: {  	v2 =	vadd.s32 $0xFFFF3800, v11;
	vm8 =	vgt.s32 v18, $0xC7FF;
	v55 =	vadd.s32 $0xFFFF3800, v18;
	v4 =	vld [tilespmem:s22+$0xFFFFFE40]  }
0x2e3: {  	vm2 =	vgt.s32 v5, $0xC7FF;
	v15 =	vld [tilespmem:s22+$0xFFFFFEC0];
	vm3 =	vgt.s32 v8, $0xC7FF;
	v14 =	vadd.s32 $0xFFFF3800, v8  }
0x2e4: {  	[tilespmem:s23+$0x30] =	vst v1;
	vm6 =	vgt.s32 v9, $0xC7FF;
	v1 =	vsel vm3, v14, v8;
	v8 =	vadd.s32 $0xFFFF3800, v9  }
0x2e5: {  	v16 =	vld [tilespmem:s22+$0x40];
	vm13 =	vgt.s32 v7, $0xC7FF;
	v14 =	vadd.s32 $0xFFFF3800, v7;
	v8 =	vsel vm6, v8, v9  }
0x2e6: {  	vm14 =	vgt.s32 v12, $0xC7FF;
	v9 =	vadd.s32 $0xFFFF3800, v12;
	v7 =	vsel vm13, v14, v7;
	v14 =	vld [tilespmem:s22+$0xC0]  }
0x2e7: {  	v9 =	vsel vm14, v9, v12;
	vm15 =	vgt.s32 v4, $0xC7FF;
	v19 =	vadd.s32 $0xFFFF3800, v4  }
0x2e8: {  	v21 =	vld [tilespmem:s24+$0xF0];
	vm12 =	vgt.s32 v15, $0xC7FF;
	v4 =	vsel vm15, v19, v4;
	v19 =	vadd.s32 $0xFFFF3800, v15  }
0x2e9: {  	v20 =	vadd.s32 $0xFFFF3800, v5;
	v17 =	vsel vm13, $0x10, v0;
	v1 =	vld.idx.msk [tilespmem:v1+s5+$0x0], $0xffff;
	v15 =	vsel vm12, v19, v15  }
0x2ea: {  	v12 =	vsel vm14, $0x10, v0;
	vm13 =	vgt.s32 v16, $0xC7FF;
	v19 =	vadd.s32 $0xFFFF3800, v16;
	v8 =	vld.idx.msk [tilespmem:v8+s5+$0x0], $0xffff  }
0x2eb: {  	v16 =	vsel vm13, v19, v16;
	vm14 =	vgt.s32 v14, $0xC7FF;
	v19 =	vadd.s32 $0xFFFF3800, v14;
	v7 =	vld.idx.msk [tilespmem:v7+s5+$0x0], $0xffff  }
0x2ec: {  	v2 =	vsel vm0, v2, v11;
	v54 =	vsel vm3, $0x10, v0;
	v9 =	vld.idx.msk [tilespmem:v9+s5+$0x0], $0xffff;
	v14 =	vsel vm14, v19, v14  }
0x2ed: {  	v56 =	vsel vm6, $0x10, v0;
	vm3 =	vgt.s32 v21, $0xC7FF;
	v57 =	vadd.s32 $0xFFFF3800, v21;
	v4 =	vld.idx.msk [tilespmem:v4+s5+$0x0], $0xffff  }
0x2ee: {  	v22 =	vsel vm15, $0x10, v0;
	v23 =	vsel vm12, $0x10, v0;
	vm15 =	vgt.s32 v6, $0xC7FF;
	v15 =	vld.idx.msk [tilespmem:v15+s5+$0x0], $0xffff  }
0x2ef: {  	v6 =	vsel vm15, v53, v6;
	v1 =	vshra.s32 v1, v54;
	v8 =	vshra.s32 v8, v56  }
0x2f0: {  	v19 =	vsel vm13, $0x10, v0;
	v16 =	vld.idx.msk [tilespmem:v16+s5+$0x0], $0xffff;
	v1 =	vshll.u32 v1, $0x10;
	v8 =	vshll.u32 v8, $0x10  }
0x2f1: {  	v7 =	vshra.s32 v7, v17;
	v9 =	vshra.s32 v9, v12;
	v14 =	vld.idx.msk [tilespmem:v14+s5+$0x0], $0xffff;
	v1 =	vmul.f32 v8, v1  }
0x2f2: {  	v7 =	vshll.u32 v7, $0x10;
	v8 =	vshll.u32 v9, $0x10;
	v4 =	vshra.s32 v4, v22  }
0x2f3: {  	v7 =	vmul.f32 v8, v7;
	[tilespmem:s23+$0xC0] =	vst v1;
	v1 =	vsel vm2, v20, v5;
	v5 =	vshra.s32 v15, v23  }
0x2f4: {  	v52 =	vsel vm14, $0x10, v0;
	v4 =	vshll.u32 v4, $0x10;
	v8 =	vld [tilespmem:s22+$0x150];
	v5 =	vshll.u32 v5, $0x10  }
0x2f5: {  	v17 =	vsel vm2, $0x10, v0;
	v9 =	vsel vm1, v13, v10;
	[tilespmem:s23+$0xFFFFFFC0] =	vst v7;
	v10 =	vld [tilespmem:s22+$0x1D0];
	v5 =	vmul.f32 v5, v4  }
0x2f6: {  	v22 =	vsel vm8, v55, v18;
	v7 =	vshra.s32 v16, v19;
	v11 =	vld [tilespmem:s22+$0xFFFFFF50];
	v4 =	vshra.s32 v14, v52  }
0x2f7: {  	v15 =	vsel vm0, $0x10, v0;
	v7 =	vshll.u32 v7, $0x10;
	v12 =	vld [tilespmem:s22+$0xFFFFFFD0];
	v13 =	vshll.u32 v4, $0x10;
	[tilespmem:s23+$0xFFFFFF40] =	vst v5  }
0x2f8: {  	v14 =	vsel vm1, $0x10, v0;
	v4 =	vsel vm3, v57, v21;
	v7 =	vmul.f32 v13, v7;
	v13 =	vld [tilespmem:s22+$0xFFFFFE50]  }
0x2f9: {  	v5 =	vsel vm15, $0x10, v0;
	v18 =	vld [tilespmem:s22+$0xFFFFFED0];
	vm0 =	vgt.s32 v8, $0xC7FF;
	v16 =	vadd.s32 $0xFFFF3800, v8  }
0x2fa: {  	v58 =	vld.idx.msk [tilespmem:v1+s5+$0x0], $0xffff;
	v1 =	vsel vm8, $0x10, v0;
	vm9 =	vgt.s32 v10, $0xC7FF;
	[tilespmem:s23+$0x40] =	vst v7;
	v7 =	vsel vm0, v16, v8  }
0x2fb: {  	v8 =	vadd.s32 $0xFFFF3800, v10;
	vm10 =	vgt.s32 v11, $0xC7FF;
	v16 =	vadd.s32 $0xFFFF3800, v11;
	v19 =	vld [tilespmem:s22+$0x50]  }
0x2fc: {  	v23 =	vld.idx.msk [tilespmem:v2+s5+$0x0], $0xffff;
	vm11 =	vgt.s32 v12, $0xC7FF;
	v8 =	vsel vm9, v8, v10;
	v10 =	vsel vm10, v16, v11  }
0x2fd: {  	v11 =	vadd.s32 $0xFFFF3800, v12;
	v16 =	vld [tilespmem:s22+$0xD0];
	v20 =	vsel vm10, $0x10, v0;
	v21 =	vsel vm11, $0x10, v0  }
0x2fe: {  	v9 =	vld.idx.msk [tilespmem:v9+s5+$0x0], $0xffff;
	v11 =	vsel vm11, v11, v12;
	vm12 =	vgt.s32 v13, $0xC7FF;
	v2 =	vadd.s32 $0xFFFF3800, v13  }
0x2ff: {  	v6 =	vld.idx.msk [tilespmem:v6+s5+$0x0], $0xffff;
	vm13 =	vgt.s32 v18, $0xC7FF;
	v59 =	vsel vm12, v2, v13;
	v2 =	vadd.s32 $0xFFFF3800, v18  }
0x300: {  	v60 =	vld.idx.msk [tilespmem:v7+s5+$0x0], $0xffff;
	v18 =	vsel vm13, v2, v18;
	vm14 =	vgt.s32 v19, $0xC7FF;
	v2 =	vadd.s32 $0xFFFF3800, v19  }
0x301: {  	v13 =	vsel vm12, $0x10, v0;
	v12 =	vsel vm13, $0x10, v0;
	v61 =	vld.idx.msk [tilespmem:v8+s5+$0x0], $0xffff;
	v19 =	vsel vm14, v2, v19  }
0x302: {  	v7 =	vshra.s32 v58, v17;
	v62 =	vld.idx.msk [tilespmem:v10+s5+$0x0], $0xffff;
	vm15 =	vgt.s32 v16, $0xC7FF;
	v2 =	vadd.s32 $0xFFFF3800, v16  }
0x303: {  	v8 =	vshra.s32 v9, v14;
	v9 =	vshra.s32 v23, v15;
	v29 =	vld.idx.msk [tilespmem:v11+s5+$0x0], $0xffff;
	v30 =	vsel vm15, v2, v16  }
0x304: {  	v15 =	vsel vm0, $0x10, v0;
	v11 =	vsel vm14, $0x10, v0;
	v10 =	vsel vm15, $0x10, v0;
	v16 =	vld.idx.msk [tilespmem:v59+s5+$0x0], $0xffff  }
0x305: {  	v8 =	vshll.u32 v8, $0x10;
	v9 =	vshll.u32 v9, $0x10;
	v17 =	vld.idx.msk [tilespmem:v18+s5+$0x0], $0xffff;
	v18 =	vsel vm9, $0x10, v0  }
0x306: {  	v2 =	vsel vm3, $0x10, v0;
	v18 =	vshra.s32 v61, v18;
	v14 =	vld.idx.msk [tilespmem:v19+s5+$0x0], $0xffff;
	v19 =	vshra.s32 v60, v15  }
0x307: {  	[tilespmem:s21+$0xF0] =	vst v3;
	v3 =	vld.idx.msk [tilespmem:v22+s5+$0x0], $0xffff;
	v20 =	vshra.s32 v62, v20;
	v63 =	vshll.u32 v18, $0x10;
	v23 =	vshll.u32 v19, $0x10  }
0x308: {  	s25 =	simm.s32 $0x4;
	s26 =	simm.s32 $0x13600;
	s24 =	simm.s32 $0x1C500;
	v18 =	vshll.u32 v20, $0x10;
	v15 =	vld.idx.msk [tilespmem:v30+s5+$0x0], $0xffff;
	v19 =	vshra.s32 v29, v21;
	v20 =	vmul.f32 v63, v23  }
.LBB2_6:
0x309: {  	v21 =	vld [tilespmem:s26+$0x100];
	v19 =	vshll.u32 v19, $0x10;
	v7 =	vshll.u32 v7, $0x10;
	v5 =	vshra.s32 v6, v5  }
0x30a: {  	v13 =	vshra.s32 v16, v13;
	v6 =	vld [tilespmem:s26+$0x180];
	v16 =	vmul.f32 v19, v18;
	[tilespmem:s23+$0xD0] =	vst v20;
	v5 =	vshll.u32 v5, $0x10  }
0x30b: {  	v8 =	vmul.f32 v9, v8;
	v13 =	vshll.u32 v13, $0x10;
	v12 =	vshra.s32 v17, v12;
	v17 =	vld [tilespmem:s22+$0x160]  }
0x30c: {  	v9 =	vshll.u32 v12, $0x10;
	v11 =	vshra.s32 v14, v11;
	v5 =	vmul.f32 v5, v7;
	[tilespmem:s23+$0xFFFFFFD0] =	vst v16;
	v12 =	vld [tilespmem:s22+$0x1E0]  }
0x30d: {  	v9 =	vmul.f32 v9, v13;
	v11 =	vshll.u32 v11, $0x10;
	v10 =	vshra.s32 v15, v10;
	v7 =	vld [tilespmem:s26+$0xFFFFFE80];
	[tilespmem:s21+$0xFFFFFF70] =	vst v8  }
0x30e: {  	v10 =	vshll.u32 v10, $0x10;
	v8 =	vld [tilespmem:s26+$0xFFFFFF00];
	vm0 =	vgt.s32 v21, $0xC7FF;
	v13 =	vadd.s32 $0xFFFF3800, v21;
	[tilespmem:s21+$0xFFFFFFF0] =	vst v5  }
0x30f: {  	v14 =	vld [tilespmem:s26+$0xFFFFFF80];
	v13 =	vsel vm0, v13, v21;
	vm2 =	vgt.s32 v6, $0xC7FF;
	v5 =	vadd.s32 $0xFFFF3800, v6;
	[tilespmem:s23+$0xFFFFFF50] =	vst v9  }
0x310: {  	v9 =	vld [tilespmem:s26+$0x0];
	v6 =	vsel vm2, v5, v6;
	vm1 =	vgt.s32 v17, $0xC7FF;
	v5 =	vadd.s32 $0xFFFF3800, v17  }
0x311: {  	v15 =	vld [tilespmem:s26+$0x80];
	v16 =	vsel vm1, v5, v17;
	vm3 =	vgt.s32 v12, $0xC7FF;
	v5 =	vadd.s32 $0xFFFF3800, v12  }
0x312: {  	v17 =	vld [tilespmem:s26+$0xFFFFFE00];
	vm4 =	vgt.s32 v7, $0xC7FF;
	v18 =	vadd.s32 $0xFFFF3800, v7;
	v12 =	vsel vm3, v5, v12  }
0x313: {  	v7 =	vsel vm4, v18, v7;
	vm5 =	vgt.s32 v8, $0xC7FF;
	v18 =	vadd.s32 $0xFFFF3800, v8;
	v5 =	vld [tilespmem:s22+$0xFFFFFE60]  }
0x314: {  	s25 =	sadd.s32 $0x4, s25;
	v8 =	vsel vm5, v18, v8;
	vm6 =	vgt.s32 v14, $0xC7FF;
	v18 =	vadd.s32 $0xFFFF3800, v14;
	v13 =	vld.idx.msk [tilespmem:v13+s5+$0x0], $0xffff  }
0x315: {  	p0 =	slt.u32 s25, $0x60;
	v14 =	vsel vm6, v18, v14;
	vm7 =	vgt.s32 v9, $0xC7FF;
	v18 =	vadd.s32 $0xFFFF3800, v9;
	v6 =	vld.idx.msk [tilespmem:v6+s5+$0x0], $0xffff  }
0x316: {  	v9 =	vsel vm7, v18, v9;
	vm8 =	vgt.s32 v15, $0xC7FF;
	v18 =	vadd.s32 $0xFFFF3800, v15;
	v16 =	vld.idx.msk [tilespmem:v16+s5+$0x0], $0xffff  }
0x317: {  	vm9 =	vgt.s32 v17, $0xC7FF;
	v19 =	vadd.s32 $0xFFFF3800, v17;
	v15 =	vsel vm8, v18, v15;
	v12 =	vld.idx.msk [tilespmem:v12+s5+$0x0], $0xffff  }
0x318: {  	v17 =	vsel vm9, v19, v17;
	v18 =	vsel vm9, $0x10, v0;
	v7 =	vld.idx.msk [tilespmem:v7+s5+$0x0], $0xffff;
	v19 =	vsel vm4, $0x10, v0  }
0x319: {  	v20 =	vsel vm5, $0x10, v0;
	v21 =	vsel vm6, $0x10, v0;
	v22 =	vsel vm7, $0x10, v0;
	v8 =	vld.idx.msk [tilespmem:v8+s5+$0x0], $0xffff  }
0x31a: {  	v24 =	vsel vm0, $0x10, v0;
	v25 =	vsel vm2, $0x10, v0;
	v23 =	vsel vm8, $0x10, v0;
	v14 =	vld.idx.msk [tilespmem:v14+s5+$0x0], $0xffff  }
0x31b: {  	v10 =	vmul.f32 v10, v11;
	v13 =	vshra.s32 v13, v24;
	v6 =	vshra.s32 v6, v25;
	v9 =	vld.idx.msk [tilespmem:v9+s5+$0x0], $0xffff  }
0x31c: {  	v24 =	vsel vm3, $0x10, v0;
	v13 =	vshll.u32 v13, $0x10;
	v11 =	vld.idx.msk [tilespmem:v15+s5+$0x0], $0xffff;
	v15 =	vsel vm1, $0x10, v0  }
0x31d: {  	v6 =	vshll.u32 v6, $0x10;
	v12 =	vshra.s32 v12, v24;
	v17 =	vld.idx.msk [tilespmem:v17+s5+$0x0], $0xffff;
	[tilespmem:s23+$0x50] =	vst v10;
	v10 =	vshra.s32 v16, v15  }
0x31e: {  	v13 =	vmul.f32 v6, v13;
	v12 =	vshll.u32 v12, $0x10;
	v6 =	vld [tilespmem:s22+$0xFFFFFEE0];
	v10 =	vshll.u32 v10, $0x10  }
0x31f: {  	v15 =	vshra.s32 v7, v19;
	s23 =	sadd.s32 $0x200, s23;
	v8 =	vshra.s32 v8, v20;
	v7 =	vld [tilespmem:s22+$0xFFFFFF60];
	v10 =	vmul.f32 v12, v10  }
0x320: {  	v12 =	vshll.u32 v15, $0x10;
	v15 =	vshll.u32 v8, $0x10;
	v14 =	vshra.s32 v14, v21;
	[tilespmem:s23+$0x80] =	vst v13;
	v8 =	vld [tilespmem:s22+$0xFFFFFFE0]  }
0x321: {  	vm0 =	vgt.s32 v5, $0xC7FF;
	v13 =	vshll.u32 v14, $0x10;
	v9 =	vshra.s32 v9, v22;
	v14 =	vld [tilespmem:s26+$0x110];
	[tilespmem:s24+$0xE0] =	vst v10  }
0x322: {  	v10 =	vmul.f32 v13, v15;
	v13 =	vshll.u32 v9, $0x10;
	v9 =	vshra.s32 v11, v23;
	v11 =	vld [tilespmem:s22+$0x170]  }
0x323: {  	v15 =	vshra.s32 v17, v18;
	v16 =	vshll.u32 v9, $0x10;
	v9 =	vadd.s32 $0xFFFF3800, v5;
	v17 =	vld [tilespmem:s22+$0x1F0]  }
0x324: {  	v15 =	vshll.u32 v15, $0x10;
	vm1 =	vgt.s32 v6, $0xC7FF;
	[tilespmem:s23+$0xFFFFFF80] =	vst v10;
	v10 =	vmul.f32 v16, v13;
	v13 =	vld [tilespmem:s26+$0x190]  }
0x325: {  	v12 =	vmul.f32 v12, v15;
	v16 =	vadd.s32 $0xFFFF3800, v6;
	vm2 =	vgt.s32 v7, $0xC7FF;
	v15 =	vld [tilespmem:s26+$0xFFFFFF10]  }
0x326: {  	v19 =	vadd.s32 $0xFFFF3800, v7;
	v18 =	vld [tilespmem:s26+$0xFFFFFF90];
	[tilespmem:s23+$0x0] =	vst v10;
	vm3 =	vgt.s32 v14, $0xC7FF;
	v10 =	vadd.s32 $0xFFFF3800, v14  }
0x327: {  	[tilespmem:s23+$0xFFFFFF00] =	vst v12;
	v12 =	vld [tilespmem:s26+$0x10];
	v10 =	vsel vm3, v10, v14;
	vm4 =	vgt.s32 v11, $0xC7FF;
	v14 =	vadd.s32 $0xFFFF3800, v11  }
0x328: {  	v20 =	vld [tilespmem:s26+$0xFFFFFE10];
	v11 =	vsel vm4, v14, v11;
	vm5 =	vgt.s32 v17, $0xC7FF;
	v14 =	vadd.s32 $0xFFFF3800, v17  }
0x329: {  	v21 =	vld [tilespmem:s26+$0xFFFFFE90];
	vm6 =	vgt.s32 v13, $0xC7FF;
	v22 =	vadd.s32 $0xFFFF3800, v13;
	v14 =	vsel vm5, v14, v17  }
0x32a: {  	vm7 =	vgt.s32 v15, $0xC7FF;
	v17 =	vadd.s32 $0xFFFF3800, v15;
	v23 =	vld [tilespmem:s26+$0x90];
	v13 =	vsel vm6, v22, v13  }
0x32b: {  	v15 =	vsel vm7, v17, v15;
	vm8 =	vgt.s32 v18, $0xC7FF;
	v17 =	vadd.s32 $0xFFFF3800, v18;
	v22 =	vld [tilespmem:s22+$0x60]  }
0x32c: {  	v17 =	vsel vm8, v17, v18;
	vm9 =	vgt.s32 v12, $0xC7FF;
	v18 =	vadd.s32 $0xFFFF3800, v12;
	v10 =	vld.idx.msk [tilespmem:v10+s5+$0x0], $0xffff  }
0x32d: {  	vm10 =	vgt.s32 v20, $0xC7FF;
	v24 =	vadd.s32 $0xFFFF3800, v20;
	v12 =	vsel vm9, v18, v12;
	v11 =	vld.idx.msk [tilespmem:v11+s5+$0x0], $0xffff  }
0x32e: {  	v18 =	vsel vm10, v24, v20;
	vm11 =	vgt.s32 v21, $0xC7FF;
	v20 =	vadd.s32 $0xFFFF3800, v21;
	v14 =	vld.idx.msk [tilespmem:v14+s5+$0x0], $0xffff  }
0x32f: {  	v20 =	vsel vm11, v20, v21;
	vm12 =	vgt.s32 v23, $0xC7FF;
	v21 =	vadd.s32 $0xFFFF3800, v23;
	v13 =	vld.idx.msk [tilespmem:v13+s5+$0x0], $0xffff  }
0x330: {  	v24 =	vsel vm10, $0x10, v0;
	v25 =	vsel vm11, $0x10, v0;
	v15 =	vld.idx.msk [tilespmem:v15+s5+$0x0], $0xffff;
	v21 =	vsel vm12, v21, v23  }
0x331: {  	v26 =	vsel vm8, $0x10, v0;
	v27 =	vsel vm9, $0x10, v0;
	v23 =	vsel vm7, $0x10, v0;
	v17 =	vld.idx.msk [tilespmem:v17+s5+$0x0], $0xffff  }
0x332: {  	v29 =	vsel vm3, $0x10, v0;
	vm3 =	vgt.s32 v8, $0xC7FF;
	v28 =	vsel vm12, $0x10, v0;
	v12 =	vld.idx.msk [tilespmem:v12+s5+$0x0], $0xffff  }
0x333: {  	v31 =	vsel vm4, $0x10, v0;
	v32 =	vsel vm5, $0x10, v0;
	v30 =	vsel vm6, $0x10, v0;
	v18 =	vld.idx.msk [tilespmem:v18+s5+$0x0], $0xffff  }
0x334: {  	v10 =	vshra.s32 v10, v29;
	v11 =	vshra.s32 v11, v31;
	v14 =	vshra.s32 v14, v32;
	v20 =	vld.idx.msk [tilespmem:v20+s5+$0x0], $0xffff  }
0x335: {  	v11 =	vshll.u32 v11, $0x10;
	v13 =	vshra.s32 v13, v30;
	v14 =	vshll.u32 v14, $0x10;
	v21 =	vld.idx.msk [tilespmem:v21+s5+$0x0], $0xffff  }
0x336: {  	v10 =	vshll.u32 v10, $0x10;
	v13 =	vshll.u32 v13, $0x10;
	v11 =	vmul.f32 v14, v11;
	v29 =	vld [tilespmem:s22+$0xE0]  }
0x337: {  	v14 =	vshra.s32 v15, v23;
	v15 =	vshra.s32 v17, v26;
	v10 =	vmul.f32 v13, v10;
	v4 =	vld.idx.msk [tilespmem:v4+s5+$0x0], $0xffff  }
0x338: {  	v13 =	vshll.u32 v14, $0x10;
	v14 =	vshll.u32 v15, $0x10;
	v12 =	vshra.s32 v12, v27;
	[tilespmem:s24+$0xF0] =	vst v11  }
0x339: {  	v11 =	vshra.s32 v18, v24;
	v13 =	vmul.f32 v14, v13;
	v12 =	vshll.u32 v12, $0x10;
	[tilespmem:s23+$0x90] =	vst v10  }
0x33a: {  	v15 =	vadd.s32 $0xFFFF3800, v8;
	v10 =	vshll.u32 v11, $0x10;
	v11 =	vshra.s32 v20, v25;
	v14 =	vld [tilespmem:s26+$0x120]  }
0x33b: {  	vm5 =	vgt.s32 v22, $0xC7FF;
	v11 =	vshll.u32 v11, $0x10;
	[tilespmem:s23+$0xFFFFFF90] =	vst v13;
	v13 =	vshra.s32 v21, v28;
	v17 =	vld [tilespmem:s26+$0x1A0]  }
0x33c: {  	v18 =	vadd.s32 $0xFFFF3800, v22;
	v10 =	vmul.f32 v11, v10;
	v11 =	vld [tilespmem:s26+$0xFFFFFF20];
	v13 =	vshll.u32 v13, $0x10  }
0x33d: {  	vm4 =	vgt.s32 v29, $0xC7FF;
	v20 =	vld [tilespmem:s26+$0xFFFFFFA0];
	v12 =	vmul.f32 v13, v12;
	v13 =	vadd.s32 $0xFFFF3800, v29  }
0x33e: {  	v5 =	vsel vm0, v9, v5;
	v6 =	vsel vm1, v16, v6;
	v7 =	vsel vm2, v19, v7;
	[tilespmem:s23+$0xFFFFFF10] =	vst v10  }
0x33f: {  	v8 =	vsel vm3, v15, v8;
	v9 =	vld [tilespmem:s26+$0xFFFFFE20];
	[tilespmem:s23+$0x10] =	vst v12;
	vm6 =	vgt.s32 v14, $0xC7FF;
	v10 =	vadd.s32 $0xFFFF3800, v14  }
0x340: {  	v12 =	vld [tilespmem:s26+$0xFFFFFEA0];
	v10 =	vsel vm6, v10, v14;
	vm7 =	vgt.s32 v17, $0xC7FF;
	v14 =	vadd.s32 $0xFFFF3800, v17  }
0x341: {  	vm8 =	vgt.s32 v11, $0xC7FF;
	v15 =	vadd.s32 $0xFFFF3800, v11;
	v16 =	vld [tilespmem:s26+$0x20];
	v14 =	vsel vm7, v14, v17  }
0x342: {  	v11 =	vsel vm8, v15, v11;
	vm9 =	vgt.s32 v20, $0xC7FF;
	v15 =	vadd.s32 $0xFFFF3800, v20;
	v17 =	vld [tilespmem:s26+$0xA0]  }
0x343: {  	v19 =	vsel vm8, $0x10, v0;
	v15 =	vsel vm9, v15, v20;
	v20 =	vsel vm9, $0x10, v0;
	v5 =	vld.idx.msk [tilespmem:v5+s5+$0x0], $0xffff  }
0x344: {  	v18 =	vsel vm5, v18, v22;
	vm8 =	vgt.s32 v9, $0xC7FF;
	v21 =	vadd.s32 $0xFFFF3800, v9;
	v6 =	vld.idx.msk [tilespmem:v6+s5+$0x0], $0xffff  }
0x345: {  	v9 =	vsel vm8, v21, v9;
	vm9 =	vgt.s32 v12, $0xC7FF;
	v21 =	vadd.s32 $0xFFFF3800, v12;
	v10 =	vld.idx.msk [tilespmem:v10+s5+$0x0], $0xffff  }
0x346: {  	v12 =	vsel vm9, v21, v12;
	vm10 =	vgt.s32 v16, $0xC7FF;
	v21 =	vadd.s32 $0xFFFF3800, v16;
	v14 =	vld.idx.msk [tilespmem:v14+s5+$0x0], $0xffff  }
0x347: {  	v11 =	vld.idx.msk [tilespmem:v11+s5+$0x0], $0xffff;
	v16 =	vsel vm10, v21, v16;
	vm11 =	vgt.s32 v17, $0xC7FF;
	v21 =	vadd.s32 $0xFFFF3800, v17  }
0x348: {  	v22 =	vsel vm8, $0x10, v0;
	v23 =	vsel vm9, $0x10, v0;
	v15 =	vld.idx.msk [tilespmem:v15+s5+$0x0], $0xffff;
	v17 =	vsel vm11, v21, v17  }
0x349: {  	v13 =	vsel vm4, v13, v29;
	v21 =	vsel vm10, $0x10, v0;
	v24 =	vsel vm11, $0x10, v0;
	v7 =	vld.idx.msk [tilespmem:v7+s5+$0x0], $0xffff  }
0x34a: {  	v26 =	vsel vm1, $0x10, v0;
	v27 =	vsel vm2, $0x10, v0;
	v25 =	vsel vm0, $0x10, v0;
	v9 =	vld.idx.msk [tilespmem:v9+s5+$0x0], $0xffff  }
0x34b: {  	v30 =	vsel vm3, $0x10, v0;
	v28 =	vsel vm6, $0x10, v0;
	v29 =	vsel vm7, $0x10, v0;
	v12 =	vld.idx.msk [tilespmem:v12+s5+$0x0], $0xffff  }
0x34c: {  	v10 =	vshra.s32 v10, v28;
	v28 =	vsel vm5, $0x10, v0;
	v14 =	vshra.s32 v14, v29;
	v16 =	vld.idx.msk [tilespmem:v16+s5+$0x0], $0xffff  }
0x34d: {  	v10 =	vshll.u32 v10, $0x10;
	v11 =	vshra.s32 v11, v19;
	v14 =	vshll.u32 v14, $0x10;
	v17 =	vld.idx.msk [tilespmem:v17+s5+$0x0], $0xffff  }
0x34e: {  	v11 =	vshll.u32 v11, $0x10;
	v15 =	vshra.s32 v15, v20;
	v10 =	vmul.f32 v14, v10;
	v8 =	vld.idx.msk [tilespmem:v8+s5+$0x0], $0xffff  }
0x34f: {  	v5 =	vshra.s32 v5, v25;
	v14 =	vshll.u32 v15, $0x10;
	v15 =	vld.idx.msk [tilespmem:v18+s5+$0x0], $0xffff;
	v18 =	vsel vm4, $0x10, v0  }
0x350: {  	v5 =	vshll.u32 v5, $0x10;
	v9 =	vshra.s32 v9, v22;
	v11 =	vmul.f32 v14, v11;
	[tilespmem:s23+$0xA0] =	vst v10;
	v10 =	vld.idx.msk [tilespmem:v13+s5+$0x0], $0xffff  }
0x351: {  	v6 =	vshra.s32 v6, v26;
	v9 =	vshll.u32 v9, $0x10;
	v12 =	vshra.s32 v12, v23;
	v13 =	vld [tilespmem:s26+$0x130]  }
0x352: {  	v7 =	vshra.s32 v7, v27;
	v12 =	vshll.u32 v12, $0x10;
	[tilespmem:s23+$0xFFFFFFA0] =	vst v11;
	v11 =	vshra.s32 v16, v21;
	v14 =	vld [tilespmem:s26+$0x1B0]  }
0x353: {  	v9 =	vmul.f32 v12, v9;
	v16 =	vshra.s32 v17, v24;
	v12 =	vld [tilespmem:s26+$0xFFFFFF30];
	v11 =	vshll.u32 v11, $0x10  }
0x354: {  	v6 =	vshll.u32 v6, $0x10;
	v16 =	vshll.u32 v16, $0x10;
	v8 =	vshra.s32 v8, v30;
	v17 =	vld [tilespmem:s26+$0xFFFFFFB0]  }
0x355: {  	v7 =	vshll.u32 v7, $0x10;
	[tilespmem:s23+$0xFFFFFF20] =	vst v9;
	v9 =	vmul.f32 v16, v11;
	v11 =	vshra.s32 v15, v28  }
0x356: {  	v10 =	vshra.s32 v10, v18;
	v15 =	vld [tilespmem:s26+$0xFFFFFE30];
	vm0 =	vgt.s32 v13, $0xC7FF;
	v16 =	vadd.s32 $0xFFFF3800, v13  }
0x357: {  	v18 =	vld [tilespmem:s26+$0xFFFFFEB0];
	[tilespmem:s23+$0x20] =	vst v9;
	v9 =	vsel vm0, v16, v13;
	vm1 =	vgt.s32 v14, $0xC7FF;
	v13 =	vadd.s32 $0xFFFF3800, v14  }
0x358: {  	vm2 =	vgt.s32 v12, $0xC7FF;
	v16 =	vadd.s32 $0xFFFF3800, v12;
	v19 =	vld [tilespmem:s26+$0x30];
	v13 =	vsel vm1, v13, v14  }
0x359: {  	v12 =	vsel vm2, v16, v12;
	vm3 =	vgt.s32 v17, $0xC7FF;
	v14 =	vadd.s32 $0xFFFF3800, v17;
	v16 =	vld [tilespmem:s26+$0xB0]  }
0x35a: {  	v20 =	vsel vm2, $0x10, v0;
	v14 =	vsel vm3, v14, v17;
	v17 =	vsel vm3, $0x10, v0  }
0x35b: {  	v8 =	vshll.u32 v8, $0x10;
	vm2 =	vgt.s32 v15, $0xC7FF;
	v21 =	vadd.s32 $0xFFFF3800, v15  }
0x35c: {  	v15 =	vsel vm2, v21, v15;
	vm3 =	vgt.s32 v18, $0xC7FF;
	v21 =	vadd.s32 $0xFFFF3800, v18;
	v9 =	vld.idx.msk [tilespmem:v9+s5+$0x0], $0xffff  }
0x35d: {  	v18 =	vsel vm3, v21, v18;
	vm4 =	vgt.s32 v19, $0xC7FF;
	v21 =	vadd.s32 $0xFFFF3800, v19;
	v13 =	vld.idx.msk [tilespmem:v13+s5+$0x0], $0xffff  }
0x35e: {  	v12 =	vld.idx.msk [tilespmem:v12+s5+$0x0], $0xffff;
	v19 =	vsel vm4, v21, v19;
	vm5 =	vgt.s32 v16, $0xC7FF;
	v21 =	vadd.s32 $0xFFFF3800, v16  }
0x35f: {  	v22 =	vsel vm2, $0x10, v0;
	v23 =	vsel vm3, $0x10, v0;
	v14 =	vld.idx.msk [tilespmem:v14+s5+$0x0], $0xffff;
	v16 =	vsel vm5, v21, v16  }
0x360: {  	v11 =	vshll.u32 v11, $0x10;
	v21 =	vsel vm4, $0x10, v0;
	v24 =	vsel vm5, $0x10, v0  }
0x361: {  	v5 =	vmul.f32 v6, v5;
	v6 =	vmul.f32 v8, v7;
	v7 =	vshll.u32 v10, $0x10;
	v15 =	vld.idx.msk [tilespmem:v15+s5+$0x0], $0xffff  }
0x362: {  	v10 =	vsel vm0, $0x10, v0;
	v7 =	vmul.f32 v7, v11;
	v8 =	vld.idx.msk [tilespmem:v18+s5+$0x0], $0xffff;
	v18 =	vsel vm1, $0x10, v0  }
0x363: {  	v9 =	vshra.s32 v9, v10;
	v11 =	vld.idx.msk [tilespmem:v19+s5+$0x0], $0xffff;
	v10 =	vshra.s32 v13, v18;
	[tilespmem:s24+$0xFFFFFF60] =	vst v5  }
0x364: {  	v9 =	vshll.u32 v9, $0x10;
	v5 =	vshra.s32 v12, v20;
	v12 =	vld.idx.msk [tilespmem:v16+s5+$0x0], $0xffff;
	v10 =	vshll.u32 v10, $0x10;
	[tilespmem:s24+$0xFFFFFFE0] =	vst v6  }
0x365: {  	v5 =	vshll.u32 v5, $0x10;
	v6 =	vshra.s32 v14, v17;
	v9 =	vmul.f32 v10, v9;
	v10 =	vld [tilespmem:s22+$0xFFFFFE70];
	[tilespmem:s24+$0x60] =	vst v7  }
0x366: {  	v1 =	vshra.s32 v3, v1;
	v2 =	vshra.s32 v4, v2;
	v6 =	vshll.u32 v6, $0x10;
	v7 =	vld [tilespmem:s22+$0xFFFFFEF0]  }
0x367: {  	v1 =	vshll.u32 v1, $0x10;
	v3 =	vshra.s32 v15, v22;
	v4 =	vmul.f32 v6, v5;
	[tilespmem:s23+$0xB0] =	vst v9;
	v5 =	vld [tilespmem:s22+$0xFFFFFF70]  }
0x368: {  	v2 =	vshll.u32 v2, $0x10;
	v3 =	vshll.u32 v3, $0x10;
	v6 =	vshra.s32 v8, v23;
	v8 =	vld [tilespmem:s26+$0x140]  }
0x369: {  	v1 =	vmul.f32 v2, v1;
	v6 =	vshll.u32 v6, $0x10;
	[tilespmem:s23+$0xFFFFFFB0] =	vst v4;
	v4 =	vshra.s32 v11, v21;
	v9 =	vld [tilespmem:s26+$0x1C0]  }
0x36a: {  	v2 =	vmul.f32 v6, v3;
	v6 =	vshra.s32 v12, v24;
	v3 =	vld [tilespmem:s26+$0xFFFFFF40];
	v4 =	vshll.u32 v4, $0x10  }
0x36b: {  	v6 =	vshll.u32 v6, $0x10;
	vm0 =	vgt.s32 v10, $0xC7FF;
	v12 =	vadd.s32 $0xFFFF3800, v10;
	v11 =	vld [tilespmem:s26+$0xFFFFFFC0];
	[tilespmem:s21+$0x70] =	vst v1;
	s21 =	smov.u32 s24;
	s24 =	smov.u32 s23  }
0x36c: {  	v1 =	vmul.f32 v6, v4;
	vm1 =	vgt.s32 v7, $0xC7FF;
	[tilespmem:s23+$0xFFFFFF30] =	vst v2;
	v2 =	vadd.s32 $0xFFFF3800, v7;
	v4 =	vld [tilespmem:s22+$0xFFFFFFF0]  }
0x36d: {  	vm2 =	vgt.s32 v5, $0xC7FF;
	v6 =	vld [tilespmem:s26+$0xFFFFFE40];
	vm3 =	vgt.s32 v8, $0xC7FF;
	v13 =	vadd.s32 $0xFFFF3800, v8  }
0x36e: {  	v14 =	vld [tilespmem:s26+$0xFFFFFEC0];
	[tilespmem:s23+$0x30] =	vst v1;
	v1 =	vsel vm3, v13, v8;
	vm6 =	vgt.s32 v9, $0xC7FF;
	v8 =	vadd.s32 $0xFFFF3800, v9  }
0x36f: {  	vm4 =	vgt.s32 v3, $0xC7FF;
	v13 =	vadd.s32 $0xFFFF3800, v3;
	v15 =	vld [tilespmem:s26+$0x40];
	v8 =	vsel vm6, v8, v9  }
0x370: {  	v3 =	vsel vm4, v13, v3;
	vm5 =	vgt.s32 v11, $0xC7FF;
	v9 =	vadd.s32 $0xFFFF3800, v11;
	v13 =	vld [tilespmem:s26+$0xC0]  }
0x371: {  	v16 =	vsel vm4, $0x10, v0;
	v9 =	vsel vm5, v9, v11;
	v11 =	vsel vm5, $0x10, v0;
	v17 =	vld [tilespmem:s22+$0x70]  }
0x372: {  	v19 =	vadd.s32 $0xFFFF3800, v5;
	vm4 =	vgt.s32 v6, $0xC7FF;
	v18 =	vadd.s32 $0xFFFF3800, v6;
	v20 =	vld [tilespmem:s22+$0xF0];
	s22 =	smov.u32 s26  }
0x373: {  	v6 =	vsel vm4, v18, v6;
	vm5 =	vgt.s32 v14, $0xC7FF;
	v18 =	vadd.s32 $0xFFFF3800, v14;
	v1 =	vld.idx.msk [tilespmem:v1+s5+$0x0], $0xffff  }
0x374: {  	v14 =	vsel vm5, v18, v14;
	vm7 =	vgt.s32 v15, $0xC7FF;
	v18 =	vadd.s32 $0xFFFF3800, v15;
	v8 =	vld.idx.msk [tilespmem:v8+s5+$0x0], $0xffff  }
0x375: {  	v3 =	vld.idx.msk [tilespmem:v3+s5+$0x0], $0xffff;
	v15 =	vsel vm7, v18, v15;
	vm8 =	vgt.s32 v13, $0xC7FF;
	v18 =	vadd.s32 $0xFFFF3800, v13  }
0x376: {  	v21 =	vsel vm4, $0x10, v0;
	v22 =	vsel vm5, $0x10, v0;
	v9 =	vld.idx.msk [tilespmem:v9+s5+$0x0], $0xffff;
	v13 =	vsel vm8, v18, v13  }
0x377: {  	vm5 =	vgt.s32 v4, $0xC7FF;
	v18 =	vsel vm7, $0x10, v0;
	v23 =	vsel vm8, $0x10, v0  }
0x378: {  	v24 =	vadd.s32 $0xFFFF3800, v4;
	vm4 =	vgt.s32 v17, $0xC7FF;
	v25 =	vadd.s32 $0xFFFF3800, v17;
	v6 =	vld.idx.msk [tilespmem:v6+s5+$0x0], $0xffff  }
0x379: {  	v26 =	vsel vm3, $0x10, v0;
	v27 =	vsel vm6, $0x10, v0;
	vm3 =	vgt.s32 v20, $0xC7FF;
	v14 =	vld.idx.msk [tilespmem:v14+s5+$0x0], $0xffff  }
0x37a: {  	v1 =	vshra.s32 v1, v26;
	v26 =	vadd.s32 $0xFFFF3800, v20;
	v8 =	vshra.s32 v8, v27;
	v15 =	vld.idx.msk [tilespmem:v15+s5+$0x0], $0xffff  }
0x37b: {  	v1 =	vshll.u32 v1, $0x10;
	v3 =	vshra.s32 v3, v16;
	v8 =	vshll.u32 v8, $0x10;
	v13 =	vld.idx.msk [tilespmem:v13+s5+$0x0], $0xffff  }
0x37c: {  	v3 =	vshll.u32 v3, $0x10;
	v9 =	vshra.s32 v9, v11;
	v1 =	vmul.f32 v8, v1  }
0x37d: {  	v2 =	vsel vm1, v2, v7;
	v8 =	vshll.u32 v9, $0x10;
	v9 =	vsel vm0, v12, v10  }
0x37e: {  	v6 =	vshra.s32 v6, v21;
	v3 =	vmul.f32 v8, v3;
	[tilespmem:s23+$0xC0] =	vst v1;
	v1 =	vsel vm2, v19, v5  }
0x37f: {  	v8 =	vsel vm5, v24, v4;
	v5 =	vshll.u32 v6, $0x10;
	v6 =	vshra.s32 v14, v22;
	v7 =	vld [tilespmem:s26+$0x150]  }
0x380: {  	v21 =	vsel vm4, v25, v17;
	v4 =	vshll.u32 v6, $0x10;
	[tilespmem:s23+$0xFFFFFFC0] =	vst v3;
	v3 =	vshra.s32 v15, v18;
	v6 =	vld [tilespmem:s26+$0x1D0]  }
0x381: {  	v5 =	vmul.f32 v4, v5;
	v4 =	vshra.s32 v13, v23;
	v10 =	vld [tilespmem:s26+$0xFFFFFF50];
	v3 =	vshll.u32 v3, $0x10  }
0x382: {  	v14 =	vsel vm0, $0x10, v0;
	v12 =	vshll.u32 v4, $0x10;
	v4 =	vsel vm3, v26, v20;
	v11 =	vld [tilespmem:s26+$0xFFFFFFD0]  }
0x383: {  	v17 =	vsel vm2, $0x10, v0;
	v15 =	vsel vm1, $0x10, v0;
	v3 =	vmul.f32 v12, v3;
	[tilespmem:s23+$0xFFFFFF40] =	vst v5;
	v9 =	vld.idx.msk [tilespmem:v9+s5+$0x0], $0xffff  }
0x384: {  	v5 =	vsel vm5, $0x10, v0;
	v12 =	vld [tilespmem:s26+$0xFFFFFE50];
	vm0 =	vgt.s32 v7, $0xC7FF;
	v13 =	vadd.s32 $0xFFFF3800, v7  }
0x385: {  	v16 =	vld [tilespmem:s26+$0xFFFFFED0];
	[tilespmem:s23+$0x40] =	vst v3;
	v3 =	vsel vm0, v13, v7;
	vm1 =	vgt.s32 v6, $0xC7FF;
	v7 =	vadd.s32 $0xFFFF3800, v6  }
0x386: {  	vm2 =	vgt.s32 v10, $0xC7FF;
	v13 =	vadd.s32 $0xFFFF3800, v10;
	v18 =	vld [tilespmem:s26+$0x50];
	v6 =	vsel vm1, v7, v6  }
0x387: {  	v7 =	vsel vm2, v13, v10;
	vm5 =	vgt.s32 v11, $0xC7FF;
	v10 =	vadd.s32 $0xFFFF3800, v11;
	v19 =	vld [tilespmem:s26+$0xD0]  }
0x388: {  	v20 =	vsel vm2, $0x10, v0;
	v10 =	vsel vm5, v10, v11;
	v22 =	vsel vm5, $0x10, v0;
	v23 =	vld.idx.msk [tilespmem:v2+s5+$0x0], $0xffff  }
0x389: {  	vm2 =	vgt.s32 v12, $0xC7FF;
	v2 =	vadd.s32 $0xFFFF3800, v12;
	v24 =	vld.idx.msk [tilespmem:v1+s5+$0x0], $0xffff;
	v1 =	vsel vm4, $0x10, v0  }
0x38a: {  	v25 =	vsel vm2, v2, v12;
	vm4 =	vgt.s32 v16, $0xC7FF;
	v2 =	vadd.s32 $0xFFFF3800, v16;
	v3 =	vld.idx.msk [tilespmem:v3+s5+$0x0], $0xffff  }
0x38b: {  	v26 =	vsel vm4, v2, v16;
	vm5 =	vgt.s32 v18, $0xC7FF;
	v2 =	vadd.s32 $0xFFFF3800, v18;
	v27 =	vld.idx.msk [tilespmem:v6+s5+$0x0], $0xffff  }
0x38c: {  	v28 =	vld.idx.msk [tilespmem:v7+s5+$0x0], $0xffff;
	v18 =	vsel vm5, v2, v18;
	vm6 =	vgt.s32 v19, $0xC7FF;
	v2 =	vadd.s32 $0xFFFF3800, v19  }
0x38d: {  	v13 =	vsel vm2, $0x10, v0;
	v12 =	vsel vm4, $0x10, v0;
	v29 =	vld.idx.msk [tilespmem:v10+s5+$0x0], $0xffff;
	v19 =	vsel vm6, v2, v19  }
0x38e: {  	v11 =	vsel vm5, $0x10, v0;
	v10 =	vsel vm6, $0x10, v0;
	v2 =	vsel vm3, $0x10, v0;
	v6 =	vld.idx.msk [tilespmem:v8+s5+$0x0], $0xffff  }
.Ltmp6:
0x38f: {  	v8 =	vshra.s32 v9, v14;
	v9 =	vshra.s32 v23, v15;
	v7 =	vshra.s32 v24, v17;
	v16 =	vld.idx.msk [tilespmem:v25+s5+$0x0], $0xffff;
	(pc) =	sbr.rel @p0 .LBB2_6-.Ltmp6, $4  }
0x390: {  	v15 =	vsel vm0, $0x10, v0;
	v23 =	vsel vm1, $0x10, v0;
	v8 =	vshll.u32 v8, $0x10;
	v17 =	vld.idx.msk [tilespmem:v26+s5+$0x0], $0xffff  }
0x391: {  	v3 =	vshra.s32 v3, v15;
	v9 =	vshll.u32 v9, $0x10;
	v14 =	vld.idx.msk [tilespmem:v18+s5+$0x0], $0xffff;
	v18 =	vshra.s32 v27, v23  }
0x392: {  	v3 =	vshll.u32 v3, $0x10;
	v20 =	vshra.s32 v28, v20;
	v15 =	vld.idx.msk [tilespmem:v19+s5+$0x0], $0xffff;
	v23 =	vshll.u32 v18, $0x10  }
0x393: {  	s26 =	sadd.s32 $0x400, s26;
	v18 =	vshll.u32 v20, $0x10;
	v19 =	vshra.s32 v29, v22;
	v20 =	vmul.f32 v23, v3;
	v3 =	vld.idx.msk [tilespmem:v21+s5+$0x0], $0xffff  }
0x394: {  	_ = 	snop  }
0x395: {  	v13 =	vshra.s32 v16, v13;
	v12 =	vshra.s32 v17, v12  }
0x396: {  	v13 =	vshll.u32 v13, $0x10;
	v12 =	vshll.u32 v12, $0x10  }
0x397: {  	[tilespmem:s23+$0xD0] =	vst v20;
	v12 =	vmul.f32 v12, v13  }
0x398: {  	v43 =	vshll.u32 v19, $0x10;
	v41 =	vld [tilespmem:s22+$0x160]  }
0x399: {  	v42 =	vld [tilespmem:s22+$0x1E0];
	v11 =	vshra.s32 v14, v11;
	v13 =	vmul.f32 v43, v18;
	v10 =	vshra.s32 v15, v10;
	[tilespmem:s23+$0xFFFFFF50] =	vst v12  }
0x39a: {  	v11 =	vshll.u32 v11, $0x10;
	v10 =	vshll.u32 v10, $0x10;
	v12 =	vld [tilespmem:s22+$0xFFFFFE60]  }
0x39b: {  	[tilespmem:s23+$0xFFFFFFD0] =	vst v13;
	v10 =	vmul.f32 v10, v11;
	v45 =	vld [tilespmem:s22+$0xFFFFFEE0]  }
0x39c: {  	v47 =	vld [tilespmem:s22+$0xFFFFFF60]  }
0x39d: {  	v48 =	vld [tilespmem:s22+$0xFFFFFFE0];
	vm0 =	vgt.s32 v41, $0xC7FF;
	v44 =	vadd.s32 $0xFFFF3800, v41;
	[tilespmem:s23+$0x50] =	vst v10  }
0x39e: {  	vm2 =	vgt.s32 v42, $0xC7FF;
	v46 =	vadd.s32 $0xFFFF3800, v42;
	v13 =	vsel vm0, v44, v41;
	v49 =	vld [tilespmem:s22+$0x60]  }
0x39f: {  	v14 =	vsel vm2, v46, v42;
	v51 =	vld [tilespmem:s22+$0xE0];
	vm1 =	vgt.s32 v12, $0xC7FF;
	v50 =	vadd.s32 $0xFFFF3800, v12  }
0x3a0: {  	vm3 =	vgt.s32 v45, $0xC7FF;
	v52 =	vadd.s32 $0xFFFF3800, v45;
	v12 =	vsel vm1, v50, v12  }
0x3a1: {  	vm4 =	vgt.s32 v47, $0xC7FF;
	v53 =	vadd.s32 $0xFFFF3800, v47;
	v11 =	vsel vm3, v52, v45  }
0x3a2: {  	vm5 =	vgt.s32 v48, $0xC7FF;
	v54 =	vadd.s32 $0xFFFF3800, v48;
	v15 =	vsel vm4, v53, v47  }
0x3a3: {  	v10 =	vsel vm5, v54, v48;
	v13 =	vld.idx.msk [tilespmem:v13+s5+$0x0], $0xffff;
	vm6 =	vgt.s32 v49, $0xC7FF;
	v55 =	vadd.s32 $0xFFFF3800, v49  }
0x3a4: {  	v14 =	vld.idx.msk [tilespmem:v14+s5+$0x0], $0xffff;
	vm7 =	vgt.s32 v51, $0xC7FF;
	v56 =	vadd.s32 $0xFFFF3800, v51;
	v16 =	vsel vm6, v55, v49  }
0x3a5: {  	v17 =	vsel vm7, v56, v51;
	v12 =	vld.idx.msk [tilespmem:v12+s5+$0x0], $0xffff  }
0x3a6: {  	v11 =	vld.idx.msk [tilespmem:v11+s5+$0x0], $0xffff  }
0x3a7: {  	v57 =	vsel vm0, $0x10, v0;
	v15 =	vld.idx.msk [tilespmem:v15+s5+$0x0], $0xffff  }
0x3a8: {  	v58 =	vsel vm2, $0x10, v0;
	v60 =	vsel vm1, $0x10, v0;
	v61 =	vsel vm3, $0x10, v0;
	v10 =	vld.idx.msk [tilespmem:v10+s5+$0x0], $0xffff  }
0x3a9: {  	v62 =	vsel vm4, $0x10, v0;
	v13 =	vshra.s32 v13, v57;
	v14 =	vshra.s32 v14, v58;
	v59 =	vld.idx.msk [tilespmem:v16+s5+$0x0], $0xffff  }
0x3aa: {  	v63 =	vsel vm5, $0x10, v0;
	v13 =	vshll.u32 v13, $0x10;
	v14 =	vshll.u32 v14, $0x10;
	v17 =	vld.idx.msk [tilespmem:v17+s5+$0x0], $0xffff  }
0x3ab: {  	v13 =	vmul.f32 v14, v13;
	v12 =	vshra.s32 v12, v60;
	v11 =	vshra.s32 v11, v61  }
0x3ac: {  	v25 =	vsel vm6, $0x10, v0;
	v12 =	vshll.u32 v12, $0x10;
	v11 =	vshll.u32 v11, $0x10  }
0x3ad: {  	[tilespmem:s24+$0xE0] =	vst v13;
	v15 =	vshra.s32 v15, v62;
	v10 =	vshra.s32 v10, v63;
	v11 =	vmul.f32 v11, v12  }
0x3ae: {  	v26 =	vsel vm7, $0x10, v0;
	v24 =	vld [tilespmem:s22+$0x170];
	v27 =	vshll.u32 v15, $0x10;
	v10 =	vshll.u32 v10, $0x10  }
0x3af: {  	v20 =	vld [tilespmem:s22+$0x1F0];
	v14 =	vshra.s32 v59, v25;
	v12 =	vshra.s32 v17, v26;
	v10 =	vmul.f32 v10, v27;
	[tilespmem:s24+$0xFFFFFF60] =	vst v11  }
0x3b0: {  	v28 =	vshll.u32 v14, $0x10;
	v12 =	vshll.u32 v12, $0x10;
	v29 =	vld [tilespmem:s22+$0xFFFFFE70]  }
0x3b1: {  	v11 =	vmul.f32 v12, v28;
	[tilespmem:s24+$0xFFFFFFE0] =	vst v10;
	v31 =	vld [tilespmem:s22+$0xFFFFFEF0]  }
0x3b2: {  	v5 =	vshra.s32 v6, v5;
	v7 =	vshll.u32 v7, $0x10;
	v34 =	vld [tilespmem:s22+$0xFFFFFF70]  }
0x3b3: {  	v5 =	vshll.u32 v5, $0x10;
	v35 =	vld [tilespmem:s22+$0xFFFFFFF0];
	vm8 =	vgt.s32 v24, $0xC7FF;
	v30 =	vadd.s32 $0xFFFF3800, v24;
	[tilespmem:s24+$0x60] =	vst v11  }
0x3b4: {  	vm9 =	vgt.s32 v20, $0xC7FF;
	v33 =	vadd.s32 $0xFFFF3800, v20;
	v32 =	vsel vm8, v30, v24;
	v37 =	vld [tilespmem:s22+$0x70]  }
0x3b5: {  	v14 =	vsel vm9, v33, v20;
	v40 =	vld [tilespmem:s22+$0xF0];
	vm10 =	vgt.s32 v29, $0xC7FF;
	v39 =	vadd.s32 $0xFFFF3800, v29  }
0x3b6: {  	v4 =	vld.idx.msk [tilespmem:v4+s5+$0x0], $0xffff;
	vm11 =	vgt.s32 v31, $0xC7FF;
	v41 =	vadd.s32 $0xFFFF3800, v31;
	v13 =	vsel vm10, v39, v29  }
0x3b7: {  	vm12 =	vgt.s32 v34, $0xC7FF;
	v42 =	vadd.s32 $0xFFFF3800, v34;
	v10 =	vsel vm11, v41, v31  }
0x3b8: {  	vm13 =	vgt.s32 v35, $0xC7FF;
	v43 =	vadd.s32 $0xFFFF3800, v35;
	v15 =	vsel vm12, v42, v34  }
0x3b9: {  	v11 =	vsel vm13, v43, v35;
	v12 =	vld.idx.msk [tilespmem:v32+s5+$0x0], $0xffff;
	vm14 =	vgt.s32 v37, $0xC7FF;
	v44 =	vadd.s32 $0xFFFF3800, v37  }
0x3ba: {  	v14 =	vld.idx.msk [tilespmem:v14+s5+$0x0], $0xffff;
	vm15 =	vgt.s32 v40, $0xC7FF;
	v45 =	vadd.s32 $0xFFFF3800, v40;
	v17 =	vsel vm14, v44, v37  }
0x3bb: {  	v1 =	vshra.s32 v3, v1;
	v2 =	vshra.s32 v4, v2;
	v47 =	vsel vm15, v45, v40;
	v48 =	vld.idx.msk [tilespmem:v13+s5+$0x0], $0xffff  }
0x3bc: {  	v5 =	vmul.f32 v5, v7;
	v1 =	vshll.u32 v1, $0x10;
	v2 =	vshll.u32 v2, $0x10;
	v10 =	vld.idx.msk [tilespmem:v10+s5+$0x0], $0xffff  }
0x3bd: {  	v1 =	vmul.f32 v2, v1;
	v46 =	vmul.f32 v9, v8;
	v50 =	vld.idx.msk [tilespmem:v15+s5+$0x0], $0xffff  }
0x3be: {  	v36 =	vsel vm8, $0x10, v0;
	v38 =	vsel vm9, $0x10, v0;
	v2 =	vsel vm10, $0x10, v0;
	v3 =	vld.idx.msk [tilespmem:v11+s5+$0x0], $0xffff  }
0x3bf: {  	v53 =	vsel vm11, $0x10, v0;
	v54 =	vsel vm12, $0x10, v0;
	v55 =	vsel vm13, $0x10, v0;
	v52 =	vld.idx.msk [tilespmem:v17+s5+$0x0], $0xffff  }
0x3c0: {  	v56 =	vsel vm14, $0x10, v0;
	v12 =	vshra.s32 v12, v36;
	v49 =	vshra.s32 v14, v38;
	v8 =	vld.idx.msk [tilespmem:v47+s5+$0x0], $0xffff  }
0x3c1: {  	v57 =	vsel vm15, $0x10, v0;
	v12 =	vshll.u32 v12, $0x10;
	v7 =	vshll.u32 v49, $0x10  }
0x3c2: {  	v51 =	vmul.f32 v7, v12;
	v2 =	vshra.s32 v48, v2;
	v58 =	vshra.s32 v10, v53  }
0x3c3: {  	[tilespmem:s21+$0xFFFFFFF0] =	vst v5;
	v59 =	vshra.s32 v50, v54;
	v3 =	vshra.s32 v3, v55;
	v2 =	vshll.u32 v2, $0x10  }
0x3c4: {  	[tilespmem:s21+$0x70] =	vst v1;
	v60 =	vshll.u32 v58, $0x10;
	v6 =	vshll.u32 v59, $0x10;
	v3 =	vshll.u32 v3, $0x10  }
0x3c5: {  	s20 =	sshll.u32 s20, $0x5;
	[tilespmem:s21+$0xFFFFFF70] =	vst v46;
	v2 =	vmul.f32 v60, v2;
	v61 =	vshra.s32 v52, v56;
	v62 =	vshra.s32 v8, v57  }
.Ltmp7:
0x3c6: {  	s20 =	sor.u32 s6, s20;
	[tilespmem:s24+$0xF0] =	vst v51;
	v1 =	vmul.f32 v3, v6;
	v3 =	vshll.u32 v61, $0x10;
	v63 =	vshll.u32 v62, $0x10;
	(pc) =	sbr.rel .LBB2_8-.Ltmp7, $4  }
0x3c7: {  	s20 =	smul.u32 $0x640, s20;
	[tilespmem:s24+$0xFFFFFF70] =	vst v2;
	v2 =	vmul.f32 v63, v3  }
0x3c8: {  	[tilespmem:s24+$0xFFFFFFF0] =	vst v1  }
0x3c9: {  	s20 =	sadd.s32 s4, s20;
	[tilespmem:s24+$0x70] =	vst v2  }
0x3ca: {  	[hbm4b:s20+s5] =	stream.linear.scatter [tilespmem:s15], [sflag:$0x4], $0x3200, $0x38;
	[tilespmem:$0x1F400] =	vst v63  }
.LBB2_10:
0x3cb: {  	_ =	sfence.sel $0x180000  }
0x3cc: {  	[bflag:$0x0] =	sbarrier.arrive $0xFFFF  }
0x3cd: {  	p0 =	sne.s32 s1, $0x0;
	_ =	strace $0x90000047  }
0x3ce: {  	s0 =	sadd.s32 @!p0 $0x100000, s0;
	[bflag:$0x2] =	sbarrier.arrive $0xFFFF  }
0x3cf: {  	[sflag:s0] =	ssyncadd.tile.s32 @!p0 $0x1;
	_ =	shalt  }
.Lfunc_end2:
_tile_overlayer_lowered:
.L_overlay_start_2:
0x3d0: {  	(tag) =	ssettag $0x2  }
0x3d1: {  	s0 =	rddreg [dreg:$0x0];
	s2 =	stileid.u32  }
0x3d2: {  	s1 =	rddreg [dreg:$0x1];
	p0 =	sne.s32 s2, $0x0  }
0x3d3: {  	s3 =	rddreg [dreg:$0x2];
	[bflag:$0x3] =	sbarrier.arrive $0xFFFF;
	s2 =	simm.s32 @!p0 $0x1C05  }
0x3d4: {  	[timem:s3], [sflag:s2] =	dma.local @!p0 [hbm:s0], s1  }
0x3d5: {  	s0 =	simm.s32 @!p0 $0x5  }
0x3d6: {  	_ =	swait.ge @!p0 [sflag:s0], s1  }
0x3d7: {  	s1 =	ssub.s32 @!p0 $0x0, s1;
	[sflag:s0] =	ssyncset.done @!p0 $0x0  }
0x3d8: {  	[sflag:s0] =	ssyncadd.s32 @!p0 s1  }
0x3d9: {  	[bflag:$0x3] =	sbarrier.arrive $0xFFFF  }
0x3da: {  	_ =	shalt  }

</sc_bundles>
